<compile_context>
chip_gen: v7x
topology: tpu7x:2x2x1
jax: 0.10.2.dev20260603
libtpu: 0.0.44.dev20260713+nightly
codegen_flags: <defaults>
</compile_context>

<pallas_src>
import functools

import jax
import jax.numpy as jnp
from jax import lax
from jax.experimental import pallas as pl
from jax.experimental.pallas import tpu as pltpu
from jax.experimental.pallas import tpu_sc as plsc

_D = 2048
_E = 16
_T = 16384
_BLK = 1024

_NC = 2
_NS = 16
_L = 16
_NW = _NC * _NS

_NEG = -3e38


def _logits_body(x_ref, wt_ref, b_ref, out_ref):
    out_ref[...] = jnp.dot(x_ref[...], wt_ref[...],
                           preferred_element_type=jnp.float32) + b_ref[...]


def _compute_logits(x_flat, wt, b2d, n_tok, tok_off):
    blk_off = tok_off // _BLK
    return pl.pallas_call(
        _logits_body,
        grid=(n_tok // _BLK,),
        in_specs=[
            pl.BlockSpec((_BLK, _D), lambda i: (i + blk_off, 0)),
            pl.BlockSpec((_D, _E), lambda i: (0, 0)),
            pl.BlockSpec((1, _E), lambda i: (0, 0)),
        ],
        out_specs=pl.BlockSpec((_BLK, _E), lambda i: (i, 0)),
        out_shape=jax.ShapeDtypeStruct((n_tok, _E), jnp.float32),
        compiler_params=pltpu.CompilerParams(
            dimension_semantics=("parallel",)),
    )(x_flat, wt, b2d)


@functools.lru_cache(maxsize=None)
def _make_routing(n_tok):
    tpw = n_tok // _NW
    ng = tpw // _L

    def body(logits_hbm, disp_hbm, buf_in, buf_out):
        wid = lax.axis_index("s") * _NC + lax.axis_index("c")
        base = wid * tpw * _E
        pltpu.sync_copy(logits_hbm.at[pl.ds(base, tpw * _E)], buf_in)

        lane16 = lax.broadcasted_iota(jnp.int32, (_L,), 0) * _E

        def group(g, carry):
            flat0 = g * (_L * _E) + lane16
            ls = [plsc.load_gather(buf_in, [flat0 + e]) for e in range(_E)]
            m1 = ls[0]
            for e in range(1, _E):
                m1 = jnp.maximum(m1, ls[e])
            i1 = jnp.full((_L,), _E, jnp.int32)
            for e in range(_E - 1, -1, -1):
                i1 = jnp.where(ls[e] == m1, e, i1)
            m2 = jnp.full((_L,), _NEG, jnp.float32)
            for e in range(_E):
                m2 = jnp.maximum(m2, jnp.where(i1 == e, _NEG, ls[e]))
            i2 = jnp.full((_L,), _E, jnp.int32)
            for e in range(_E - 1, -1, -1):
                i2 = jnp.where((ls[e] == m2) & (i1 != e), e, i2)
            s = jnp.exp(m2 - m1)
            denom = 1.0 + s
            v1 = 1.0 / denom
            v2 = s / denom
            zero = jnp.zeros((_L,), jnp.float32)
            for e in range(_E):
                val = jnp.where(i1 == e, v1, jnp.where(i2 == e, v2, zero))
                plsc.store_scatter(buf_out, [flat0 + e], val)
            return carry

        lax.fori_loop(0, ng, group, 0)
        pltpu.sync_copy(buf_out, disp_hbm.at[pl.ds(base, tpw * _E)])

    return pl.kernel(
        body,
        out_type=jax.ShapeDtypeStruct((n_tok * _E,), jnp.float32),
        mesh=plsc.VectorSubcoreMesh(core_axis_name="c", subcore_axis_name="s"),
        compiler_params=pltpu.CompilerParams(needs_layout_passes=False),
        scratch_types=[
            pltpu.VMEM((tpw * _E,), jnp.float32),
            pltpu.VMEM((tpw * _E,), jnp.float32),
        ],
    )


_CHUNKS = (8192, 8192)


def kernel(x, W, b):
    x_flat = x.reshape(-1, _D)
    wt = W.T
    b2d = b.reshape(1, _E)
    logits_parts = []
    disp_parts = []
    off = 0
    for ctok in _CHUNKS:
        lg = _compute_logits(x_flat, wt, b2d, ctok, off)
        logits_parts.append(lg)
        disp_parts.append(_make_routing(ctok)(lg.reshape(-1)).reshape(ctok, _E))
        off += ctok
    logits = jnp.concatenate(logits_parts, axis=0)
    dispatch = jnp.concatenate(disp_parts, axis=0)
    mask = dispatch > 0
    return (logits, dispatch, mask)

# --- scband reference (transcript-rebuilt; emitter-appended) ---
"""Pipeline reference for scband-router-89172111000181 (READ-ONLY COPY).

The authoritative reference and input builder live on the scoring server;
editing this copy changes nothing except your own understanding.
"""

import jax, jax.numpy as jnp
import numpy as np

INPUT_DIM = 2048
NUM_EXPERTS = 16
TOP_K = 2


def setup_inputs(seed: int = 0) -> dict:
    key = jax.random.key(seed)
    k1, k2, k3 = jax.random.split(key, 3)
    x = jax.random.normal(k1, (4, 4096, INPUT_DIM), dtype=jnp.float32)
    # nn.Linear(input_dim, num_experts): weight [E, D], bias [E]
    bound = 1.0 / np.sqrt(INPUT_DIM)
    W = jax.random.uniform(k2, (NUM_EXPERTS, INPUT_DIM), dtype=jnp.float32, minval=-bound, maxval=bound)
    b = jax.random.uniform(k3, (NUM_EXPERTS,), dtype=jnp.float32, minval=-bound, maxval=bound)
    return {"x": x, "W": W, "b": b}


def reference(x, W, b):
    batch_size, seq_len, _ = x.shape
    x_flat = x.reshape(-1, INPUT_DIM)
    router_logits = x_flat @ W.T + b
    router_probs = jax.nn.softmax(router_logits, axis=-1)
    top_k_probs, top_k_indices = jax.lax.top_k(router_probs, TOP_K)
    top_k_probs = top_k_probs / jnp.sum(top_k_probs, axis=-1, keepdims=True)
    n_tokens = router_probs.shape[0]
    token_indices = jnp.broadcast_to(jnp.arange(n_tokens)[:, None], (n_tokens, TOP_K))
    dispatch_tensor = jnp.zeros_like(router_probs).at[token_indices, top_k_indices].set(top_k_probs)
    # expert_indices in the torch code is a list of variable-length index tensors;
    # represent it as a fixed-shape boolean membership mask [n_tokens, num_experts].
    expert_mask = dispatch_tensor > 0
    return (router_logits, dispatch_tensor, expert_mask)

if __name__ == "__main__":
    import jax
    _d = setup_inputs()
    print(jax.jit(kernel)(*tuple(_d.values())))

</pallas_src>

<mosaic_0001>
#map = affine_map<(d0, d1) -> (0)>
module attributes {stable_mosaic.version = 14 : i64} {
  func.func @body(%arg0: i32, %arg1: i32, %arg2: memref<131072xf32, #tpu.memory_space<hbm>>, %arg3: memref<131072xf32, #tpu.memory_space<hbm>>, %arg4: memref<4096xf32, #tpu.memory_space<vmem>>, %arg5: memref<4096xf32, #tpu.memory_space<vmem>>) attributes {dimension_semantics = [#tpu.dimension_semantics<core_parallel>, #tpu.dimension_semantics<subcore_parallel>], iteration_bounds = array<i64: 2, 16>, scalar_prefetch = 0 : i64, scratch_operands = 2 : i64, tpu.core_type = #tpu.core_type<sc_vector_subcore>, window_params = [{transform_indices = #map}, {transform_indices = #map}]} {
    %mul3A = arith.constant 2 : i32
    %mul3A_0 = arith.muli %arg1, %mul3A : i32
    %add3A = arith.addi %mul3A_0, %arg0 : i32
    %mul3A_1 = arith.constant 256 : i32
    %mul3A_2 = arith.muli %add3A, %mul3A_1 : i32
    %mul3A_3 = arith.constant 16 : i32
    %mul3A_4 = arith.muli %mul3A_2, %mul3A_3 : i32
    "tpu.region"() ({
      %run_scoped3A = tpu.sem_alloc : memref<!tpu.dma_semaphore, #tpu.memory_space<semaphore_mem>>
      %dma_start3A = tpu.memref_slice %arg2[%mul3A_4] : memref<131072xf32, #tpu.memory_space<hbm>> -> memref<4096xf32, #tpu.memory_space<hbm>>
      %dma_start3A_13 = tpu.memref_slice %arg2[%mul3A_4] : memref<131072xf32, #tpu.memory_space<hbm>> -> memref<4096xf32, #tpu.memory_space<hbm>>
      tpu.enqueue_dma source(%dma_start3A_13 : memref<4096xf32, #tpu.memory_space<hbm>>) target(%arg4 : memref<4096xf32, #tpu.memory_space<vmem>>) target_semaphore(%run_scoped3A : memref<!tpu.dma_semaphore, #tpu.memory_space<semaphore_mem>>)
      %dma_wait3A = tpu.memref_slice %arg2[%mul3A_4] : memref<131072xf32, #tpu.memory_space<hbm>> -> memref<4096xf32, #tpu.memory_space<hbm>>
      %dma_wait3A_14 = tpu.memref_slice %arg2[%mul3A_4] : memref<131072xf32, #tpu.memory_space<hbm>> -> memref<4096xf32, #tpu.memory_space<hbm>>
      tpu.wait_dma2 semaphore(%run_scoped3A : memref<!tpu.dma_semaphore, #tpu.memory_space<semaphore_mem>>) src(%dma_wait3A_14 : memref<4096xf32, #tpu.memory_space<hbm>>) dst(%arg4 : memref<4096xf32, #tpu.memory_space<vmem>>)
      tpu.yield
    }) : () -> ()
    %iota3A = tpu.iota {dimensions = array<i32: 0>} : vector<16xi32>
    %mul3A_5 = arith.constant 16 : i32
    %mul3A_6 = vector.broadcast %mul3A_5 : i32 to vector<16xi32>
    %mul3A_7 = arith.muli %iota3A, %mul3A_6 : vector<16xi32>
    %scan3A = arith.constant 0 : i32
    %scan3A_8 = arith.constant 0 : i32
    %scan3A_9 = arith.constant 16 : i32
    %scan3A_10 = arith.addi %scan3A_8, %scan3A_9 : i32
    %scan3A_11 = arith.constant 1 : i32
    scf.for %scan3A_13 = %scan3A_8 to %scan3A_10 step %scan3A_11  : i32 {
      %mul3A_14 = arith.constant 256 : i32
      %mul3A_15 = arith.muli %scan3A_13, %mul3A_14 : i32
      %add3A_16 = vector.broadcast %mul3A_15 : i32 to vector<16xi32>
      %add3A_17 = arith.addi %add3A_16, %mul3A_7 : vector<16xi32>
      %add3A_18 = arith.constant 0 : i32
      %add3A_19 = vector.broadcast %add3A_18 : i32 to vector<16xi32>
      %add3A_20 = arith.addi %add3A_17, %add3A_19 : vector<16xi32>
      %gather3A = tpu.vector_load_idx %arg4[%add3A_20] : memref<4096xf32, #tpu.memory_space<vmem>>[vector<16xi32>], vector<16xf32>,
      %add3A_21 = arith.constant 1 : i32
      %add3A_22 = vector.broadcast %add3A_21 : i32 to vector<16xi32>
      %add3A_23 = arith.addi %add3A_17, %add3A_22 : vector<16xi32>
      %gather3A_24 = tpu.vector_load_idx %arg4[%add3A_23] : memref<4096xf32, #tpu.memory_space<vmem>>[vector<16xi32>], vector<16xf32>,
      %add3A_25 = arith.constant 2 : i32
      %add3A_26 = vector.broadcast %add3A_25 : i32 to vector<16xi32>
      %add3A_27 = arith.addi %add3A_17, %add3A_26 : vector<16xi32>
      %gather3A_28 = tpu.vector_load_idx %arg4[%add3A_27] : memref<4096xf32, #tpu.memory_space<vmem>>[vector<16xi32>], vector<16xf32>,
      %add3A_29 = arith.constant 3 : i32
      %add3A_30 = vector.broadcast %add3A_29 : i32 to vector<16xi32>
      %add3A_31 = arith.addi %add3A_17, %add3A_30 : vector<16xi32>
      %gather3A_32 = tpu.vector_load_idx %arg4[%add3A_31] : memref<4096xf32, #tpu.memory_space<vmem>>[vector<16xi32>], vector<16xf32>,
      %add3A_33 = arith.constant 4 : i32
      %add3A_34 = vector.broadcast %add3A_33 : i32 to vector<16xi32>
      %add3A_35 = arith.addi %add3A_17, %add3A_34 : vector<16xi32>
      %gather3A_36 = tpu.vector_load_idx %arg4[%add3A_35] : memref<4096xf32, #tpu.memory_space<vmem>>[vector<16xi32>], vector<16xf32>,
      %add3A_37 = arith.constant 5 : i32
      %add3A_38 = vector.broadcast %add3A_37 : i32 to vector<16xi32>
      %add3A_39 = arith.addi %add3A_17, %add3A_38 : vector<16xi32>
      %gather3A_40 = tpu.vector_load_idx %arg4[%add3A_39] : memref<4096xf32, #tpu.memory_space<vmem>>[vector<16xi32>], vector<16xf32>,
      %add3A_41 = arith.constant 6 : i32
      %add3A_42 = vector.broadcast %add3A_41 : i32 to vector<16xi32>
      %add3A_43 = arith.addi %add3A_17, %add3A_42 : vector<16xi32>
      %gather3A_44 = tpu.vector_load_idx %arg4[%add3A_43] : memref<4096xf32, #tpu.memory_space<vmem>>[vector<16xi32>], vector<16xf32>,
      %add3A_45 = arith.constant 7 : i32
      %add3A_46 = vector.broadcast %add3A_45 : i32 to vector<16xi32>
      %add3A_47 = arith.addi %add3A_17, %add3A_46 : vector<16xi32>
      %gather3A_48 = tpu.vector_load_idx %arg4[%add3A_47] : memref<4096xf32, #tpu.memory_space<vmem>>[vector<16xi32>], vector<16xf32>,
      %add3A_49 = arith.constant 8 : i32
      %add3A_50 = vector.broadcast %add3A_49 : i32 to vector<16xi32>
      %add3A_51 = arith.addi %add3A_17, %add3A_50 : vector<16xi32>
      %gather3A_52 = tpu.vector_load_idx %arg4[%add3A_51] : memref<4096xf32, #tpu.memory_space<vmem>>[vector<16xi32>], vector<16xf32>,
      %add3A_53 = arith.constant 9 : i32
      %add3A_54 = vector.broadcast %add3A_53 : i32 to vector<16xi32>
      %add3A_55 = arith.addi %add3A_17, %add3A_54 : vector<16xi32>
      %gather3A_56 = tpu.vector_load_idx %arg4[%add3A_55] : memref<4096xf32, #tpu.memory_space<vmem>>[vector<16xi32>], vector<16xf32>,
      %add3A_57 = arith.constant 10 : i32
      %add3A_58 = vector.broadcast %add3A_57 : i32 to vector<16xi32>
      %add3A_59 = arith.addi %add3A_17, %add3A_58 : vector<16xi32>
      %gather3A_60 = tpu.vector_load_idx %arg4[%add3A_59] : memref<4096xf32, #tpu.memory_space<vmem>>[vector<16xi32>], vector<16xf32>,
      %add3A_61 = arith.constant 11 : i32
      %add3A_62 = vector.broadcast %add3A_61 : i32 to vector<16xi32>
      %add3A_63 = arith.addi %add3A_17, %add3A_62 : vector<16xi32>
      %gather3A_64 = tpu.vector_load_idx %arg4[%add3A_63] : memref<4096xf32, #tpu.memory_space<vmem>>[vector<16xi32>], vector<16xf32>,
      %add3A_65 = arith.constant 12 : i32
      %add3A_66 = vector.broadcast %add3A_65 : i32 to vector<16xi32>
      %add3A_67 = arith.addi %add3A_17, %add3A_66 : vector<16xi32>
      %gather3A_68 = tpu.vector_load_idx %arg4[%add3A_67] : memref<4096xf32, #tpu.memory_space<vmem>>[vector<16xi32>], vector<16xf32>,
      %add3A_69 = arith.constant 13 : i32
      %add3A_70 = vector.broadcast %add3A_69 : i32 to vector<16xi32>
      %add3A_71 = arith.addi %add3A_17, %add3A_70 : vector<16xi32>
      %gather3A_72 = tpu.vector_load_idx %arg4[%add3A_71] : memref<4096xf32, #tpu.memory_space<vmem>>[vector<16xi32>], vector<16xf32>,
      %add3A_73 = arith.constant 14 : i32
      %add3A_74 = vector.broadcast %add3A_73 : i32 to vector<16xi32>
      %add3A_75 = arith.addi %add3A_17, %add3A_74 : vector<16xi32>
      %gather3A_76 = tpu.vector_load_idx %arg4[%add3A_75] : memref<4096xf32, #tpu.memory_space<vmem>>[vector<16xi32>], vector<16xf32>,
      %add3A_77 = arith.constant 15 : i32
      %add3A_78 = vector.broadcast %add3A_77 : i32 to vector<16xi32>
      %add3A_79 = arith.addi %add3A_17, %add3A_78 : vector<16xi32>
      %gather3A_80 = tpu.vector_load_idx %arg4[%add3A_79] : memref<4096xf32, #tpu.memory_space<vmem>>[vector<16xi32>], vector<16xf32>,
      %max3A = arith.maximumf %gather3A, %gather3A_24 : vector<16xf32>
      %max3A_81 = arith.maximumf %max3A, %gather3A_28 : vector<16xf32>
      %max3A_82 = arith.maximumf %max3A_81, %gather3A_32 : vector<16xf32>
      %max3A_83 = arith.maximumf %max3A_82, %gather3A_36 : vector<16xf32>
      %max3A_84 = arith.maximumf %max3A_83, %gather3A_40 : vector<16xf32>
      %max3A_85 = arith.maximumf %max3A_84, %gather3A_44 : vector<16xf32>
      %max3A_86 = arith.maximumf %max3A_85, %gather3A_48 : vector<16xf32>
      %max3A_87 = arith.maximumf %max3A_86, %gather3A_52 : vector<16xf32>
      %max3A_88 = arith.maximumf %max3A_87, %gather3A_56 : vector<16xf32>
      %max3A_89 = arith.maximumf %max3A_88, %gather3A_60 : vector<16xf32>
      %max3A_90 = arith.maximumf %max3A_89, %gather3A_64 : vector<16xf32>
      %max3A_91 = arith.maximumf %max3A_90, %gather3A_68 : vector<16xf32>
      %max3A_92 = arith.maximumf %max3A_91, %gather3A_72 : vector<16xf32>
      %max3A_93 = arith.maximumf %max3A_92, %gather3A_76 : vector<16xf32>
      %max3A_94 = arith.maximumf %max3A_93, %gather3A_80 : vector<16xf32>
      %broadcast_in_dim3A = arith.constant 16 : i32
      %broadcast_in_dim3A_95 = vector.broadcast %broadcast_in_dim3A : i32 to vector<16xi32>
      %eq3A = arith.cmpf oeq, %gather3A_80, %max3A_94 : vector<16xf32>
      %jit3A = arith.constant 15 : i32
      %broadcast_in_dim3A_96 = vector.broadcast %jit3A : i32 to vector<16xi32>
      %select_n3A = arith.select %eq3A, %broadcast_in_dim3A_96, %broadcast_in_dim3A_95 : vector<16xi1>, vector<16xi32>
      %eq3A_97 = arith.cmpf oeq, %gather3A_76, %max3A_94 : vector<16xf32>
      %jit3A_98 = arith.constant 14 : i32
      %broadcast_in_dim3A_99 = vector.broadcast %jit3A_98 : i32 to vector<16xi32>
      %select_n3A_100 = arith.select %eq3A_97, %broadcast_in_dim3A_99, %select_n3A : vector<16xi1>, vector<16xi32>
      %eq3A_101 = arith.cmpf oeq, %gather3A_72, %max3A_94 : vector<16xf32>
      %jit3A_102 = arith.constant 13 : i32
      %broadcast_in_dim3A_103 = vector.broadcast %jit3A_102 : i32 to vector<16xi32>
      %select_n3A_104 = arith.select %eq3A_101, %broadcast_in_dim3A_103, %select_n3A_100 : vector<16xi1>, vector<16xi32>
      %eq3A_105 = arith.cmpf oeq, %gather3A_68, %max3A_94 : vector<16xf32>
      %jit3A_106 = arith.constant 12 : i32
      %broadcast_in_dim3A_107 = vector.broadcast %jit3A_106 : i32 to vector<16xi32>
      %select_n3A_108 = arith.select %eq3A_105, %broadcast_in_dim3A_107, %select_n3A_104 : vector<16xi1>, vector<16xi32>
      %eq3A_109 = arith.cmpf oeq, %gather3A_64, %max3A_94 : vector<16xf32>
      %jit3A_110 = arith.constant 11 : i32
      %broadcast_in_dim3A_111 = vector.broadcast %jit3A_110 : i32 to vector<16xi32>
      %select_n3A_112 = arith.select %eq3A_109, %broadcast_in_dim3A_111, %select_n3A_108 : vector<16xi1>, vector<16xi32>
      %eq3A_113 = arith.cmpf oeq, %gather3A_60, %max3A_94 : vector<16xf32>
      %jit3A_114 = arith.constant 10 : i32
      %broadcast_in_dim3A_115 = vector.broadcast %jit3A_114 : i32 to vector<16xi32>
      %select_n3A_116 = arith.select %eq3A_113, %broadcast_in_dim3A_115, %select_n3A_112 : vector<16xi1>, vector<16xi32>
      %eq3A_117 = arith.cmpf oeq, %gather3A_56, %max3A_94 : vector<16xf32>
      %jit3A_118 = arith.constant 9 : i32
      %broadcast_in_dim3A_119 = vector.broadcast %jit3A_118 : i32 to vector<16xi32>
      %select_n3A_120 = arith.select %eq3A_117, %broadcast_in_dim3A_119, %select_n3A_116 : vector<16xi1>, vector<16xi32>
      %eq3A_121 = arith.cmpf oeq, %gather3A_52, %max3A_94 : vector<16xf32>
      %jit3A_122 = arith.constant 8 : i32
      %broadcast_in_dim3A_123 = vector.broadcast %jit3A_122 : i32 to vector<16xi32>
      %select_n3A_124 = arith.select %eq3A_121, %broadcast_in_dim3A_123, %select_n3A_120 : vector<16xi1>, vector<16xi32>
      %eq3A_125 = arith.cmpf oeq, %gather3A_48, %max3A_94 : vector<16xf32>
      %jit3A_126 = arith.constant 7 : i32
      %broadcast_in_dim3A_127 = vector.broadcast %jit3A_126 : i32 to vector<16xi32>
      %select_n3A_128 = arith.select %eq3A_125, %broadcast_in_dim3A_127, %select_n3A_124 : vector<16xi1>, vector<16xi32>
      %eq3A_129 = arith.cmpf oeq, %gather3A_44, %max3A_94 : vector<16xf32>
      %jit3A_130 = arith.constant 6 : i32
      %broadcast_in_dim3A_131 = vector.broadcast %jit3A_130 : i32 to vector<16xi32>
      %select_n3A_132 = arith.select %eq3A_129, %broadcast_in_dim3A_131, %select_n3A_128 : vector<16xi1>, vector<16xi32>
      %eq3A_133 = arith.cmpf oeq, %gather3A_40, %max3A_94 : vector<16xf32>
      %jit3A_134 = arith.constant 5 : i32
      %broadcast_in_dim3A_135 = vector.broadcast %jit3A_134 : i32 to vector<16xi32>
      %select_n3A_136 = arith.select %eq3A_133, %broadcast_in_dim3A_135, %select_n3A_132 : vector<16xi1>, vector<16xi32>
      %eq3A_137 = arith.cmpf oeq, %gather3A_36, %max3A_94 : vector<16xf32>
      %jit3A_138 = arith.constant 4 : i32
      %broadcast_in_dim3A_139 = vector.broadcast %jit3A_138 : i32 to vector<16xi32>
      %select_n3A_140 = arith.select %eq3A_137, %broadcast_in_dim3A_139, %select_n3A_136 : vector<16xi1>, vector<16xi32>
      %eq3A_141 = arith.cmpf oeq, %gather3A_32, %max3A_94 : vector<16xf32>
      %jit3A_142 = arith.constant 3 : i32
      %broadcast_in_dim3A_143 = vector.broadcast %jit3A_142 : i32 to vector<16xi32>
      %select_n3A_144 = arith.select %eq3A_141, %broadcast_in_dim3A_143, %select_n3A_140 : vector<16xi1>, vector<16xi32>
      %eq3A_145 = arith.cmpf oeq, %gather3A_28, %max3A_94 : vector<16xf32>
      %jit3A_146 = arith.constant 2 : i32
      %broadcast_in_dim3A_147 = vector.broadcast %jit3A_146 : i32 to vector<16xi32>
      %select_n3A_148 = arith.select %eq3A_145, %broadcast_in_dim3A_147, %select_n3A_144 : vector<16xi1>, vector<16xi32>
      %eq3A_149 = arith.cmpf oeq, %gather3A_24, %max3A_94 : vector<16xf32>
      %jit3A_150 = arith.constant 1 : i32
      %broadcast_in_dim3A_151 = vector.broadcast %jit3A_150 : i32 to vector<16xi32>
      %select_n3A_152 = arith.select %eq3A_149, %broadcast_in_dim3A_151, %select_n3A_148 : vector<16xi1>, vector<16xi32>
      %eq3A_153 = arith.cmpf oeq, %gather3A, %max3A_94 : vector<16xf32>
      %jit3A_154 = arith.constant 0 : i32
      %broadcast_in_dim3A_155 = vector.broadcast %jit3A_154 : i32 to vector<16xi32>
      %select_n3A_156 = arith.select %eq3A_153, %broadcast_in_dim3A_155, %select_n3A_152 : vector<16xi1>, vector<16xi32>
      %broadcast_in_dim3A_157 = arith.constant -3.000000e+38 : f32
      %broadcast_in_dim3A_158 = vector.broadcast %broadcast_in_dim3A_157 : f32 to vector<16xf32>
      %eq3A_159 = arith.constant 0 : i32
      %eq3A_160 = vector.broadcast %eq3A_159 : i32 to vector<16xi32>
      %eq3A_161 = arith.cmpi eq, %select_n3A_156, %eq3A_160 : vector<16xi32>
      %jit3A_162 = arith.constant -3.000000e+38 : f32
      %broadcast_in_dim3A_163 = vector.broadcast %jit3A_162 : f32 to vector<16xf32>
      %select_n3A_164 = arith.select %eq3A_161, %broadcast_in_dim3A_163, %gather3A : vector<16xi1>, vector<16xf32>
      %max3A_165 = arith.maximumf %broadcast_in_dim3A_158, %select_n3A_164 : vector<16xf32>
      %eq3A_166 = arith.constant 1 : i32
      %eq3A_167 = vector.broadcast %eq3A_166 : i32 to vector<16xi32>
      %eq3A_168 = arith.cmpi eq, %select_n3A_156, %eq3A_167 : vector<16xi32>
      %jit3A_169 = arith.constant -3.000000e+38 : f32
      %broadcast_in_dim3A_170 = vector.broadcast %jit3A_169 : f32 to vector<16xf32>
      %select_n3A_171 = arith.select %eq3A_168, %broadcast_in_dim3A_170, %gather3A_24 : vector<16xi1>, vector<16xf32>
      %max3A_172 = arith.maximumf %max3A_165, %select_n3A_171 : vector<16xf32>
      %eq3A_173 = arith.constant 2 : i32
      %eq3A_174 = vector.broadcast %eq3A_173 : i32 to vector<16xi32>
      %eq3A_175 = arith.cmpi eq, %select_n3A_156, %eq3A_174 : vector<16xi32>
      %jit3A_176 = arith.constant -3.000000e+38 : f32
      %broadcast_in_dim3A_177 = vector.broadcast %jit3A_176 : f32 to vector<16xf32>
      %select_n3A_178 = arith.select %eq3A_175, %broadcast_in_dim3A_177, %gather3A_28 : vector<16xi1>, vector<16xf32>
      %max3A_179 = arith.maximumf %max3A_172, %select_n3A_178 : vector<16xf32>
      %eq3A_180 = arith.constant 3 : i32
      %eq3A_181 = vector.broadcast %eq3A_180 : i32 to vector<16xi32>
      %eq3A_182 = arith.cmpi eq, %select_n3A_156, %eq3A_181 : vector<16xi32>
      %jit3A_183 = arith.constant -3.000000e+38 : f32
      %broadcast_in_dim3A_184 = vector.broadcast %jit3A_183 : f32 to vector<16xf32>
      %select_n3A_185 = arith.select %eq3A_182, %broadcast_in_dim3A_184, %gather3A_32 : vector<16xi1>, vector<16xf32>
      %max3A_186 = arith.maximumf %max3A_179, %select_n3A_185 : vector<16xf32>
      %eq3A_187 = arith.constant 4 : i32
      %eq3A_188 = vector.broadcast %eq3A_187 : i32 to vector<16xi32>
      %eq3A_189 = arith.cmpi eq, %select_n3A_156, %eq3A_188 : vector<16xi32>
      %jit3A_190 = arith.constant -3.000000e+38 : f32
      %broadcast_in_dim3A_191 = vector.broadcast %jit3A_190 : f32 to vector<16xf32>
      %select_n3A_192 = arith.select %eq3A_189, %broadcast_in_dim3A_191, %gather3A_36 : vector<16xi1>, vector<16xf32>
      %max3A_193 = arith.maximumf %max3A_186, %select_n3A_192 : vector<16xf32>
      %eq3A_194 = arith.constant 5 : i32
      %eq3A_195 = vector.broadcast %eq3A_194 : i32 to vector<16xi32>
      %eq3A_196 = arith.cmpi eq, %select_n3A_156, %eq3A_195 : vector<16xi32>
      %jit3A_197 = arith.constant -3.000000e+38 : f32
      %broadcast_in_dim3A_198 = vector.broadcast %jit3A_197 : f32 to vector<16xf32>
      %select_n3A_199 = arith.select %eq3A_196, %broadcast_in_dim3A_198, %gather3A_40 : vector<16xi1>, vector<16xf32>
      %max3A_200 = arith.maximumf %max3A_193, %select_n3A_199 : vector<16xf32>
      %eq3A_201 = arith.constant 6 : i32
      %eq3A_202 = vector.broadcast %eq3A_201 : i32 to vector<16xi32>
      %eq3A_203 = arith.cmpi eq, %select_n3A_156, %eq3A_202 : vector<16xi32>
      %jit3A_204 = arith.constant -3.000000e+38 : f32
      %broadcast_in_dim3A_205 = vector.broadcast %jit3A_204 : f32 to vector<16xf32>
      %select_n3A_206 = arith.select %eq3A_203, %broadcast_in_dim3A_205, %gather3A_44 : vector<16xi1>, vector<16xf32>
      %max3A_207 = arith.maximumf %max3A_200, %select_n3A_206 : vector<16xf32>
      %eq3A_208 = arith.constant 7 : i32
      %eq3A_209 = vector.broadcast %eq3A_208 : i32 to vector<16xi32>
      %eq3A_210 = arith.cmpi eq, %select_n3A_156, %eq3A_209 : vector<16xi32>
      %jit3A_211 = arith.constant -3.000000e+38 : f32
      %broadcast_in_dim3A_212 = vector.broadcast %jit3A_211 : f32 to vector<16xf32>
      %select_n3A_213 = arith.select %eq3A_210, %broadcast_in_dim3A_212, %gather3A_48 : vector<16xi1>, vector<16xf32>
      %max3A_214 = arith.maximumf %max3A_207, %select_n3A_213 : vector<16xf32>
      %eq3A_215 = arith.constant 8 : i32
      %eq3A_216 = vector.broadcast %eq3A_215 : i32 to vector<16xi32>
      %eq3A_217 = arith.cmpi eq, %select_n3A_156, %eq3A_216 : vector<16xi32>
      %jit3A_218 = arith.constant -3.000000e+38 : f32
      %broadcast_in_dim3A_219 = vector.broadcast %jit3A_218 : f32 to vector<16xf32>
      %select_n3A_220 = arith.select %eq3A_217, %broadcast_in_dim3A_219, %gather3A_52 : vector<16xi1>, vector<16xf32>
      %max3A_221 = arith.maximumf %max3A_214, %select_n3A_220 : vector<16xf32>
      %eq3A_222 = arith.constant 9 : i32
      %eq3A_223 = vector.broadcast %eq3A_222 : i32 to vector<16xi32>
      %eq3A_224 = arith.cmpi eq, %select_n3A_156, %eq3A_223 : vector<16xi32>
      %jit3A_225 = arith.constant -3.000000e+38 : f32
      %broadcast_in_dim3A_226 = vector.broadcast %jit3A_225 : f32 to vector<16xf32>
      %select_n3A_227 = arith.select %eq3A_224, %broadcast_in_dim3A_226, %gather3A_56 : vector<16xi1>, vector<16xf32>
      %max3A_228 = arith.maximumf %max3A_221, %select_n3A_227 : vector<16xf32>
      %eq3A_229 = arith.constant 10 : i32
      %eq3A_230 = vector.broadcast %eq3A_229 : i32 to vector<16xi32>
      %eq3A_231 = arith.cmpi eq, %select_n3A_156, %eq3A_230 : vector<16xi32>
      %jit3A_232 = arith.constant -3.000000e+38 : f32
      %broadcast_in_dim3A_233 = vector.broadcast %jit3A_232 : f32 to vector<16xf32>
      %select_n3A_234 = arith.select %eq3A_231, %broadcast_in_dim3A_233, %gather3A_60 : vector<16xi1>, vector<16xf32>
      %max3A_235 = arith.maximumf %max3A_228, %select_n3A_234 : vector<16xf32>
      %eq3A_236 = arith.constant 11 : i32
      %eq3A_237 = vector.broadcast %eq3A_236 : i32 to vector<16xi32>
      %eq3A_238 = arith.cmpi eq, %select_n3A_156, %eq3A_237 : vector<16xi32>
      %jit3A_239 = arith.constant -3.000000e+38 : f32
      %broadcast_in_dim3A_240 = vector.broadcast %jit3A_239 : f32 to vector<16xf32>
      %select_n3A_241 = arith.select %eq3A_238, %broadcast_in_dim3A_240, %gather3A_64 : vector<16xi1>, vector<16xf32>
      %max3A_242 = arith.maximumf %max3A_235, %select_n3A_241 : vector<16xf32>
      %eq3A_243 = arith.constant 12 : i32
      %eq3A_244 = vector.broadcast %eq3A_243 : i32 to vector<16xi32>
      %eq3A_245 = arith.cmpi eq, %select_n3A_156, %eq3A_244 : vector<16xi32>
      %jit3A_246 = arith.constant -3.000000e+38 : f32
      %broadcast_in_dim3A_247 = vector.broadcast %jit3A_246 : f32 to vector<16xf32>
      %select_n3A_248 = arith.select %eq3A_245, %broadcast_in_dim3A_247, %gather3A_68 : vector<16xi1>, vector<16xf32>
      %max3A_249 = arith.maximumf %max3A_242, %select_n3A_248 : vector<16xf32>
      %eq3A_250 = arith.constant 13 : i32
      %eq3A_251 = vector.broadcast %eq3A_250 : i32 to vector<16xi32>
      %eq3A_252 = arith.cmpi eq, %select_n3A_156, %eq3A_251 : vector<16xi32>
      %jit3A_253 = arith.constant -3.000000e+38 : f32
      %broadcast_in_dim3A_254 = vector.broadcast %jit3A_253 : f32 to vector<16xf32>
      %select_n3A_255 = arith.select %eq3A_252, %broadcast_in_dim3A_254, %gather3A_72 : vector<16xi1>, vector<16xf32>
      %max3A_256 = arith.maximumf %max3A_249, %select_n3A_255 : vector<16xf32>
      %eq3A_257 = arith.constant 14 : i32
      %eq3A_258 = vector.broadcast %eq3A_257 : i32 to vector<16xi32>
      %eq3A_259 = arith.cmpi eq, %select_n3A_156, %eq3A_258 : vector<16xi32>
      %jit3A_260 = arith.constant -3.000000e+38 : f32
      %broadcast_in_dim3A_261 = vector.broadcast %jit3A_260 : f32 to vector<16xf32>
      %select_n3A_262 = arith.select %eq3A_259, %broadcast_in_dim3A_261, %gather3A_76 : vector<16xi1>, vector<16xf32>
      %max3A_263 = arith.maximumf %max3A_256, %select_n3A_262 : vector<16xf32>
      %eq3A_264 = arith.constant 15 : i32
      %eq3A_265 = vector.broadcast %eq3A_264 : i32 to vector<16xi32>
      %eq3A_266 = arith.cmpi eq, %select_n3A_156, %eq3A_265 : vector<16xi32>
      %jit3A_267 = arith.constant -3.000000e+38 : f32
      %broadcast_in_dim3A_268 = vector.broadcast %jit3A_267 : f32 to vector<16xf32>
      %select_n3A_269 = arith.select %eq3A_266, %broadcast_in_dim3A_268, %gather3A_80 : vector<16xi1>, vector<16xf32>
      %max3A_270 = arith.maximumf %max3A_263, %select_n3A_269 : vector<16xf32>
      %broadcast_in_dim3A_271 = arith.constant 16 : i32
      %broadcast_in_dim3A_272 = vector.broadcast %broadcast_in_dim3A_271 : i32 to vector<16xi32>
      %eq3A_273 = arith.cmpf oeq, %gather3A_80, %max3A_270 : vector<16xf32>
      %ne3A = arith.constant 15 : i32
      %ne3A_274 = vector.broadcast %ne3A : i32 to vector<16xi32>
      %ne3A_275 = arith.cmpi ne, %select_n3A_156, %ne3A_274 : vector<16xi32>
      %and3A = arith.andi %eq3A_273, %ne3A_275 : vector<16xi1>
      %jit3A_276 = arith.constant 15 : i32
      %broadcast_in_dim3A_277 = vector.broadcast %jit3A_276 : i32 to vector<16xi32>
      %select_n3A_278 = arith.select %and3A, %broadcast_in_dim3A_277, %broadcast_in_dim3A_272 : vector<16xi1>, vector<16xi32>
      %eq3A_279 = arith.cmpf oeq, %gather3A_76, %max3A_270 : vector<16xf32>
      %ne3A_280 = arith.constant 14 : i32
      %ne3A_281 = vector.broadcast %ne3A_280 : i32 to vector<16xi32>
      %ne3A_282 = arith.cmpi ne, %select_n3A_156, %ne3A_281 : vector<16xi32>
      %and3A_283 = arith.andi %eq3A_279, %ne3A_282 : vector<16xi1>
      %jit3A_284 = arith.constant 14 : i32
      %broadcast_in_dim3A_285 = vector.broadcast %jit3A_284 : i32 to vector<16xi32>
      %select_n3A_286 = arith.select %and3A_283, %broadcast_in_dim3A_285, %select_n3A_278 : vector<16xi1>, vector<16xi32>
      %eq3A_287 = arith.cmpf oeq, %gather3A_72, %max3A_270 : vector<16xf32>
      %ne3A_288 = arith.constant 13 : i32
      %ne3A_289 = vector.broadcast %ne3A_288 : i32 to vector<16xi32>
      %ne3A_290 = arith.cmpi ne, %select_n3A_156, %ne3A_289 : vector<16xi32>
      %and3A_291 = arith.andi %eq3A_287, %ne3A_290 : vector<16xi1>
      %jit3A_292 = arith.constant 13 : i32
      %broadcast_in_dim3A_293 = vector.broadcast %jit3A_292 : i32 to vector<16xi32>
      %select_n3A_294 = arith.select %and3A_291, %broadcast_in_dim3A_293, %select_n3A_286 : vector<16xi1>, vector<16xi32>
      %eq3A_295 = arith.cmpf oeq, %gather3A_68, %max3A_270 : vector<16xf32>
      %ne3A_296 = arith.constant 12 : i32
      %ne3A_297 = vector.broadcast %ne3A_296 : i32 to vector<16xi32>
      %ne3A_298 = arith.cmpi ne, %select_n3A_156, %ne3A_297 : vector<16xi32>
      %and3A_299 = arith.andi %eq3A_295, %ne3A_298 : vector<16xi1>
      %jit3A_300 = arith.constant 12 : i32
      %broadcast_in_dim3A_301 = vector.broadcast %jit3A_300 : i32 to vector<16xi32>
      %select_n3A_302 = arith.select %and3A_299, %broadcast_in_dim3A_301, %select_n3A_294 : vector<16xi1>, vector<16xi32>
      %eq3A_303 = arith.cmpf oeq, %gather3A_64, %max3A_270 : vector<16xf32>
      %ne3A_304 = arith.constant 11 : i32
      %ne3A_305 = vector.broadcast %ne3A_304 : i32 to vector<16xi32>
      %ne3A_306 = arith.cmpi ne, %select_n3A_156, %ne3A_305 : vector<16xi32>
      %and3A_307 = arith.andi %eq3A_303, %ne3A_306 : vector<16xi1>
      %jit3A_308 = arith.constant 11 : i32
      %broadcast_in_dim3A_309 = vector.broadcast %jit3A_308 : i32 to vector<16xi32>
      %select_n3A_310 = arith.select %and3A_307, %broadcast_in_dim3A_309, %select_n3A_302 : vector<16xi1>, vector<16xi32>
      %eq3A_311 = arith.cmpf oeq, %gather3A_60, %max3A_270 : vector<16xf32>
      %ne3A_312 = arith.constant 10 : i32
      %ne3A_313 = vector.broadcast %ne3A_312 : i32 to vector<16xi32>
      %ne3A_314 = arith.cmpi ne, %select_n3A_156, %ne3A_313 : vector<16xi32>
      %and3A_315 = arith.andi %eq3A_311, %ne3A_314 : vector<16xi1>
      %jit3A_316 = arith.constant 10 : i32
      %broadcast_in_dim3A_317 = vector.broadcast %jit3A_316 : i32 to vector<16xi32>
      %select_n3A_318 = arith.select %and3A_315, %broadcast_in_dim3A_317, %select_n3A_310 : vector<16xi1>, vector<16xi32>
      %eq3A_319 = arith.cmpf oeq, %gather3A_56, %max3A_270 : vector<16xf32>
      %ne3A_320 = arith.constant 9 : i32
      %ne3A_321 = vector.broadcast %ne3A_320 : i32 to vector<16xi32>
      %ne3A_322 = arith.cmpi ne, %select_n3A_156, %ne3A_321 : vector<16xi32>
      %and3A_323 = arith.andi %eq3A_319, %ne3A_322 : vector<16xi1>
      %jit3A_324 = arith.constant 9 : i32
      %broadcast_in_dim3A_325 = vector.broadcast %jit3A_324 : i32 to vector<16xi32>
      %select_n3A_326 = arith.select %and3A_323, %broadcast_in_dim3A_325, %select_n3A_318 : vector<16xi1>, vector<16xi32>
      %eq3A_327 = arith.cmpf oeq, %gather3A_52, %max3A_270 : vector<16xf32>
      %ne3A_328 = arith.constant 8 : i32
      %ne3A_329 = vector.broadcast %ne3A_328 : i32 to vector<16xi32>
      %ne3A_330 = arith.cmpi ne, %select_n3A_156, %ne3A_329 : vector<16xi32>
      %and3A_331 = arith.andi %eq3A_327, %ne3A_330 : vector<16xi1>
      %jit3A_332 = arith.constant 8 : i32
      %broadcast_in_dim3A_333 = vector.broadcast %jit3A_332 : i32 to vector<16xi32>
      %select_n3A_334 = arith.select %and3A_331, %broadcast_in_dim3A_333, %select_n3A_326 : vector<16xi1>, vector<16xi32>
      %eq3A_335 = arith.cmpf oeq, %gather3A_48, %max3A_270 : vector<16xf32>
      %ne3A_336 = arith.constant 7 : i32
      %ne3A_337 = vector.broadcast %ne3A_336 : i32 to vector<16xi32>
      %ne3A_338 = arith.cmpi ne, %select_n3A_156, %ne3A_337 : vector<16xi32>
      %and3A_339 = arith.andi %eq3A_335, %ne3A_338 : vector<16xi1>
      %jit3A_340 = arith.constant 7 : i32
      %broadcast_in_dim3A_341 = vector.broadcast %jit3A_340 : i32 to vector<16xi32>
      %select_n3A_342 = arith.select %and3A_339, %broadcast_in_dim3A_341, %select_n3A_334 : vector<16xi1>, vector<16xi32>
      %eq3A_343 = arith.cmpf oeq, %gather3A_44, %max3A_270 : vector<16xf32>
      %ne3A_344 = arith.constant 6 : i32
      %ne3A_345 = vector.broadcast %ne3A_344 : i32 to vector<16xi32>
      %ne3A_346 = arith.cmpi ne, %select_n3A_156, %ne3A_345 : vector<16xi32>
      %and3A_347 = arith.andi %eq3A_343, %ne3A_346 : vector<16xi1>
      %jit3A_348 = arith.constant 6 : i32
      %broadcast_in_dim3A_349 = vector.broadcast %jit3A_348 : i32 to vector<16xi32>
      %select_n3A_350 = arith.select %and3A_347, %broadcast_in_dim3A_349, %select_n3A_342 : vector<16xi1>, vector<16xi32>
      %eq3A_351 = arith.cmpf oeq, %gather3A_40, %max3A_270 : vector<16xf32>
      %ne3A_352 = arith.constant 5 : i32
      %ne3A_353 = vector.broadcast %ne3A_352 : i32 to vector<16xi32>
      %ne3A_354 = arith.cmpi ne, %select_n3A_156, %ne3A_353 : vector<16xi32>
      %and3A_355 = arith.andi %eq3A_351, %ne3A_354 : vector<16xi1>
      %jit3A_356 = arith.constant 5 : i32
      %broadcast_in_dim3A_357 = vector.broadcast %jit3A_356 : i32 to vector<16xi32>
      %select_n3A_358 = arith.select %and3A_355, %broadcast_in_dim3A_357, %select_n3A_350 : vector<16xi1>, vector<16xi32>
      %eq3A_359 = arith.cmpf oeq, %gather3A_36, %max3A_270 : vector<16xf32>
      %ne3A_360 = arith.constant 4 : i32
      %ne3A_361 = vector.broadcast %ne3A_360 : i32 to vector<16xi32>
      %ne3A_362 = arith.cmpi ne, %select_n3A_156, %ne3A_361 : vector<16xi32>
      %and3A_363 = arith.andi %eq3A_359, %ne3A_362 : vector<16xi1>
      %jit3A_364 = arith.constant 4 : i32
      %broadcast_in_dim3A_365 = vector.broadcast %jit3A_364 : i32 to vector<16xi32>
      %select_n3A_366 = arith.select %and3A_363, %broadcast_in_dim3A_365, %select_n3A_358 : vector<16xi1>, vector<16xi32>
      %eq3A_367 = arith.cmpf oeq, %gather3A_32, %max3A_270 : vector<16xf32>
      %ne3A_368 = arith.constant 3 : i32
      %ne3A_369 = vector.broadcast %ne3A_368 : i32 to vector<16xi32>
      %ne3A_370 = arith.cmpi ne, %select_n3A_156, %ne3A_369 : vector<16xi32>
      %and3A_371 = arith.andi %eq3A_367, %ne3A_370 : vector<16xi1>
      %jit3A_372 = arith.constant 3 : i32
      %broadcast_in_dim3A_373 = vector.broadcast %jit3A_372 : i32 to vector<16xi32>
      %select_n3A_374 = arith.select %and3A_371, %broadcast_in_dim3A_373, %select_n3A_366 : vector<16xi1>, vector<16xi32>
      %eq3A_375 = arith.cmpf oeq, %gather3A_28, %max3A_270 : vector<16xf32>
      %ne3A_376 = arith.constant 2 : i32
      %ne3A_377 = vector.broadcast %ne3A_376 : i32 to vector<16xi32>
      %ne3A_378 = arith.cmpi ne, %select_n3A_156, %ne3A_377 : vector<16xi32>
      %and3A_379 = arith.andi %eq3A_375, %ne3A_378 : vector<16xi1>
      %jit3A_380 = arith.constant 2 : i32
      %broadcast_in_dim3A_381 = vector.broadcast %jit3A_380 : i32 to vector<16xi32>
      %select_n3A_382 = arith.select %and3A_379, %broadcast_in_dim3A_381, %select_n3A_374 : vector<16xi1>, vector<16xi32>
      %eq3A_383 = arith.cmpf oeq, %gather3A_24, %max3A_270 : vector<16xf32>
      %ne3A_384 = arith.constant 1 : i32
      %ne3A_385 = vector.broadcast %ne3A_384 : i32 to vector<16xi32>
      %ne3A_386 = arith.cmpi ne, %select_n3A_156, %ne3A_385 : vector<16xi32>
      %and3A_387 = arith.andi %eq3A_383, %ne3A_386 : vector<16xi1>
      %jit3A_388 = arith.constant 1 : i32
      %broadcast_in_dim3A_389 = vector.broadcast %jit3A_388 : i32 to vector<16xi32>
      %select_n3A_390 = arith.select %and3A_387, %broadcast_in_dim3A_389, %select_n3A_382 : vector<16xi1>, vector<16xi32>
      %eq3A_391 = arith.cmpf oeq, %gather3A, %max3A_270 : vector<16xf32>
      %ne3A_392 = arith.constant 0 : i32
      %ne3A_393 = vector.broadcast %ne3A_392 : i32 to vector<16xi32>
      %ne3A_394 = arith.cmpi ne, %select_n3A_156, %ne3A_393 : vector<16xi32>
      %and3A_395 = arith.andi %eq3A_391, %ne3A_394 : vector<16xi1>
      %jit3A_396 = arith.constant 0 : i32
      %broadcast_in_dim3A_397 = vector.broadcast %jit3A_396 : i32 to vector<16xi32>
      %select_n3A_398 = arith.select %and3A_395, %broadcast_in_dim3A_397, %select_n3A_390 : vector<16xi1>, vector<16xi32>
      %sub3A = arith.subf %max3A_270, %max3A_94 : vector<16xf32>
      %exp3A = math.exp %sub3A : vector<16xf32>
      %add3A_399 = arith.constant 1.000000e+00 : f32
      %add3A_400 = vector.broadcast %add3A_399 : f32 to vector<16xf32>
      %add3A_401 = arith.addf %add3A_400, %exp3A : vector<16xf32>
      %div3A = arith.constant 1.000000e+00 : f32
      %div3A_402 = vector.broadcast %div3A : f32 to vector<16xf32>
      %div3A_403 = arith.divf %div3A_402, %add3A_401 : vector<16xf32>
      %div3A_404 = arith.divf %exp3A, %add3A_401 : vector<16xf32>
      %broadcast_in_dim3A_405 = arith.constant 0.000000e+00 : f32
      %broadcast_in_dim3A_406 = vector.broadcast %broadcast_in_dim3A_405 : f32 to vector<16xf32>
      %eq3A_407 = arith.constant 0 : i32
      %eq3A_408 = vector.broadcast %eq3A_407 : i32 to vector<16xi32>
      %eq3A_409 = arith.cmpi eq, %select_n3A_156, %eq3A_408 : vector<16xi32>
      %eq3A_410 = arith.constant 0 : i32
      %eq3A_411 = vector.broadcast %eq3A_410 : i32 to vector<16xi32>
      %eq3A_412 = arith.cmpi eq, %select_n3A_398, %eq3A_411 : vector<16xi32>
      %select_n3A_413 = arith.select %eq3A_412, %div3A_404, %broadcast_in_dim3A_406 : vector<16xi1>, vector<16xf32>
      %select_n3A_414 = arith.select %eq3A_409, %div3A_403, %select_n3A_413 : vector<16xi1>, vector<16xf32>
      %add3A_415 = arith.constant 0 : i32
      %add3A_416 = vector.broadcast %add3A_415 : i32 to vector<16xi32>
      %add3A_417 = arith.addi %add3A_17, %add3A_416 : vector<16xi32>
      tpu.vector_store_idx %arg5[%add3A_417], %select_n3A_414 : memref<4096xf32, #tpu.memory_space<vmem>>[vector<16xi32>], vector<16xf32>,
      %eq3A_418 = arith.constant 1 : i32
      %eq3A_419 = vector.broadcast %eq3A_418 : i32 to vector<16xi32>
      %eq3A_420 = arith.cmpi eq, %select_n3A_156, %eq3A_419 : vector<16xi32>
      %eq3A_421 = arith.constant 1 : i32
      %eq3A_422 = vector.broadcast %eq3A_421 : i32 to vector<16xi32>
      %eq3A_423 = arith.cmpi eq, %select_n3A_398, %eq3A_422 : vector<16xi32>
      %select_n3A_424 = arith.select %eq3A_423, %div3A_404, %broadcast_in_dim3A_406 : vector<16xi1>, vector<16xf32>
      %select_n3A_425 = arith.select %eq3A_420, %div3A_403, %select_n3A_424 : vector<16xi1>, vector<16xf32>
      %add3A_426 = arith.constant 1 : i32
      %add3A_427 = vector.broadcast %add3A_426 : i32 to vector<16xi32>
      %add3A_428 = arith.addi %add3A_17, %add3A_427 : vector<16xi32>
      tpu.vector_store_idx %arg5[%add3A_428], %select_n3A_425 : memref<4096xf32, #tpu.memory_space<vmem>>[vector<16xi32>], vector<16xf32>,
      %eq3A_429 = arith.constant 2 : i32
      %eq3A_430 = vector.broadcast %eq3A_429 : i32 to vector<16xi32>
      %eq3A_431 = arith.cmpi eq, %select_n3A_156, %eq3A_430 : vector<16xi32>
      %eq3A_432 = arith.constant 2 : i32
      %eq3A_433 = vector.broadcast %eq3A_432 : i32 to vector<16xi32>
      %eq3A_434 = arith.cmpi eq, %select_n3A_398, %eq3A_433 : vector<16xi32>
      %select_n3A_435 = arith.select %eq3A_434, %div3A_404, %broadcast_in_dim3A_406 : vector<16xi1>, vector<16xf32>
      %select_n3A_436 = arith.select %eq3A_431, %div3A_403, %select_n3A_435 : vector<16xi1>, vector<16xf32>
      %add3A_437 = arith.constant 2 : i32
      %add3A_438 = vector.broadcast %add3A_437 : i32 to vector<16xi32>
      %add3A_439 = arith.addi %add3A_17, %add3A_438 : vector<16xi32>
      tpu.vector_store_idx %arg5[%add3A_439], %select_n3A_436 : memref<4096xf32, #tpu.memory_space<vmem>>[vector<16xi32>], vector<16xf32>,
      %eq3A_440 = arith.constant 3 : i32
      %eq3A_441 = vector.broadcast %eq3A_440 : i32 to vector<16xi32>
      %eq3A_442 = arith.cmpi eq, %select_n3A_156, %eq3A_441 : vector<16xi32>
      %eq3A_443 = arith.constant 3 : i32
      %eq3A_444 = vector.broadcast %eq3A_443 : i32 to vector<16xi32>
      %eq3A_445 = arith.cmpi eq, %select_n3A_398, %eq3A_444 : vector<16xi32>
      %select_n3A_446 = arith.select %eq3A_445, %div3A_404, %broadcast_in_dim3A_406 : vector<16xi1>, vector<16xf32>
      %select_n3A_447 = arith.select %eq3A_442, %div3A_403, %select_n3A_446 : vector<16xi1>, vector<16xf32>
      %add3A_448 = arith.constant 3 : i32
      %add3A_449 = vector.broadcast %add3A_448 : i32 to vector<16xi32>
      %add3A_450 = arith.addi %add3A_17, %add3A_449 : vector<16xi32>
      tpu.vector_store_idx %arg5[%add3A_450], %select_n3A_447 : memref<4096xf32, #tpu.memory_space<vmem>>[vector<16xi32>], vector<16xf32>,
      %eq3A_451 = arith.constant 4 : i32
      %eq3A_452 = vector.broadcast %eq3A_451 : i32 to vector<16xi32>
      %eq3A_453 = arith.cmpi eq, %select_n3A_156, %eq3A_452 : vector<16xi32>
      %eq3A_454 = arith.constant 4 : i32
      %eq3A_455 = vector.broadcast %eq3A_454 : i32 to vector<16xi32>
      %eq3A_456 = arith.cmpi eq, %select_n3A_398, %eq3A_455 : vector<16xi32>
      %select_n3A_457 = arith.select %eq3A_456, %div3A_404, %broadcast_in_dim3A_406 : vector<16xi1>, vector<16xf32>
      %select_n3A_458 = arith.select %eq3A_453, %div3A_403, %select_n3A_457 : vector<16xi1>, vector<16xf32>
      %add3A_459 = arith.constant 4 : i32
      %add3A_460 = vector.broadcast %add3A_459 : i32 to vector<16xi32>
      %add3A_461 = arith.addi %add3A_17, %add3A_460 : vector<16xi32>
      tpu.vector_store_idx %arg5[%add3A_461], %select_n3A_458 : memref<4096xf32, #tpu.memory_space<vmem>>[vector<16xi32>], vector<16xf32>,
      %eq3A_462 = arith.constant 5 : i32
      %eq3A_463 = vector.broadcast %eq3A_462 : i32 to vector<16xi32>
      %eq3A_464 = arith.cmpi eq, %select_n3A_156, %eq3A_463 : vector<16xi32>
      %eq3A_465 = arith.constant 5 : i32
      %eq3A_466 = vector.broadcast %eq3A_465 : i32 to vector<16xi32>
      %eq3A_467 = arith.cmpi eq, %select_n3A_398, %eq3A_466 : vector<16xi32>
      %select_n3A_468 = arith.select %eq3A_467, %div3A_404, %broadcast_in_dim3A_406 : vector<16xi1>, vector<16xf32>
      %select_n3A_469 = arith.select %eq3A_464, %div3A_403, %select_n3A_468 : vector<16xi1>, vector<16xf32>
      %add3A_470 = arith.constant 5 : i32
      %add3A_471 = vector.broadcast %add3A_470 : i32 to vector<16xi32>
      %add3A_472 = arith.addi %add3A_17, %add3A_471 : vector<16xi32>
      tpu.vector_store_idx %arg5[%add3A_472], %select_n3A_469 : memref<4096xf32, #tpu.memory_space<vmem>>[vector<16xi32>], vector<16xf32>,
      %eq3A_473 = arith.constant 6 : i32
      %eq3A_474 = vector.broadcast %eq3A_473 : i32 to vector<16xi32>
      %eq3A_475 = arith.cmpi eq, %select_n3A_156, %eq3A_474 : vector<16xi32>
      %eq3A_476 = arith.constant 6 : i32
      %eq3A_477 = vector.broadcast %eq3A_476 : i32 to vector<16xi32>
      %eq3A_478 = arith.cmpi eq, %select_n3A_398, %eq3A_477 : vector<16xi32>
      %select_n3A_479 = arith.select %eq3A_478, %div3A_404, %broadcast_in_dim3A_406 : vector<16xi1>, vector<16xf32>
      %select_n3A_480 = arith.select %eq3A_475, %div3A_403, %select_n3A_479 : vector<16xi1>, vector<16xf32>
      %add3A_481 = arith.constant 6 : i32
      %add3A_482 = vector.broadcast %add3A_481 : i32 to vector<16xi32>
      %add3A_483 = arith.addi %add3A_17, %add3A_482 : vector<16xi32>
      tpu.vector_store_idx %arg5[%add3A_483], %select_n3A_480 : memref<4096xf32, #tpu.memory_space<vmem>>[vector<16xi32>], vector<16xf32>,
      %eq3A_484 = arith.constant 7 : i32
      %eq3A_485 = vector.broadcast %eq3A_484 : i32 to vector<16xi32>
      %eq3A_486 = arith.cmpi eq, %select_n3A_156, %eq3A_485 : vector<16xi32>
      %eq3A_487 = arith.constant 7 : i32
      %eq3A_488 = vector.broadcast %eq3A_487 : i32 to vector<16xi32>
      %eq3A_489 = arith.cmpi eq, %select_n3A_398, %eq3A_488 : vector<16xi32>
      %select_n3A_490 = arith.select %eq3A_489, %div3A_404, %broadcast_in_dim3A_406 : vector<16xi1>, vector<16xf32>
      %select_n3A_491 = arith.select %eq3A_486, %div3A_403, %select_n3A_490 : vector<16xi1>, vector<16xf32>
      %add3A_492 = arith.constant 7 : i32
      %add3A_493 = vector.broadcast %add3A_492 : i32 to vector<16xi32>
      %add3A_494 = arith.addi %add3A_17, %add3A_493 : vector<16xi32>
      tpu.vector_store_idx %arg5[%add3A_494], %select_n3A_491 : memref<4096xf32, #tpu.memory_space<vmem>>[vector<16xi32>], vector<16xf32>,
      %eq3A_495 = arith.constant 8 : i32
      %eq3A_496 = vector.broadcast %eq3A_495 : i32 to vector<16xi32>
      %eq3A_497 = arith.cmpi eq, %select_n3A_156, %eq3A_496 : vector<16xi32>
      %eq3A_498 = arith.constant 8 : i32
      %eq3A_499 = vector.broadcast %eq3A_498 : i32 to vector<16xi32>
      %eq3A_500 = arith.cmpi eq, %select_n3A_398, %eq3A_499 : vector<16xi32>
      %select_n3A_501 = arith.select %eq3A_500, %div3A_404, %broadcast_in_dim3A_406 : vector<16xi1>, vector<16xf32>
      %select_n3A_502 = arith.select %eq3A_497, %div3A_403, %select_n3A_501 : vector<16xi1>, vector<16xf32>
      %add3A_503 = arith.constant 8 : i32
      %add3A_504 = vector.broadcast %add3A_503 : i32 to vector<16xi32>
      %add3A_505 = arith.addi %add3A_17, %add3A_504 : vector<16xi32>
      tpu.vector_store_idx %arg5[%add3A_505], %select_n3A_502 : memref<4096xf32, #tpu.memory_space<vmem>>[vector<16xi32>], vector<16xf32>,
      %eq3A_506 = arith.constant 9 : i32
      %eq3A_507 = vector.broadcast %eq3A_506 : i32 to vector<16xi32>
      %eq3A_508 = arith.cmpi eq, %select_n3A_156, %eq3A_507 : vector<16xi32>
      %eq3A_509 = arith.constant 9 : i32
      %eq3A_510 = vector.broadcast %eq3A_509 : i32 to vector<16xi32>
      %eq3A_511 = arith.cmpi eq, %select_n3A_398, %eq3A_510 : vector<16xi32>
      %select_n3A_512 = arith.select %eq3A_511, %div3A_404, %broadcast_in_dim3A_406 : vector<16xi1>, vector<16xf32>
      %select_n3A_513 = arith.select %eq3A_508, %div3A_403, %select_n3A_512 : vector<16xi1>, vector<16xf32>
      %add3A_514 = arith.constant 9 : i32
      %add3A_515 = vector.broadcast %add3A_514 : i32 to vector<16xi32>
      %add3A_516 = arith.addi %add3A_17, %add3A_515 : vector<16xi32>
      tpu.vector_store_idx %arg5[%add3A_516], %select_n3A_513 : memref<4096xf32, #tpu.memory_space<vmem>>[vector<16xi32>], vector<16xf32>,
      %eq3A_517 = arith.constant 10 : i32
      %eq3A_518 = vector.broadcast %eq3A_517 : i32 to vector<16xi32>
      %eq3A_519 = arith.cmpi eq, %select_n3A_156, %eq3A_518 : vector<16xi32>
      %eq3A_520 = arith.constant 10 : i32
      %eq3A_521 = vector.broadcast %eq3A_520 : i32 to vector<16xi32>
      %eq3A_522 = arith.cmpi eq, %select_n3A_398, %eq3A_521 : vector<16xi32>
      %select_n3A_523 = arith.select %eq3A_522, %div3A_404, %broadcast_in_dim3A_406 : vector<16xi1>, vector<16xf32>
      %select_n3A_524 = arith.select %eq3A_519, %div3A_403, %select_n3A_523 : vector<16xi1>, vector<16xf32>
      %add3A_525 = arith.constant 10 : i32
      %add3A_526 = vector.broadcast %add3A_525 : i32 to vector<16xi32>
      %add3A_527 = arith.addi %add3A_17, %add3A_526 : vector<16xi32>
      tpu.vector_store_idx %arg5[%add3A_527], %select_n3A_524 : memref<4096xf32, #tpu.memory_space<vmem>>[vector<16xi32>], vector<16xf32>,
      %eq3A_528 = arith.constant 11 : i32
      %eq3A_529 = vector.broadcast %eq3A_528 : i32 to vector<16xi32>
      %eq3A_530 = arith.cmpi eq, %select_n3A_156, %eq3A_529 : vector<16xi32>
      %eq3A_531 = arith.constant 11 : i32
      %eq3A_532 = vector.broadcast %eq3A_531 : i32 to vector<16xi32>
      %eq3A_533 = arith.cmpi eq, %select_n3A_398, %eq3A_532 : vector<16xi32>
      %select_n3A_534 = arith.select %eq3A_533, %div3A_404, %broadcast_in_dim3A_406 : vector<16xi1>, vector<16xf32>
      %select_n3A_535 = arith.select %eq3A_530, %div3A_403, %select_n3A_534 : vector<16xi1>, vector<16xf32>
      %add3A_536 = arith.constant 11 : i32
      %add3A_537 = vector.broadcast %add3A_536 : i32 to vector<16xi32>
      %add3A_538 = arith.addi %add3A_17, %add3A_537 : vector<16xi32>
      tpu.vector_store_idx %arg5[%add3A_538], %select_n3A_535 : memref<4096xf32, #tpu.memory_space<vmem>>[vector<16xi32>], vector<16xf32>,
      %eq3A_539 = arith.constant 12 : i32
      %eq3A_540 = vector.broadcast %eq3A_539 : i32 to vector<16xi32>
      %eq3A_541 = arith.cmpi eq, %select_n3A_156, %eq3A_540 : vector<16xi32>
      %eq3A_542 = arith.constant 12 : i32
      %eq3A_543 = vector.broadcast %eq3A_542 : i32 to vector<16xi32>
      %eq3A_544 = arith.cmpi eq, %select_n3A_398, %eq3A_543 : vector<16xi32>
      %select_n3A_545 = arith.select %eq3A_544, %div3A_404, %broadcast_in_dim3A_406 : vector<16xi1>, vector<16xf32>
      %select_n3A_546 = arith.select %eq3A_541, %div3A_403, %select_n3A_545 : vector<16xi1>, vector<16xf32>
      %add3A_547 = arith.constant 12 : i32
      %add3A_548 = vector.broadcast %add3A_547 : i32 to vector<16xi32>
      %add3A_549 = arith.addi %add3A_17, %add3A_548 : vector<16xi32>
      tpu.vector_store_idx %arg5[%add3A_549], %select_n3A_546 : memref<4096xf32, #tpu.memory_space<vmem>>[vector<16xi32>], vector<16xf32>,
      %eq3A_550 = arith.constant 13 : i32
      %eq3A_551 = vector.broadcast %eq3A_550 : i32 to vector<16xi32>
      %eq3A_552 = arith.cmpi eq, %select_n3A_156, %eq3A_551 : vector<16xi32>
      %eq3A_553 = arith.constant 13 : i32
      %eq3A_554 = vector.broadcast %eq3A_553 : i32 to vector<16xi32>
      %eq3A_555 = arith.cmpi eq, %select_n3A_398, %eq3A_554 : vector<16xi32>
      %select_n3A_556 = arith.select %eq3A_555, %div3A_404, %broadcast_in_dim3A_406 : vector<16xi1>, vector<16xf32>
      %select_n3A_557 = arith.select %eq3A_552, %div3A_403, %select_n3A_556 : vector<16xi1>, vector<16xf32>
      %add3A_558 = arith.constant 13 : i32
      %add3A_559 = vector.broadcast %add3A_558 : i32 to vector<16xi32>
      %add3A_560 = arith.addi %add3A_17, %add3A_559 : vector<16xi32>
      tpu.vector_store_idx %arg5[%add3A_560], %select_n3A_557 : memref<4096xf32, #tpu.memory_space<vmem>>[vector<16xi32>], vector<16xf32>,
      %eq3A_561 = arith.constant 14 : i32
      %eq3A_562 = vector.broadcast %eq3A_561 : i32 to vector<16xi32>
      %eq3A_563 = arith.cmpi eq, %select_n3A_156, %eq3A_562 : vector<16xi32>
      %eq3A_564 = arith.constant 14 : i32
      %eq3A_565 = vector.broadcast %eq3A_564 : i32 to vector<16xi32>
      %eq3A_566 = arith.cmpi eq, %select_n3A_398, %eq3A_565 : vector<16xi32>
      %select_n3A_567 = arith.select %eq3A_566, %div3A_404, %broadcast_in_dim3A_406 : vector<16xi1>, vector<16xf32>
      %select_n3A_568 = arith.select %eq3A_563, %div3A_403, %select_n3A_567 : vector<16xi1>, vector<16xf32>
      %add3A_569 = arith.constant 14 : i32
      %add3A_570 = vector.broadcast %add3A_569 : i32 to vector<16xi32>
      %add3A_571 = arith.addi %add3A_17, %add3A_570 : vector<16xi32>
      tpu.vector_store_idx %arg5[%add3A_571], %select_n3A_568 : memref<4096xf32, #tpu.memory_space<vmem>>[vector<16xi32>], vector<16xf32>,
      %eq3A_572 = arith.constant 15 : i32
      %eq3A_573 = vector.broadcast %eq3A_572 : i32 to vector<16xi32>
      %eq3A_574 = arith.cmpi eq, %select_n3A_156, %eq3A_573 : vector<16xi32>
      %eq3A_575 = arith.constant 15 : i32
      %eq3A_576 = vector.broadcast %eq3A_575 : i32 to vector<16xi32>
      %eq3A_577 = arith.cmpi eq, %select_n3A_398, %eq3A_576 : vector<16xi32>
      %select_n3A_578 = arith.select %eq3A_577, %div3A_404, %broadcast_in_dim3A_406 : vector<16xi1>, vector<16xf32>
      %select_n3A_579 = arith.select %eq3A_574, %div3A_403, %select_n3A_578 : vector<16xi1>, vector<16xf32>
      %add3A_580 = arith.constant 15 : i32
      %add3A_581 = vector.broadcast %add3A_580 : i32 to vector<16xi32>
      %add3A_582 = arith.addi %add3A_17, %add3A_581 : vector<16xi32>
      tpu.vector_store_idx %arg5[%add3A_582], %select_n3A_579 : memref<4096xf32, #tpu.memory_space<vmem>>[vector<16xi32>], vector<16xf32>,
    }
    %scan3A_12 = arith.constant 16 : i32
    "tpu.region"() ({
      %run_scoped3A = tpu.sem_alloc : memref<!tpu.dma_semaphore, #tpu.memory_space<semaphore_mem>>
      %dma_start3A = tpu.memref_slice %arg3[%mul3A_4] : memref<131072xf32, #tpu.memory_space<hbm>> -> memref<4096xf32, #tpu.memory_space<hbm>>
      %dma_start3A_13 = tpu.memref_slice %arg3[%mul3A_4] : memref<131072xf32, #tpu.memory_space<hbm>> -> memref<4096xf32, #tpu.memory_space<hbm>>
      tpu.enqueue_dma source(%arg5 : memref<4096xf32, #tpu.memory_space<vmem>>) target(%dma_start3A_13 : memref<4096xf32, #tpu.memory_space<hbm>>) target_semaphore(%run_scoped3A : memref<!tpu.dma_semaphore, #tpu.memory_space<semaphore_mem>>)
      %dma_wait3A = tpu.memref_slice %arg3[%mul3A_4] : memref<131072xf32, #tpu.memory_space<hbm>> -> memref<4096xf32, #tpu.memory_space<hbm>>
      %dma_wait3A_14 = tpu.memref_slice %arg3[%mul3A_4] : memref<131072xf32, #tpu.memory_space<hbm>> -> memref<4096xf32, #tpu.memory_space<hbm>>
      tpu.wait_dma2 semaphore(%run_scoped3A : memref<!tpu.dma_semaphore, #tpu.memory_space<semaphore_mem>>) src(%arg5 : memref<4096xf32, #tpu.memory_space<vmem>>) dst(%dma_wait3A_14 : memref<4096xf32, #tpu.memory_space<hbm>>)
      tpu.yield
    }) : () -> ()
    return
  }
}

#map = affine_map<(d0, d1) -> (0)>
module attributes {stable_mosaic.version = 14 : i64} {
  func.func @body(%arg0: i32, %arg1: i32, %arg2: memref<131072xf32, #tpu.memory_space<hbm>>, %arg3: memref<131072xf32, #tpu.memory_space<hbm>>, %arg4: memref<4096xf32, #tpu.memory_space<vmem>>, %arg5: memref<4096xf32, #tpu.memory_space<vmem>>) attributes {dimension_semantics = [#tpu.dimension_semantics<core_parallel>, #tpu.dimension_semantics<subcore_parallel>], iteration_bounds = array<i64: 2, 16>, scalar_prefetch = 0 : i64, scratch_operands = 2 : i64, tpu.core_type = #tpu.core_type<sc_vector_subcore>, window_params = [{transform_indices = #map}, {transform_indices = #map}]} {
    %mul3A = arith.constant 2 : i32
    %mul3A_0 = arith.muli %arg1, %mul3A : i32
    %add3A = arith.addi %mul3A_0, %arg0 : i32
    %mul3A_1 = arith.constant 256 : i32
    %mul3A_2 = arith.muli %add3A, %mul3A_1 : i32
    %mul3A_3 = arith.constant 16 : i32
    %mul3A_4 = arith.muli %mul3A_2, %mul3A_3 : i32
    "tpu.region"() ({
      %run_scoped3A = tpu.sem_alloc : memref<!tpu.dma_semaphore, #tpu.memory_space<semaphore_mem>>
      %dma_start3A = tpu.memref_slice %arg2[%mul3A_4] : memref<131072xf32, #tpu.memory_space<hbm>> -> memref<4096xf32, #tpu.memory_space<hbm>>
      %dma_start3A_13 = tpu.memref_slice %arg2[%mul3A_4] : memref<131072xf32, #tpu.memory_space<hbm>> -> memref<4096xf32, #tpu.memory_space<hbm>>
      tpu.enqueue_dma source(%dma_start3A_13 : memref<4096xf32, #tpu.memory_space<hbm>>) target(%arg4 : memref<4096xf32, #tpu.memory_space<vmem>>) target_semaphore(%run_scoped3A : memref<!tpu.dma_semaphore, #tpu.memory_space<semaphore_mem>>)
      %dma_wait3A = tpu.memref_slice %arg2[%mul3A_4] : memref<131072xf32, #tpu.memory_space<hbm>> -> memref<4096xf32, #tpu.memory_space<hbm>>
      %dma_wait3A_14 = tpu.memref_slice %arg2[%mul3A_4] : memref<131072xf32, #tpu.memory_space<hbm>> -> memref<4096xf32, #tpu.memory_space<hbm>>
      tpu.wait_dma2 semaphore(%run_scoped3A : memref<!tpu.dma_semaphore, #tpu.memory_space<semaphore_mem>>) src(%dma_wait3A_14 : memref<4096xf32, #tpu.memory_space<hbm>>) dst(%arg4 : memref<4096xf32, #tpu.memory_space<vmem>>)
      tpu.yield
    }) : () -> ()
    %iota3A = tpu.iota {dimensions = array<i32: 0>} : vector<16xi32>
    %mul3A_5 = arith.constant 16 : i32
    %mul3A_6 = vector.broadcast %mul3A_5 : i32 to vector<16xi32>
    %mul3A_7 = arith.muli %iota3A, %mul3A_6 : vector<16xi32>
    %scan3A = arith.constant 0 : i32
    %scan3A_8 = arith.constant 0 : i32
    %scan3A_9 = arith.constant 16 : i32
    %scan3A_10 = arith.addi %scan3A_8, %scan3A_9 : i32
    %scan3A_11 = arith.constant 1 : i32
    scf.for %scan3A_13 = %scan3A_8 to %scan3A_10 step %scan3A_11  : i32 {
      %mul3A_14 = arith.constant 256 : i32
      %mul3A_15 = arith.muli %scan3A_13, %mul3A_14 : i32
      %add3A_16 = vector.broadcast %mul3A_15 : i32 to vector<16xi32>
      %add3A_17 = arith.addi %add3A_16, %mul3A_7 : vector<16xi32>
      %add3A_18 = arith.constant 0 : i32
      %add3A_19 = vector.broadcast %add3A_18 : i32 to vector<16xi32>
      %add3A_20 = arith.addi %add3A_17, %add3A_19 : vector<16xi32>
      %gather3A = tpu.vector_load_idx %arg4[%add3A_20] : memref<4096xf32, #tpu.memory_space<vmem>>[vector<16xi32>], vector<16xf32>,
      %add3A_21 = arith.constant 1 : i32
      %add3A_22 = vector.broadcast %add3A_21 : i32 to vector<16xi32>
      %add3A_23 = arith.addi %add3A_17, %add3A_22 : vector<16xi32>
      %gather3A_24 = tpu.vector_load_idx %arg4[%add3A_23] : memref<4096xf32, #tpu.memory_space<vmem>>[vector<16xi32>], vector<16xf32>,
      %add3A_25 = arith.constant 2 : i32
      %add3A_26 = vector.broadcast %add3A_25 : i32 to vector<16xi32>
      %add3A_27 = arith.addi %add3A_17, %add3A_26 : vector<16xi32>
      %gather3A_28 = tpu.vector_load_idx %arg4[%add3A_27] : memref<4096xf32, #tpu.memory_space<vmem>>[vector<16xi32>], vector<16xf32>,
      %add3A_29 = arith.constant 3 : i32
      %add3A_30 = vector.broadcast %add3A_29 : i32 to vector<16xi32>
      %add3A_31 = arith.addi %add3A_17, %add3A_30 : vector<16xi32>
      %gather3A_32 = tpu.vector_load_idx %arg4[%add3A_31] : memref<4096xf32, #tpu.memory_space<vmem>>[vector<16xi32>], vector<16xf32>,
      %add3A_33 = arith.constant 4 : i32
      %add3A_34 = vector.broadcast %add3A_33 : i32 to vector<16xi32>
      %add3A_35 = arith.addi %add3A_17, %add3A_34 : vector<16xi32>
      %gather3A_36 = tpu.vector_load_idx %arg4[%add3A_35] : memref<4096xf32, #tpu.memory_space<vmem>>[vector<16xi32>], vector<16xf32>,
      %add3A_37 = arith.constant 5 : i32
      %add3A_38 = vector.broadcast %add3A_37 : i32 to vector<16xi32>
      %add3A_39 = arith.addi %add3A_17, %add3A_38 : vector<16xi32>
      %gather3A_40 = tpu.vector_load_idx %arg4[%add3A_39] : memref<4096xf32, #tpu.memory_space<vmem>>[vector<16xi32>], vector<16xf32>,
      %add3A_41 = arith.constant 6 : i32
      %add3A_42 = vector.broadcast %add3A_41 : i32 to vector<16xi32>
      %add3A_43 = arith.addi %add3A_17, %add3A_42 : vector<16xi32>
      %gather3A_44 = tpu.vector_load_idx %arg4[%add3A_43] : memref<4096xf32, #tpu.memory_space<vmem>>[vector<16xi32>], vector<16xf32>,
      %add3A_45 = arith.constant 7 : i32
      %add3A_46 = vector.broadcast %add3A_45 : i32 to vector<16xi32>
      %add3A_47 = arith.addi %add3A_17, %add3A_46 : vector<16xi32>
      %gather3A_48 = tpu.vector_load_idx %arg4[%add3A_47] : memref<4096xf32, #tpu.memory_space<vmem>>[vector<16xi32>], vector<16xf32>,
      %add3A_49 = arith.constant 8 : i32
      %add3A_50 = vector.broadcast %add3A_49 : i32 to vector<16xi32>
      %add3A_51 = arith.addi %add3A_17, %add3A_50 : vector<16xi32>
      %gather3A_52 = tpu.vector_load_idx %arg4[%add3A_51] : memref<4096xf32, #tpu.memory_space<vmem>>[vector<16xi32>], vector<16xf32>,
      %add3A_53 = arith.constant 9 : i32
      %add3A_54 = vector.broadcast %add3A_53 : i32 to vector<16xi32>
      %add3A_55 = arith.addi %add3A_17, %add3A_54 : vector<16xi32>
      %gather3A_56 = tpu.vector_load_idx %arg4[%add3A_55] : memref<4096xf32, #tpu.memory_space<vmem>>[vector<16xi32>], vector<16xf32>,
      %add3A_57 = arith.constant 10 : i32
      %add3A_58 = vector.broadcast %add3A_57 : i32 to vector<16xi32>
      %add3A_59 = arith.addi %add3A_17, %add3A_58 : vector<16xi32>
      %gather3A_60 = tpu.vector_load_idx %arg4[%add3A_59] : memref<4096xf32, #tpu.memory_space<vmem>>[vector<16xi32>], vector<16xf32>,
      %add3A_61 = arith.constant 11 : i32
      %add3A_62 = vector.broadcast %add3A_61 : i32 to vector<16xi32>
      %add3A_63 = arith.addi %add3A_17, %add3A_62 : vector<16xi32>
      %gather3A_64 = tpu.vector_load_idx %arg4[%add3A_63] : memref<4096xf32, #tpu.memory_space<vmem>>[vector<16xi32>], vector<16xf32>,
      %add3A_65 = arith.constant 12 : i32
      %add3A_66 = vector.broadcast %add3A_65 : i32 to vector<16xi32>
      %add3A_67 = arith.addi %add3A_17, %add3A_66 : vector<16xi32>
      %gather3A_68 = tpu.vector_load_idx %arg4[%add3A_67] : memref<4096xf32, #tpu.memory_space<vmem>>[vector<16xi32>], vector<16xf32>,
      %add3A_69 = arith.constant 13 : i32
      %add3A_70 = vector.broadcast %add3A_69 : i32 to vector<16xi32>
      %add3A_71 = arith.addi %add3A_17, %add3A_70 : vector<16xi32>
      %gather3A_72 = tpu.vector_load_idx %arg4[%add3A_71] : memref<4096xf32, #tpu.memory_space<vmem>>[vector<16xi32>], vector<16xf32>,
      %add3A_73 = arith.constant 14 : i32
      %add3A_74 = vector.broadcast %add3A_73 : i32 to vector<16xi32>
      %add3A_75 = arith.addi %add3A_17, %add3A_74 : vector<16xi32>
      %gather3A_76 = tpu.vector_load_idx %arg4[%add3A_75] : memref<4096xf32, #tpu.memory_space<vmem>>[vector<16xi32>], vector<16xf32>,
      %add3A_77 = arith.constant 15 : i32
      %add3A_78 = vector.broadcast %add3A_77 : i32 to vector<16xi32>
      %add3A_79 = arith.addi %add3A_17, %add3A_78 : vector<16xi32>
      %gather3A_80 = tpu.vector_load_idx %arg4[%add3A_79] : memref<4096xf32, #tpu.memory_space<vmem>>[vector<16xi32>], vector<16xf32>,
      %max3A = arith.maximumf %gather3A, %gather3A_24 : vector<16xf32>
      %max3A_81 = arith.maximumf %max3A, %gather3A_28 : vector<16xf32>
      %max3A_82 = arith.maximumf %max3A_81, %gather3A_32 : vector<16xf32>
      %max3A_83 = arith.maximumf %max3A_82, %gather3A_36 : vector<16xf32>
      %max3A_84 = arith.maximumf %max3A_83, %gather3A_40 : vector<16xf32>
      %max3A_85 = arith.maximumf %max3A_84, %gather3A_44 : vector<16xf32>
      %max3A_86 = arith.maximumf %max3A_85, %gather3A_48 : vector<16xf32>
      %max3A_87 = arith.maximumf %max3A_86, %gather3A_52 : vector<16xf32>
      %max3A_88 = arith.maximumf %max3A_87, %gather3A_56 : vector<16xf32>
      %max3A_89 = arith.maximumf %max3A_88, %gather3A_60 : vector<16xf32>
      %max3A_90 = arith.maximumf %max3A_89, %gather3A_64 : vector<16xf32>
      %max3A_91 = arith.maximumf %max3A_90, %gather3A_68 : vector<16xf32>
      %max3A_92 = arith.maximumf %max3A_91, %gather3A_72 : vector<16xf32>
      %max3A_93 = arith.maximumf %max3A_92, %gather3A_76 : vector<16xf32>
      %max3A_94 = arith.maximumf %max3A_93, %gather3A_80 : vector<16xf32>
      %broadcast_in_dim3A = arith.constant 16 : i32
      %broadcast_in_dim3A_95 = vector.broadcast %broadcast_in_dim3A : i32 to vector<16xi32>
      %eq3A = arith.cmpf oeq, %gather3A_80, %max3A_94 : vector<16xf32>
      %jit3A = arith.constant 15 : i32
      %broadcast_in_dim3A_96 = vector.broadcast %jit3A : i32 to vector<16xi32>
      %select_n3A = arith.select %eq3A, %broadcast_in_dim3A_96, %broadcast_in_dim3A_95 : vector<16xi1>, vector<16xi32>
      %eq3A_97 = arith.cmpf oeq, %gather3A_76, %max3A_94 : vector<16xf32>
      %jit3A_98 = arith.constant 14 : i32
      %broadcast_in_dim3A_99 = vector.broadcast %jit3A_98 : i32 to vector<16xi32>
      %select_n3A_100 = arith.select %eq3A_97, %broadcast_in_dim3A_99, %select_n3A : vector<16xi1>, vector<16xi32>
      %eq3A_101 = arith.cmpf oeq, %gather3A_72, %max3A_94 : vector<16xf32>
      %jit3A_102 = arith.constant 13 : i32
      %broadcast_in_dim3A_103 = vector.broadcast %jit3A_102 : i32 to vector<16xi32>
      %select_n3A_104 = arith.select %eq3A_101, %broadcast_in_dim3A_103, %select_n3A_100 : vector<16xi1>, vector<16xi32>
      %eq3A_105 = arith.cmpf oeq, %gather3A_68, %max3A_94 : vector<16xf32>
      %jit3A_106 = arith.constant 12 : i32
      %broadcast_in_dim3A_107 = vector.broadcast %jit3A_106 : i32 to vector<16xi32>
      %select_n3A_108 = arith.select %eq3A_105, %broadcast_in_dim3A_107, %select_n3A_104 : vector<16xi1>, vector<16xi32>
      %eq3A_109 = arith.cmpf oeq, %gather3A_64, %max3A_94 : vector<16xf32>
      %jit3A_110 = arith.constant 11 : i32
      %broadcast_in_dim3A_111 = vector.broadcast %jit3A_110 : i32 to vector<16xi32>
      %select_n3A_112 = arith.select %eq3A_109, %broadcast_in_dim3A_111, %select_n3A_108 : vector<16xi1>, vector<16xi32>
      %eq3A_113 = arith.cmpf oeq, %gather3A_60, %max3A_94 : vector<16xf32>
      %jit3A_114 = arith.constant 10 : i32
      %broadcast_in_dim3A_115 = vector.broadcast %jit3A_114 : i32 to vector<16xi32>
      %select_n3A_116 = arith.select %eq3A_113, %broadcast_in_dim3A_115, %select_n3A_112 : vector<16xi1>, vector<16xi32>
      %eq3A_117 = arith.cmpf oeq, %gather3A_56, %max3A_94 : vector<16xf32>
      %jit3A_118 = arith.constant 9 : i32
      %broadcast_in_dim3A_119 = vector.broadcast %jit3A_118 : i32 to vector<16xi32>
      %select_n3A_120 = arith.select %eq3A_117, %broadcast_in_dim3A_119, %select_n3A_116 : vector<16xi1>, vector<16xi32>
      %eq3A_121 = arith.cmpf oeq, %gather3A_52, %max3A_94 : vector<16xf32>
      %jit3A_122 = arith.constant 8 : i32
      %broadcast_in_dim3A_123 = vector.broadcast %jit3A_122 : i32 to vector<16xi32>
      %select_n3A_124 = arith.select %eq3A_121, %broadcast_in_dim3A_123, %select_n3A_120 : vector<16xi1>, vector<16xi32>
      %eq3A_125 = arith.cmpf oeq, %gather3A_48, %max3A_94 : vector<16xf32>
      %jit3A_126 = arith.constant 7 : i32
      %broadcast_in_dim3A_127 = vector.broadcast %jit3A_126 : i32 to vector<16xi32>
      %select_n3A_128 = arith.select %eq3A_125, %broadcast_in_dim3A_127, %select_n3A_124 : vector<16xi1>, vector<16xi32>
      %eq3A_129 = arith.cmpf oeq, %gather3A_44, %max3A_94 : vector<16xf32>
      %jit3A_130 = arith.constant 6 : i32
      %broadcast_in_dim3A_131 = vector.broadcast %jit3A_130 : i32 to vector<16xi32>
      %select_n3A_132 = arith.select %eq3A_129, %broadcast_in_dim3A_131, %select_n3A_128 : vector<16xi1>, vector<16xi32>
      %eq3A_133 = arith.cmpf oeq, %gather3A_40, %max3A_94 : vector<16xf32>
      %jit3A_134 = arith.constant 5 : i32
      %broadcast_in_dim3A_135 = vector.broadcast %jit3A_134 : i32 to vector<16xi32>
      %select_n3A_136 = arith.select %eq3A_133, %broadcast_in_dim3A_135, %select_n3A_132 : vector<16xi1>, vector<16xi32>
      %eq3A_137 = arith.cmpf oeq, %gather3A_36, %max3A_94 : vector<16xf32>
      %jit3A_138 = arith.constant 4 : i32
      %broadcast_in_dim3A_139 = vector.broadcast %jit3A_138 : i32 to vector<16xi32>
      %select_n3A_140 = arith.select %eq3A_137, %broadcast_in_dim3A_139, %select_n3A_136 : vector<16xi1>, vector<16xi32>
      %eq3A_141 = arith.cmpf oeq, %gather3A_32, %max3A_94 : vector<16xf32>
      %jit3A_142 = arith.constant 3 : i32
      %broadcast_in_dim3A_143 = vector.broadcast %jit3A_142 : i32 to vector<16xi32>
      %select_n3A_144 = arith.select %eq3A_141, %broadcast_in_dim3A_143, %select_n3A_140 : vector<16xi1>, vector<16xi32>
      %eq3A_145 = arith.cmpf oeq, %gather3A_28, %max3A_94 : vector<16xf32>
      %jit3A_146 = arith.constant 2 : i32
      %broadcast_in_dim3A_147 = vector.broadcast %jit3A_146 : i32 to vector<16xi32>
      %select_n3A_148 = arith.select %eq3A_145, %broadcast_in_dim3A_147, %select_n3A_144 : vector<16xi1>, vector<16xi32>
      %eq3A_149 = arith.cmpf oeq, %gather3A_24, %max3A_94 : vector<16xf32>
      %jit3A_150 = arith.constant 1 : i32
      %broadcast_in_dim3A_151 = vector.broadcast %jit3A_150 : i32 to vector<16xi32>
      %select_n3A_152 = arith.select %eq3A_149, %broadcast_in_dim3A_151, %select_n3A_148 : vector<16xi1>, vector<16xi32>
      %eq3A_153 = arith.cmpf oeq, %gather3A, %max3A_94 : vector<16xf32>
      %jit3A_154 = arith.constant 0 : i32
      %broadcast_in_dim3A_155 = vector.broadcast %jit3A_154 : i32 to vector<16xi32>
      %select_n3A_156 = arith.select %eq3A_153, %broadcast_in_dim3A_155, %select_n3A_152 : vector<16xi1>, vector<16xi32>
      %broadcast_in_dim3A_157 = arith.constant -3.000000e+38 : f32
      %broadcast_in_dim3A_158 = vector.broadcast %broadcast_in_dim3A_157 : f32 to vector<16xf32>
      %eq3A_159 = arith.constant 0 : i32
      %eq3A_160 = vector.broadcast %eq3A_159 : i32 to vector<16xi32>
      %eq3A_161 = arith.cmpi eq, %select_n3A_156, %eq3A_160 : vector<16xi32>
      %jit3A_162 = arith.constant -3.000000e+38 : f32
      %broadcast_in_dim3A_163 = vector.broadcast %jit3A_162 : f32 to vector<16xf32>
      %select_n3A_164 = arith.select %eq3A_161, %broadcast_in_dim3A_163, %gather3A : vector<16xi1>, vector<16xf32>
      %max3A_165 = arith.maximumf %broadcast_in_dim3A_158, %select_n3A_164 : vector<16xf32>
      %eq3A_166 = arith.constant 1 : i32
      %eq3A_167 = vector.broadcast %eq3A_166 : i32 to vector<16xi32>
      %eq3A_168 = arith.cmpi eq, %select_n3A_156, %eq3A_167 : vector<16xi32>
      %jit3A_169 = arith.constant -3.000000e+38 : f32
      %broadcast_in_dim3A_170 = vector.broadcast %jit3A_169 : f32 to vector<16xf32>
      %select_n3A_171 = arith.select %eq3A_168, %broadcast_in_dim3A_170, %gather3A_24 : vector<16xi1>, vector<16xf32>
      %max3A_172 = arith.maximumf %max3A_165, %select_n3A_171 : vector<16xf32>
      %eq3A_173 = arith.constant 2 : i32
      %eq3A_174 = vector.broadcast %eq3A_173 : i32 to vector<16xi32>
      %eq3A_175 = arith.cmpi eq, %select_n3A_156, %eq3A_174 : vector<16xi32>
      %jit3A_176 = arith.constant -3.000000e+38 : f32
      %broadcast_in_dim3A_177 = vector.broadcast %jit3A_176 : f32 to vector<16xf32>
      %select_n3A_178 = arith.select %eq3A_175, %broadcast_in_dim3A_177, %gather3A_28 : vector<16xi1>, vector<16xf32>
      %max3A_179 = arith.maximumf %max3A_172, %select_n3A_178 : vector<16xf32>
      %eq3A_180 = arith.constant 3 : i32
      %eq3A_181 = vector.broadcast %eq3A_180 : i32 to vector<16xi32>
      %eq3A_182 = arith.cmpi eq, %select_n3A_156, %eq3A_181 : vector<16xi32>
      %jit3A_183 = arith.constant -3.000000e+38 : f32
      %broadcast_in_dim3A_184 = vector.broadcast %jit3A_183 : f32 to vector<16xf32>
      %select_n3A_185 = arith.select %eq3A_182, %broadcast_in_dim3A_184, %gather3A_32 : vector<16xi1>, vector<16xf32>
      %max3A_186 = arith.maximumf %max3A_179, %select_n3A_185 : vector<16xf32>
      %eq3A_187 = arith.constant 4 : i32
      %eq3A_188 = vector.broadcast %eq3A_187 : i32 to vector<16xi32>
      %eq3A_189 = arith.cmpi eq, %select_n3A_156, %eq3A_188 : vector<16xi32>
      %jit3A_190 = arith.constant -3.000000e+38 : f32
      %broadcast_in_dim3A_191 = vector.broadcast %jit3A_190 : f32 to vector<16xf32>
      %select_n3A_192 = arith.select %eq3A_189, %broadcast_in_dim3A_191, %gather3A_36 : vector<16xi1>, vector<16xf32>
      %max3A_193 = arith.maximumf %max3A_186, %select_n3A_192 : vector<16xf32>
      %eq3A_194 = arith.constant 5 : i32
      %eq3A_195 = vector.broadcast %eq3A_194 : i32 to vector<16xi32>
      %eq3A_196 = arith.cmpi eq, %select_n3A_156, %eq3A_195 : vector<16xi32>
      %jit3A_197 = arith.constant -3.000000e+38 : f32
      %broadcast_in_dim3A_198 = vector.broadcast %jit3A_197 : f32 to vector<16xf32>
      %select_n3A_199 = arith.select %eq3A_196, %broadcast_in_dim3A_198, %gather3A_40 : vector<16xi1>, vector<16xf32>
      %max3A_200 = arith.maximumf %max3A_193, %select_n3A_199 : vector<16xf32>
      %eq3A_201 = arith.constant 6 : i32
      %eq3A_202 = vector.broadcast %eq3A_201 : i32 to vector<16xi32>
      %eq3A_203 = arith.cmpi eq, %select_n3A_156, %eq3A_202 : vector<16xi32>
      %jit3A_204 = arith.constant -3.000000e+38 : f32
      %broadcast_in_dim3A_205 = vector.broadcast %jit3A_204 : f32 to vector<16xf32>
      %select_n3A_206 = arith.select %eq3A_203, %broadcast_in_dim3A_205, %gather3A_44 : vector<16xi1>, vector<16xf32>
      %max3A_207 = arith.maximumf %max3A_200, %select_n3A_206 : vector<16xf32>
      %eq3A_208 = arith.constant 7 : i32
      %eq3A_209 = vector.broadcast %eq3A_208 : i32 to vector<16xi32>
      %eq3A_210 = arith.cmpi eq, %select_n3A_156, %eq3A_209 : vector<16xi32>
      %jit3A_211 = arith.constant -3.000000e+38 : f32
      %broadcast_in_dim3A_212 = vector.broadcast %jit3A_211 : f32 to vector<16xf32>
      %select_n3A_213 = arith.select %eq3A_210, %broadcast_in_dim3A_212, %gather3A_48 : vector<16xi1>, vector<16xf32>
      %max3A_214 = arith.maximumf %max3A_207, %select_n3A_213 : vector<16xf32>
      %eq3A_215 = arith.constant 8 : i32
      %eq3A_216 = vector.broadcast %eq3A_215 : i32 to vector<16xi32>
      %eq3A_217 = arith.cmpi eq, %select_n3A_156, %eq3A_216 : vector<16xi32>
      %jit3A_218 = arith.constant -3.000000e+38 : f32
      %broadcast_in_dim3A_219 = vector.broadcast %jit3A_218 : f32 to vector<16xf32>
      %select_n3A_220 = arith.select %eq3A_217, %broadcast_in_dim3A_219, %gather3A_52 : vector<16xi1>, vector<16xf32>
      %max3A_221 = arith.maximumf %max3A_214, %select_n3A_220 : vector<16xf32>
      %eq3A_222 = arith.constant 9 : i32
      %eq3A_223 = vector.broadcast %eq3A_222 : i32 to vector<16xi32>
      %eq3A_224 = arith.cmpi eq, %select_n3A_156, %eq3A_223 : vector<16xi32>
      %jit3A_225 = arith.constant -3.000000e+38 : f32
      %broadcast_in_dim3A_226 = vector.broadcast %jit3A_225 : f32 to vector<16xf32>
      %select_n3A_227 = arith.select %eq3A_224, %broadcast_in_dim3A_226, %gather3A_56 : vector<16xi1>, vector<16xf32>
      %max3A_228 = arith.maximumf %max3A_221, %select_n3A_227 : vector<16xf32>
      %eq3A_229 = arith.constant 10 : i32
      %eq3A_230 = vector.broadcast %eq3A_229 : i32 to vector<16xi32>
      %eq3A_231 = arith.cmpi eq, %select_n3A_156, %eq3A_230 : vector<16xi32>
      %jit3A_232 = arith.constant -3.000000e+38 : f32
      %broadcast_in_dim3A_233 = vector.broadcast %jit3A_232 : f32 to vector<16xf32>
      %select_n3A_234 = arith.select %eq3A_231, %broadcast_in_dim3A_233, %gather3A_60 : vector<16xi1>, vector<16xf32>
      %max3A_235 = arith.maximumf %max3A_228, %select_n3A_234 : vector<16xf32>
      %eq3A_236 = arith.constant 11 : i32
      %eq3A_237 = vector.broadcast %eq3A_236 : i32 to vector<16xi32>
      %eq3A_238 = arith.cmpi eq, %select_n3A_156, %eq3A_237 : vector<16xi32>
      %jit3A_239 = arith.constant -3.000000e+38 : f32
      %broadcast_in_dim3A_240 = vector.broadcast %jit3A_239 : f32 to vector<16xf32>
      %select_n3A_241 = arith.select %eq3A_238, %broadcast_in_dim3A_240, %gather3A_64 : vector<16xi1>, vector<16xf32>
      %max3A_242 = arith.maximumf %max3A_235, %select_n3A_241 : vector<16xf32>
      %eq3A_243 = arith.constant 12 : i32
      %eq3A_244 = vector.broadcast %eq3A_243 : i32 to vector<16xi32>
      %eq3A_245 = arith.cmpi eq, %select_n3A_156, %eq3A_244 : vector<16xi32>
      %jit3A_246 = arith.constant -3.000000e+38 : f32
      %broadcast_in_dim3A_247 = vector.broadcast %jit3A_246 : f32 to vector<16xf32>
      %select_n3A_248 = arith.select %eq3A_245, %broadcast_in_dim3A_247, %gather3A_68 : vector<16xi1>, vector<16xf32>
      %max3A_249 = arith.maximumf %max3A_242, %select_n3A_248 : vector<16xf32>
      %eq3A_250 = arith.constant 13 : i32
      %eq3A_251 = vector.broadcast %eq3A_250 : i32 to vector<16xi32>
      %eq3A_252 = arith.cmpi eq, %select_n3A_156, %eq3A_251 : vector<16xi32>
      %jit3A_253 = arith.constant -3.000000e+38 : f32
      %broadcast_in_dim3A_254 = vector.broadcast %jit3A_253 : f32 to vector<16xf32>
      %select_n3A_255 = arith.select %eq3A_252, %broadcast_in_dim3A_254, %gather3A_72 : vector<16xi1>, vector<16xf32>
      %max3A_256 = arith.maximumf %max3A_249, %select_n3A_255 : vector<16xf32>
      %eq3A_257 = arith.constant 14 : i32
      %eq3A_258 = vector.broadcast %eq3A_257 : i32 to vector<16xi32>
      %eq3A_259 = arith.cmpi eq, %select_n3A_156, %eq3A_258 : vector<16xi32>
      %jit3A_260 = arith.constant -3.000000e+38 : f32
      %broadcast_in_dim3A_261 = vector.broadcast %jit3A_260 : f32 to vector<16xf32>
      %select_n3A_262 = arith.select %eq3A_259, %broadcast_in_dim3A_261, %gather3A_76 : vector<16xi1>, vector<16xf32>
      %max3A_263 = arith.maximumf %max3A_256, %select_n3A_262 : vector<16xf32>
      %eq3A_264 = arith.constant 15 : i32
      %eq3A_265 = vector.broadcast %eq3A_264 : i32 to vector<16xi32>
      %eq3A_266 = arith.cmpi eq, %select_n3A_156, %eq3A_265 : vector<16xi32>
      %jit3A_267 = arith.constant -3.000000e+38 : f32
      %broadcast_in_dim3A_268 = vector.broadcast %jit3A_267 : f32 to vector<16xf32>
      %select_n3A_269 = arith.select %eq3A_266, %broadcast_in_dim3A_268, %gather3A_80 : vector<16xi1>, vector<16xf32>
      %max3A_270 = arith.maximumf %max3A_263, %select_n3A_269 : vector<16xf32>
      %broadcast_in_dim3A_271 = arith.constant 16 : i32
      %broadcast_in_dim3A_272 = vector.broadcast %broadcast_in_dim3A_271 : i32 to vector<16xi32>
      %eq3A_273 = arith.cmpf oeq, %gather3A_80, %max3A_270 : vector<16xf32>
      %ne3A = arith.constant 15 : i32
      %ne3A_274 = vector.broadcast %ne3A : i32 to vector<16xi32>
      %ne3A_275 = arith.cmpi ne, %select_n3A_156, %ne3A_274 : vector<16xi32>
      %and3A = arith.andi %eq3A_273, %ne3A_275 : vector<16xi1>
      %jit3A_276 = arith.constant 15 : i32
      %broadcast_in_dim3A_277 = vector.broadcast %jit3A_276 : i32 to vector<16xi32>
      %select_n3A_278 = arith.select %and3A, %broadcast_in_dim3A_277, %broadcast_in_dim3A_272 : vector<16xi1>, vector<16xi32>
      %eq3A_279 = arith.cmpf oeq, %gather3A_76, %max3A_270 : vector<16xf32>
      %ne3A_280 = arith.constant 14 : i32
      %ne3A_281 = vector.broadcast %ne3A_280 : i32 to vector<16xi32>
      %ne3A_282 = arith.cmpi ne, %select_n3A_156, %ne3A_281 : vector<16xi32>
      %and3A_283 = arith.andi %eq3A_279, %ne3A_282 : vector<16xi1>
      %jit3A_284 = arith.constant 14 : i32
      %broadcast_in_dim3A_285 = vector.broadcast %jit3A_284 : i32 to vector<16xi32>
      %select_n3A_286 = arith.select %and3A_283, %broadcast_in_dim3A_285, %select_n3A_278 : vector<16xi1>, vector<16xi32>
      %eq3A_287 = arith.cmpf oeq, %gather3A_72, %max3A_270 : vector<16xf32>
      %ne3A_288 = arith.constant 13 : i32
      %ne3A_289 = vector.broadcast %ne3A_288 : i32 to vector<16xi32>
      %ne3A_290 = arith.cmpi ne, %select_n3A_156, %ne3A_289 : vector<16xi32>
      %and3A_291 = arith.andi %eq3A_287, %ne3A_290 : vector<16xi1>
      %jit3A_292 = arith.constant 13 : i32
      %broadcast_in_dim3A_293 = vector.broadcast %jit3A_292 : i32 to vector<16xi32>
      %select_n3A_294 = arith.select %and3A_291, %broadcast_in_dim3A_293, %select_n3A_286 : vector<16xi1>, vector<16xi32>
      %eq3A_295 = arith.cmpf oeq, %gather3A_68, %max3A_270 : vector<16xf32>
      %ne3A_296 = arith.constant 12 : i32
      %ne3A_297 = vector.broadcast %ne3A_296 : i32 to vector<16xi32>
      %ne3A_298 = arith.cmpi ne, %select_n3A_156, %ne3A_297 : vector<16xi32>
      %and3A_299 = arith.andi %eq3A_295, %ne3A_298 : vector<16xi1>
      %jit3A_300 = arith.constant 12 : i32
      %broadcast_in_dim3A_301 = vector.broadcast %jit3A_300 : i32 to vector<16xi32>
      %select_n3A_302 = arith.select %and3A_299, %broadcast_in_dim3A_301, %select_n3A_294 : vector<16xi1>, vector<16xi32>
      %eq3A_303 = arith.cmpf oeq, %gather3A_64, %max3A_270 : vector<16xf32>
      %ne3A_304 = arith.constant 11 : i32
      %ne3A_305 = vector.broadcast %ne3A_304 : i32 to vector<16xi32>
      %ne3A_306 = arith.cmpi ne, %select_n3A_156, %ne3A_305 : vector<16xi32>
      %and3A_307 = arith.andi %eq3A_303, %ne3A_306 : vector<16xi1>
      %jit3A_308 = arith.constant 11 : i32
      %broadcast_in_dim3A_309 = vector.broadcast %jit3A_308 : i32 to vector<16xi32>
      %select_n3A_310 = arith.select %and3A_307, %broadcast_in_dim3A_309, %select_n3A_302 : vector<16xi1>, vector<16xi32>
      %eq3A_311 = arith.cmpf oeq, %gather3A_60, %max3A_270 : vector<16xf32>
      %ne3A_312 = arith.constant 10 : i32
      %ne3A_313 = vector.broadcast %ne3A_312 : i32 to vector<16xi32>
      %ne3A_314 = arith.cmpi ne, %select_n3A_156, %ne3A_313 : vector<16xi32>
      %and3A_315 = arith.andi %eq3A_311, %ne3A_314 : vector<16xi1>
      %jit3A_316 = arith.constant 10 : i32
      %broadcast_in_dim3A_317 = vector.broadcast %jit3A_316 : i32 to vector<16xi32>
      %select_n3A_318 = arith.select %and3A_315, %broadcast_in_dim3A_317, %select_n3A_310 : vector<16xi1>, vector<16xi32>
      %eq3A_319 = arith.cmpf oeq, %gather3A_56, %max3A_270 : vector<16xf32>
      %ne3A_320 = arith.constant 9 : i32
      %ne3A_321 = vector.broadcast %ne3A_320 : i32 to vector<16xi32>
      %ne3A_322 = arith.cmpi ne, %select_n3A_156, %ne3A_321 : vector<16xi32>
      %and3A_323 = arith.andi %eq3A_319, %ne3A_322 : vector<16xi1>
      %jit3A_324 = arith.constant 9 : i32
      %broadcast_in_dim3A_325 = vector.broadcast %jit3A_324 : i32 to vector<16xi32>
      %select_n3A_326 = arith.select %and3A_323, %broadcast_in_dim3A_325, %select_n3A_318 : vector<16xi1>, vector<16xi32>
      %eq3A_327 = arith.cmpf oeq, %gather3A_52, %max3A_270 : vector<16xf32>
      %ne3A_328 = arith.constant 8 : i32
      %ne3A_329 = vector.broadcast %ne3A_328 : i32 to vector<16xi32>
      %ne3A_330 = arith.cmpi ne, %select_n3A_156, %ne3A_329 : vector<16xi32>
      %and3A_331 = arith.andi %eq3A_327, %ne3A_330 : vector<16xi1>
      %jit3A_332 = arith.constant 8 : i32
      %broadcast_in_dim3A_333 = vector.broadcast %jit3A_332 : i32 to vector<16xi32>
      %select_n3A_334 = arith.select %and3A_331, %broadcast_in_dim3A_333, %select_n3A_326 : vector<16xi1>, vector<16xi32>
      %eq3A_335 = arith.cmpf oeq, %gather3A_48, %max3A_270 : vector<16xf32>
      %ne3A_336 = arith.constant 7 : i32
      %ne3A_337 = vector.broadcast %ne3A_336 : i32 to vector<16xi32>
      %ne3A_338 = arith.cmpi ne, %select_n3A_156, %ne3A_337 : vector<16xi32>
      %and3A_339 = arith.andi %eq3A_335, %ne3A_338 : vector<16xi1>
      %jit3A_340 = arith.constant 7 : i32
      %broadcast_in_dim3A_341 = vector.broadcast %jit3A_340 : i32 to vector<16xi32>
      %select_n3A_342 = arith.select %and3A_339, %broadcast_in_dim3A_341, %select_n3A_334 : vector<16xi1>, vector<16xi32>
      %eq3A_343 = arith.cmpf oeq, %gather3A_44, %max3A_270 : vector<16xf32>
      %ne3A_344 = arith.constant 6 : i32
      %ne3A_345 = vector.broadcast %ne3A_344 : i32 to vector<16xi32>
      %ne3A_346 = arith.cmpi ne, %select_n3A_156, %ne3A_345 : vector<16xi32>
      %and3A_347 = arith.andi %eq3A_343, %ne3A_346 : vector<16xi1>
      %jit3A_348 = arith.constant 6 : i32
      %broadcast_in_dim3A_349 = vector.broadcast %jit3A_348 : i32 to vector<16xi32>
      %select_n3A_350 = arith.select %and3A_347, %broadcast_in_dim3A_349, %select_n3A_342 : vector<16xi1>, vector<16xi32>
      %eq3A_351 = arith.cmpf oeq, %gather3A_40, %max3A_270 : vector<16xf32>
      %ne3A_352 = arith.constant 5 : i32
      %ne3A_353 = vector.broadcast %ne3A_352 : i32 to vector<16xi32>
      %ne3A_354 = arith.cmpi ne, %select_n3A_156, %ne3A_353 : vector<16xi32>
      %and3A_355 = arith.andi %eq3A_351, %ne3A_354 : vector<16xi1>
      %jit3A_356 = arith.constant 5 : i32
      %broadcast_in_dim3A_357 = vector.broadcast %jit3A_356 : i32 to vector<16xi32>
      %select_n3A_358 = arith.select %and3A_355, %broadcast_in_dim3A_357, %select_n3A_350 : vector<16xi1>, vector<16xi32>
      %eq3A_359 = arith.cmpf oeq, %gather3A_36, %max3A_270 : vector<16xf32>
      %ne3A_360 = arith.constant 4 : i32
      %ne3A_361 = vector.broadcast %ne3A_360 : i32 to vector<16xi32>
      %ne3A_362 = arith.cmpi ne, %select_n3A_156, %ne3A_361 : vector<16xi32>
      %and3A_363 = arith.andi %eq3A_359, %ne3A_362 : vector<16xi1>
      %jit3A_364 = arith.constant 4 : i32
      %broadcast_in_dim3A_365 = vector.broadcast %jit3A_364 : i32 to vector<16xi32>
      %select_n3A_366 = arith.select %and3A_363, %broadcast_in_dim3A_365, %select_n3A_358 : vector<16xi1>, vector<16xi32>
      %eq3A_367 = arith.cmpf oeq, %gather3A_32, %max3A_270 : vector<16xf32>
      %ne3A_368 = arith.constant 3 : i32
      %ne3A_369 = vector.broadcast %ne3A_368 : i32 to vector<16xi32>
      %ne3A_370 = arith.cmpi ne, %select_n3A_156, %ne3A_369 : vector<16xi32>
      %and3A_371 = arith.andi %eq3A_367, %ne3A_370 : vector<16xi1>
      %jit3A_372 = arith.constant 3 : i32
      %broadcast_in_dim3A_373 = vector.broadcast %jit3A_372 : i32 to vector<16xi32>
      %select_n3A_374 = arith.select %and3A_371, %broadcast_in_dim3A_373, %select_n3A_366 : vector<16xi1>, vector<16xi32>
      %eq3A_375 = arith.cmpf oeq, %gather3A_28, %max3A_270 : vector<16xf32>
      %ne3A_376 = arith.constant 2 : i32
      %ne3A_377 = vector.broadcast %ne3A_376 : i32 to vector<16xi32>
      %ne3A_378 = arith.cmpi ne, %select_n3A_156, %ne3A_377 : vector<16xi32>
      %and3A_379 = arith.andi %eq3A_375, %ne3A_378 : vector<16xi1>
      %jit3A_380 = arith.constant 2 : i32
      %broadcast_in_dim3A_381 = vector.broadcast %jit3A_380 : i32 to vector<16xi32>
      %select_n3A_382 = arith.select %and3A_379, %broadcast_in_dim3A_381, %select_n3A_374 : vector<16xi1>, vector<16xi32>
      %eq3A_383 = arith.cmpf oeq, %gather3A_24, %max3A_270 : vector<16xf32>
      %ne3A_384 = arith.constant 1 : i32
      %ne3A_385 = vector.broadcast %ne3A_384 : i32 to vector<16xi32>
      %ne3A_386 = arith.cmpi ne, %select_n3A_156, %ne3A_385 : vector<16xi32>
      %and3A_387 = arith.andi %eq3A_383, %ne3A_386 : vector<16xi1>
      %jit3A_388 = arith.constant 1 : i32
      %broadcast_in_dim3A_389 = vector.broadcast %jit3A_388 : i32 to vector<16xi32>
      %select_n3A_390 = arith.select %and3A_387, %broadcast_in_dim3A_389, %select_n3A_382 : vector<16xi1>, vector<16xi32>
      %eq3A_391 = arith.cmpf oeq, %gather3A, %max3A_270 : vector<16xf32>
      %ne3A_392 = arith.constant 0 : i32
      %ne3A_393 = vector.broadcast %ne3A_392 : i32 to vector<16xi32>
      %ne3A_394 = arith.cmpi ne, %select_n3A_156, %ne3A_393 : vector<16xi32>
      %and3A_395 = arith.andi %eq3A_391, %ne3A_394 : vector<16xi1>
      %jit3A_396 = arith.constant 0 : i32
      %broadcast_in_dim3A_397 = vector.broadcast %jit3A_396 : i32 to vector<16xi32>
      %select_n3A_398 = arith.select %and3A_395, %broadcast_in_dim3A_397, %select_n3A_390 : vector<16xi1>, vector<16xi32>
      %sub3A = arith.subf %max3A_270, %max3A_94 : vector<16xf32>
      %exp3A = math.exp %sub3A : vector<16xf32>
      %add3A_399 = arith.constant 1.000000e+00 : f32
      %add3A_400 = vector.broadcast %add3A_399 : f32 to vector<16xf32>
      %add3A_401 = arith.addf %add3A_400, %exp3A : vector<16xf32>
      %div3A = arith.constant 1.000000e+00 : f32
      %div3A_402 = vector.broadcast %div3A : f32 to vector<16xf32>
      %div3A_403 = arith.divf %div3A_402, %add3A_401 : vector<16xf32>
      %div3A_404 = arith.divf %exp3A, %add3A_401 : vector<16xf32>
      %broadcast_in_dim3A_405 = arith.constant 0.000000e+00 : f32
      %broadcast_in_dim3A_406 = vector.broadcast %broadcast_in_dim3A_405 : f32 to vector<16xf32>
      %eq3A_407 = arith.constant 0 : i32
      %eq3A_408 = vector.broadcast %eq3A_407 : i32 to vector<16xi32>
      %eq3A_409 = arith.cmpi eq, %select_n3A_156, %eq3A_408 : vector<16xi32>
      %eq3A_410 = arith.constant 0 : i32
      %eq3A_411 = vector.broadcast %eq3A_410 : i32 to vector<16xi32>
      %eq3A_412 = arith.cmpi eq, %select_n3A_398, %eq3A_411 : vector<16xi32>
      %select_n3A_413 = arith.select %eq3A_412, %div3A_404, %broadcast_in_dim3A_406 : vector<16xi1>, vector<16xf32>
      %select_n3A_414 = arith.select %eq3A_409, %div3A_403, %select_n3A_413 : vector<16xi1>, vector<16xf32>
      %add3A_415 = arith.constant 0 : i32
      %add3A_416 = vector.broadcast %add3A_415 : i32 to vector<16xi32>
      %add3A_417 = arith.addi %add3A_17, %add3A_416 : vector<16xi32>
      tpu.vector_store_idx %arg5[%add3A_417], %select_n3A_414 : memref<4096xf32, #tpu.memory_space<vmem>>[vector<16xi32>], vector<16xf32>,
      %eq3A_418 = arith.constant 1 : i32
      %eq3A_419 = vector.broadcast %eq3A_418 : i32 to vector<16xi32>
      %eq3A_420 = arith.cmpi eq, %select_n3A_156, %eq3A_419 : vector<16xi32>
      %eq3A_421 = arith.constant 1 : i32
      %eq3A_422 = vector.broadcast %eq3A_421 : i32 to vector<16xi32>
      %eq3A_423 = arith.cmpi eq, %select_n3A_398, %eq3A_422 : vector<16xi32>
      %select_n3A_424 = arith.select %eq3A_423, %div3A_404, %broadcast_in_dim3A_406 : vector<16xi1>, vector<16xf32>
      %select_n3A_425 = arith.select %eq3A_420, %div3A_403, %select_n3A_424 : vector<16xi1>, vector<16xf32>
      %add3A_426 = arith.constant 1 : i32
      %add3A_427 = vector.broadcast %add3A_426 : i32 to vector<16xi32>
      %add3A_428 = arith.addi %add3A_17, %add3A_427 : vector<16xi32>
      tpu.vector_store_idx %arg5[%add3A_428], %select_n3A_425 : memref<4096xf32, #tpu.memory_space<vmem>>[vector<16xi32>], vector<16xf32>,
      %eq3A_429 = arith.constant 2 : i32
      %eq3A_430 = vector.broadcast %eq3A_429 : i32 to vector<16xi32>
      %eq3A_431 = arith.cmpi eq, %select_n3A_156, %eq3A_430 : vector<16xi32>
      %eq3A_432 = arith.constant 2 : i32
      %eq3A_433 = vector.broadcast %eq3A_432 : i32 to vector<16xi32>
      %eq3A_434 = arith.cmpi eq, %select_n3A_398, %eq3A_433 : vector<16xi32>
      %select_n3A_435 = arith.select %eq3A_434, %div3A_404, %broadcast_in_dim3A_406 : vector<16xi1>, vector<16xf32>
      %select_n3A_436 = arith.select %eq3A_431, %div3A_403, %select_n3A_435 : vector<16xi1>, vector<16xf32>
      %add3A_437 = arith.constant 2 : i32
      %add3A_438 = vector.broadcast %add3A_437 : i32 to vector<16xi32>
      %add3A_439 = arith.addi %add3A_17, %add3A_438 : vector<16xi32>
      tpu.vector_store_idx %arg5[%add3A_439], %select_n3A_436 : memref<4096xf32, #tpu.memory_space<vmem>>[vector<16xi32>], vector<16xf32>,
      %eq3A_440 = arith.constant 3 : i32
      %eq3A_441 = vector.broadcast %eq3A_440 : i32 to vector<16xi32>
      %eq3A_442 = arith.cmpi eq, %select_n3A_156, %eq3A_441 : vector<16xi32>
      %eq3A_443 = arith.constant 3 : i32
      %eq3A_444 = vector.broadcast %eq3A_443 : i32 to vector<16xi32>
      %eq3A_445 = arith.cmpi eq, %select_n3A_398, %eq3A_444 : vector<16xi32>
      %select_n3A_446 = arith.select %eq3A_445, %div3A_404, %broadcast_in_dim3A_406 : vector<16xi1>, vector<16xf32>
      %select_n3A_447 = arith.select %eq3A_442, %div3A_403, %select_n3A_446 : vector<16xi1>, vector<16xf32>
      %add3A_448 = arith.constant 3 : i32
      %add3A_449 = vector.broadcast %add3A_448 : i32 to vector<16xi32>
      %add3A_450 = arith.addi %add3A_17, %add3A_449 : vector<16xi32>
      tpu.vector_store_idx %arg5[%add3A_450], %select_n3A_447 : memref<4096xf32, #tpu.memory_space<vmem>>[vector<16xi32>], vector<16xf32>,
      %eq3A_451 = arith.constant 4 : i32
      %eq3A_452 = vector.broadcast %eq3A_451 : i32 to vector<16xi32>
      %eq3A_453 = arith.cmpi eq, %select_n3A_156, %eq3A_452 : vector<16xi32>
      %eq3A_454 = arith.constant 4 : i32
      %eq3A_455 = vector.broadcast %eq3A_454 : i32 to vector<16xi32>
      %eq3A_456 = arith.cmpi eq, %select_n3A_398, %eq3A_455 : vector<16xi32>
      %select_n3A_457 = arith.select %eq3A_456, %div3A_404, %broadcast_in_dim3A_406 : vector<16xi1>, vector<16xf32>
      %select_n3A_458 = arith.select %eq3A_453, %div3A_403, %select_n3A_457 : vector<16xi1>, vector<16xf32>
      %add3A_459 = arith.constant 4 : i32
      %add3A_460 = vector.broadcast %add3A_459 : i32 to vector<16xi32>
      %add3A_461 = arith.addi %add3A_17, %add3A_460 : vector<16xi32>
      tpu.vector_store_idx %arg5[%add3A_461], %select_n3A_458 : memref<4096xf32, #tpu.memory_space<vmem>>[vector<16xi32>], vector<16xf32>,
      %eq3A_462 = arith.constant 5 : i32
      %eq3A_463 = vector.broadcast %eq3A_462 : i32 to vector<16xi32>
      %eq3A_464 = arith.cmpi eq, %select_n3A_156, %eq3A_463 : vector<16xi32>
      %eq3A_465 = arith.constant 5 : i32
      %eq3A_466 = vector.broadcast %eq3A_465 : i32 to vector<16xi32>
      %eq3A_467 = arith.cmpi eq, %select_n3A_398, %eq3A_466 : vector<16xi32>
      %select_n3A_468 = arith.select %eq3A_467, %div3A_404, %broadcast_in_dim3A_406 : vector<16xi1>, vector<16xf32>
      %select_n3A_469 = arith.select %eq3A_464, %div3A_403, %select_n3A_468 : vector<16xi1>, vector<16xf32>
      %add3A_470 = arith.constant 5 : i32
      %add3A_471 = vector.broadcast %add3A_470 : i32 to vector<16xi32>
      %add3A_472 = arith.addi %add3A_17, %add3A_471 : vector<16xi32>
      tpu.vector_store_idx %arg5[%add3A_472], %select_n3A_469 : memref<4096xf32, #tpu.memory_space<vmem>>[vector<16xi32>], vector<16xf32>,
      %eq3A_473 = arith.constant 6 : i32
      %eq3A_474 = vector.broadcast %eq3A_473 : i32 to vector<16xi32>
      %eq3A_475 = arith.cmpi eq, %select_n3A_156, %eq3A_474 : vector<16xi32>
      %eq3A_476 = arith.constant 6 : i32
      %eq3A_477 = vector.broadcast %eq3A_476 : i32 to vector<16xi32>
      %eq3A_478 = arith.cmpi eq, %select_n3A_398, %eq3A_477 : vector<16xi32>
      %select_n3A_479 = arith.select %eq3A_478, %div3A_404, %broadcast_in_dim3A_406 : vector<16xi1>, vector<16xf32>
      %select_n3A_480 = arith.select %eq3A_475, %div3A_403, %select_n3A_479 : vector<16xi1>, vector<16xf32>
      %add3A_481 = arith.constant 6 : i32
      %add3A_482 = vector.broadcast %add3A_481 : i32 to vector<16xi32>
      %add3A_483 = arith.addi %add3A_17, %add3A_482 : vector<16xi32>
      tpu.vector_store_idx %arg5[%add3A_483], %select_n3A_480 : memref<4096xf32, #tpu.memory_space<vmem>>[vector<16xi32>], vector<16xf32>,
      %eq3A_484 = arith.constant 7 : i32
      %eq3A_485 = vector.broadcast %eq3A_484 : i32 to vector<16xi32>
      %eq3A_486 = arith.cmpi eq, %select_n3A_156, %eq3A_485 : vector<16xi32>
      %eq3A_487 = arith.constant 7 : i32
      %eq3A_488 = vector.broadcast %eq3A_487 : i32 to vector<16xi32>
      %eq3A_489 = arith.cmpi eq, %select_n3A_398, %eq3A_488 : vector<16xi32>
      %select_n3A_490 = arith.select %eq3A_489, %div3A_404, %broadcast_in_dim3A_406 : vector<16xi1>, vector<16xf32>
      %select_n3A_491 = arith.select %eq3A_486, %div3A_403, %select_n3A_490 : vector<16xi1>, vector<16xf32>
      %add3A_492 = arith.constant 7 : i32
      %add3A_493 = vector.broadcast %add3A_492 : i32 to vector<16xi32>
      %add3A_494 = arith.addi %add3A_17, %add3A_493 : vector<16xi32>
      tpu.vector_store_idx %arg5[%add3A_494], %select_n3A_491 : memref<4096xf32, #tpu.memory_space<vmem>>[vector<16xi32>], vector<16xf32>,
      %eq3A_495 = arith.constant 8 : i32
      %eq3A_496 = vector.broadcast %eq3A_495 : i32 to vector<16xi32>
      %eq3A_497 = arith.cmpi eq, %select_n3A_156, %eq3A_496 : vector<16xi32>
      %eq3A_498 = arith.constant 8 : i32
      %eq3A_499 = vector.broadcast %eq3A_498 : i32 to vector<16xi32>
      %eq3A_500 = arith.cmpi eq, %select_n3A_398, %eq3A_499 : vector<16xi32>
      %select_n3A_501 = arith.select %eq3A_500, %div3A_404, %broadcast_in_dim3A_406 : vector<16xi1>, vector<16xf32>
      %select_n3A_502 = arith.select %eq3A_497, %div3A_403, %select_n3A_501 : vector<16xi1>, vector<16xf32>
      %add3A_503 = arith.constant 8 : i32
      %add3A_504 = vector.broadcast %add3A_503 : i32 to vector<16xi32>
      %add3A_505 = arith.addi %add3A_17, %add3A_504 : vector<16xi32>
      tpu.vector_store_idx %arg5[%add3A_505], %select_n3A_502 : memref<4096xf32, #tpu.memory_space<vmem>>[vector<16xi32>], vector<16xf32>,
      %eq3A_506 = arith.constant 9 : i32
      %eq3A_507 = vector.broadcast %eq3A_506 : i32 to vector<16xi32>
      %eq3A_508 = arith.cmpi eq, %select_n3A_156, %eq3A_507 : vector<16xi32>
      %eq3A_509 = arith.constant 9 : i32
      %eq3A_510 = vector.broadcast %eq3A_509 : i32 to vector<16xi32>
      %eq3A_511 = arith.cmpi eq, %select_n3A_398, %eq3A_510 : vector<16xi32>
      %select_n3A_512 = arith.select %eq3A_511, %div3A_404, %broadcast_in_dim3A_406 : vector<16xi1>, vector<16xf32>
      %select_n3A_513 = arith.select %eq3A_508, %div3A_403, %select_n3A_512 : vector<16xi1>, vector<16xf32>
      %add3A_514 = arith.constant 9 : i32
      %add3A_515 = vector.broadcast %add3A_514 : i32 to vector<16xi32>
      %add3A_516 = arith.addi %add3A_17, %add3A_515 : vector<16xi32>
      tpu.vector_store_idx %arg5[%add3A_516], %select_n3A_513 : memref<4096xf32, #tpu.memory_space<vmem>>[vector<16xi32>], vector<16xf32>,
      %eq3A_517 = arith.constant 10 : i32
      %eq3A_518 = vector.broadcast %eq3A_517 : i32 to vector<16xi32>
      %eq3A_519 = arith.cmpi eq, %select_n3A_156, %eq3A_518 : vector<16xi32>
      %eq3A_520 = arith.constant 10 : i32
      %eq3A_521 = vector.broadcast %eq3A_520 : i32 to vector<16xi32>
      %eq3A_522 = arith.cmpi eq, %select_n3A_398, %eq3A_521 : vector<16xi32>
      %select_n3A_523 = arith.select %eq3A_522, %div3A_404, %broadcast_in_dim3A_406 : vector<16xi1>, vector<16xf32>
      %select_n3A_524 = arith.select %eq3A_519, %div3A_403, %select_n3A_523 : vector<16xi1>, vector<16xf32>
      %add3A_525 = arith.constant 10 : i32
      %add3A_526 = vector.broadcast %add3A_525 : i32 to vector<16xi32>
      %add3A_527 = arith.addi %add3A_17, %add3A_526 : vector<16xi32>
      tpu.vector_store_idx %arg5[%add3A_527], %select_n3A_524 : memref<4096xf32, #tpu.memory_space<vmem>>[vector<16xi32>], vector<16xf32>,
      %eq3A_528 = arith.constant 11 : i32
      %eq3A_529 = vector.broadcast %eq3A_528 : i32 to vector<16xi32>
      %eq3A_530 = arith.cmpi eq, %select_n3A_156, %eq3A_529 : vector<16xi32>
      %eq3A_531 = arith.constant 11 : i32
      %eq3A_532 = vector.broadcast %eq3A_531 : i32 to vector<16xi32>
      %eq3A_533 = arith.cmpi eq, %select_n3A_398, %eq3A_532 : vector<16xi32>
      %select_n3A_534 = arith.select %eq3A_533, %div3A_404, %broadcast_in_dim3A_406 : vector<16xi1>, vector<16xf32>
      %select_n3A_535 = arith.select %eq3A_530, %div3A_403, %select_n3A_534 : vector<16xi1>, vector<16xf32>
      %add3A_536 = arith.constant 11 : i32
      %add3A_537 = vector.broadcast %add3A_536 : i32 to vector<16xi32>
      %add3A_538 = arith.addi %add3A_17, %add3A_537 : vector<16xi32>
      tpu.vector_store_idx %arg5[%add3A_538], %select_n3A_535 : memref<4096xf32, #tpu.memory_space<vmem>>[vector<16xi32>], vector<16xf32>,
      %eq3A_539 = arith.constant 12 : i32
      %eq3A_540 = vector.broadcast %eq3A_539 : i32 to vector<16xi32>
      %eq3A_541 = arith.cmpi eq, %select_n3A_156, %eq3A_540 : vector<16xi32>
      %eq3A_542 = arith.constant 12 : i32
      %eq3A_543 = vector.broadcast %eq3A_542 : i32 to vector<16xi32>
      %eq3A_544 = arith.cmpi eq, %select_n3A_398, %eq3A_543 : vector<16xi32>
      %select_n3A_545 = arith.select %eq3A_544, %div3A_404, %broadcast_in_dim3A_406 : vector<16xi1>, vector<16xf32>
      %select_n3A_546 = arith.select %eq3A_541, %div3A_403, %select_n3A_545 : vector<16xi1>, vector<16xf32>
      %add3A_547 = arith.constant 12 : i32
      %add3A_548 = vector.broadcast %add3A_547 : i32 to vector<16xi32>
      %add3A_549 = arith.addi %add3A_17, %add3A_548 : vector<16xi32>
      tpu.vector_store_idx %arg5[%add3A_549], %select_n3A_546 : memref<4096xf32, #tpu.memory_space<vmem>>[vector<16xi32>], vector<16xf32>,
      %eq3A_550 = arith.constant 13 : i32
      %eq3A_551 = vector.broadcast %eq3A_550 : i32 to vector<16xi32>
      %eq3A_552 = arith.cmpi eq, %select_n3A_156, %eq3A_551 : vector<16xi32>
      %eq3A_553 = arith.constant 13 : i32
      %eq3A_554 = vector.broadcast %eq3A_553 : i32 to vector<16xi32>
      %eq3A_555 = arith.cmpi eq, %select_n3A_398, %eq3A_554 : vector<16xi32>
      %select_n3A_556 = arith.select %eq3A_555, %div3A_404, %broadcast_in_dim3A_406 : vector<16xi1>, vector<16xf32>
      %select_n3A_557 = arith.select %eq3A_552, %div3A_403, %select_n3A_556 : vector<16xi1>, vector<16xf32>
      %add3A_558 = arith.constant 13 : i32
      %add3A_559 = vector.broadcast %add3A_558 : i32 to vector<16xi32>
      %add3A_560 = arith.addi %add3A_17, %add3A_559 : vector<16xi32>
      tpu.vector_store_idx %arg5[%add3A_560], %select_n3A_557 : memref<4096xf32, #tpu.memory_space<vmem>>[vector<16xi32>], vector<16xf32>,
      %eq3A_561 = arith.constant 14 : i32
      %eq3A_562 = vector.broadcast %eq3A_561 : i32 to vector<16xi32>
      %eq3A_563 = arith.cmpi eq, %select_n3A_156, %eq3A_562 : vector<16xi32>
      %eq3A_564 = arith.constant 14 : i32
      %eq3A_565 = vector.broadcast %eq3A_564 : i32 to vector<16xi32>
      %eq3A_566 = arith.cmpi eq, %select_n3A_398, %eq3A_565 : vector<16xi32>
      %select_n3A_567 = arith.select %eq3A_566, %div3A_404, %broadcast_in_dim3A_406 : vector<16xi1>, vector<16xf32>
      %select_n3A_568 = arith.select %eq3A_563, %div3A_403, %select_n3A_567 : vector<16xi1>, vector<16xf32>
      %add3A_569 = arith.constant 14 : i32
      %add3A_570 = vector.broadcast %add3A_569 : i32 to vector<16xi32>
      %add3A_571 = arith.addi %add3A_17, %add3A_570 : vector<16xi32>
      tpu.vector_store_idx %arg5[%add3A_571], %select_n3A_568 : memref<4096xf32, #tpu.memory_space<vmem>>[vector<16xi32>], vector<16xf32>,
      %eq3A_572 = arith.constant 15 : i32
      %eq3A_573 = vector.broadcast %eq3A_572 : i32 to vector<16xi32>
      %eq3A_574 = arith.cmpi eq, %select_n3A_156, %eq3A_573 : vector<16xi32>
      %eq3A_575 = arith.constant 15 : i32
      %eq3A_576 = vector.broadcast %eq3A_575 : i32 to vector<16xi32>
      %eq3A_577 = arith.cmpi eq, %select_n3A_398, %eq3A_576 : vector<16xi32>
      %select_n3A_578 = arith.select %eq3A_577, %div3A_404, %broadcast_in_dim3A_406 : vector<16xi1>, vector<16xf32>
      %select_n3A_579 = arith.select %eq3A_574, %div3A_403, %select_n3A_578 : vector<16xi1>, vector<16xf32>
      %add3A_580 = arith.constant 15 : i32
      %add3A_581 = vector.broadcast %add3A_580 : i32 to vector<16xi32>
      %add3A_582 = arith.addi %add3A_17, %add3A_581 : vector<16xi32>
      tpu.vector_store_idx %arg5[%add3A_582], %select_n3A_579 : memref<4096xf32, #tpu.memory_space<vmem>>[vector<16xi32>], vector<16xf32>,
    }
    %scan3A_12 = arith.constant 16 : i32
    "tpu.region"() ({
      %run_scoped3A = tpu.sem_alloc : memref<!tpu.dma_semaphore, #tpu.memory_space<semaphore_mem>>
      %dma_start3A = tpu.memref_slice %arg3[%mul3A_4] : memref<131072xf32, #tpu.memory_space<hbm>> -> memref<4096xf32, #tpu.memory_space<hbm>>
      %dma_start3A_13 = tpu.memref_slice %arg3[%mul3A_4] : memref<131072xf32, #tpu.memory_space<hbm>> -> memref<4096xf32, #tpu.memory_space<hbm>>
      tpu.enqueue_dma source(%arg5 : memref<4096xf32, #tpu.memory_space<vmem>>) target(%dma_start3A_13 : memref<4096xf32, #tpu.memory_space<hbm>>) target_semaphore(%run_scoped3A : memref<!tpu.dma_semaphore, #tpu.memory_space<semaphore_mem>>)
      %dma_wait3A = tpu.memref_slice %arg3[%mul3A_4] : memref<131072xf32, #tpu.memory_space<hbm>> -> memref<4096xf32, #tpu.memory_space<hbm>>
      %dma_wait3A_14 = tpu.memref_slice %arg3[%mul3A_4] : memref<131072xf32, #tpu.memory_space<hbm>> -> memref<4096xf32, #tpu.memory_space<hbm>>
      tpu.wait_dma2 semaphore(%run_scoped3A : memref<!tpu.dma_semaphore, #tpu.memory_space<semaphore_mem>>) src(%arg5 : memref<4096xf32, #tpu.memory_space<vmem>>) dst(%dma_wait3A_14 : memref<4096xf32, #tpu.memory_space<hbm>>)
      tpu.yield
    }) : () -> ()
    return
  }
}

module attributes {stable_mosaic.version = 14 : i64} {
  func.func @_logits_body(%arg0: i32, %arg1: memref<1024x2048xf32, #tpu.memory_space<vmem>>, %arg2: memref<2048x16xf32, #tpu.memory_space<vmem>>, %arg3: memref<1x16xf32, #tpu.memory_space<vmem>>, %arg4: memref<1024x16xf32, #tpu.memory_space<vmem>>) attributes {dimension_semantics = [#tpu.dimension_semantics<parallel>], iteration_bounds = array<i64: 8>, scalar_prefetch = 0 : i64, scratch_operands = 0 : i64, tpu.core_type = #tpu.core_type<tc>, window_params = [{transform_indices = @transform_0, window_bounds = array<i64: 1024, 2048>}, {pipeline_mode = #tpu.pipeline_mode<synchronous>, transform_indices = @transform_1, window_bounds = array<i64: 2048, 16>}, {pipeline_mode = #tpu.pipeline_mode<synchronous>, transform_indices = @transform_2, window_bounds = array<i64: 1, 16>}, {transform_indices = @transform_3, window_bounds = array<i64: 1024, 16>}]} {
    %get3A = arith.constant 0 : index
    %get3A_0 = arith.constant 0 : index
    %get3A_1 = vector.load %arg1[%get3A, %get3A_0] : memref<1024x2048xf32, #tpu.memory_space<vmem>>, vector<1024x2048xf32>
    %get3A_2 = arith.constant 0 : index
    %get3A_3 = arith.constant 0 : index
    %get3A_4 = vector.load %arg2[%get3A_2, %get3A_3] : memref<2048x16xf32, #tpu.memory_space<vmem>>, vector<2048x16xf32>
    %dot_general3A = arith.constant dense<0.000000e+00> : vector<1024x16xf32>
    %dot_general3A_5 = tpu.matmul %get3A_1, %get3A_4, %dot_general3A {dimension_numbers = #tpu.dot_dimension_numbers<[1], [0], [0], [1], [0, 0, 1, 1], [], []>, transpose_lhs_hint = false} : vector<1024x2048xf32>, vector<2048x16xf32>, vector<1024x16xf32> -> vector<1024x16xf32>
    %get3A_6 = arith.constant 0 : index
    %get3A_7 = arith.constant 0 : index
    %get3A_8 = vector.load %arg3[%get3A_6, %get3A_7] : memref<1x16xf32, #tpu.memory_space<vmem>>, vector<1x16xf32>
    %add3A = vector.broadcast %get3A_8 : vector<1x16xf32> to vector<1024x16xf32>
    %add3A_9 = arith.addf %dot_general3A_5, %add3A : vector<1024x16xf32>
    %swap3A = arith.constant 0 : index
    %swap3A_10 = arith.constant 0 : index
    %swap3A_11 = vector.load %arg4[%swap3A, %swap3A_10] : memref<1024x16xf32, #tpu.memory_space<vmem>>, vector<1024x16xf32>
    tpu.vector_store %arg4[%swap3A, %swap3A_10], %add3A_9 {strides = array<i32>} : memref<1024x16xf32, #tpu.memory_space<vmem>>, vector<1024x16xf32>,
    return
  }
  func.func @transform_0(%arg0: i32) -> (i32, i32) {
    %add3A = arith.constant 0 : i32
    %add3A_0 = arith.addi %arg0, %add3A : i32
    %c0_i32 = arith.constant 0 : i32
    %c0_i32_1 = arith.constant 0 : i32
    return %add3A_0, %c0_i32 : i32, i32
  }
  func.func @transform_1(%arg0: i32) -> (i32, i32) {
    %c0_i32 = arith.constant 0 : i32
    %c0_i32_0 = arith.constant 0 : i32
    %c0_i32_1 = arith.constant 0 : i32
    return %c0_i32, %c0_i32_0 : i32, i32
  }
  func.func @transform_2(%arg0: i32) -> (i32, i32) {
    %c0_i32 = arith.constant 0 : i32
    %c0_i32_0 = arith.constant 0 : i32
    %c0_i32_1 = arith.constant 0 : i32
    return %c0_i32, %c0_i32_0 : i32, i32
  }
  func.func @transform_3(%arg0: i32) -> (i32, i32) {
    %c0_i32 = arith.constant 0 : i32
    %c0_i32_0 = arith.constant 0 : i32
    return %arg0, %c0_i32 : i32, i32
  }
}

module attributes {stable_mosaic.version = 14 : i64} {
  func.func @_logits_body(%arg0: i32, %arg1: memref<1024x2048xf32, #tpu.memory_space<vmem>>, %arg2: memref<2048x16xf32, #tpu.memory_space<vmem>>, %arg3: memref<1x16xf32, #tpu.memory_space<vmem>>, %arg4: memref<1024x16xf32, #tpu.memory_space<vmem>>) attributes {dimension_semantics = [#tpu.dimension_semantics<parallel>], iteration_bounds = array<i64: 8>, scalar_prefetch = 0 : i64, scratch_operands = 0 : i64, tpu.core_type = #tpu.core_type<tc>, window_params = [{transform_indices = @transform_0, window_bounds = array<i64: 1024, 2048>}, {pipeline_mode = #tpu.pipeline_mode<synchronous>, transform_indices = @transform_1, window_bounds = array<i64: 2048, 16>}, {pipeline_mode = #tpu.pipeline_mode<synchronous>, transform_indices = @transform_2, window_bounds = array<i64: 1, 16>}, {transform_indices = @transform_3, window_bounds = array<i64: 1024, 16>}]} {
    %get3A = arith.constant 0 : index
    %get3A_0 = arith.constant 0 : index
    %get3A_1 = vector.load %arg1[%get3A, %get3A_0] : memref<1024x2048xf32, #tpu.memory_space<vmem>>, vector<1024x2048xf32>
    %get3A_2 = arith.constant 0 : index
    %get3A_3 = arith.constant 0 : index
    %get3A_4 = vector.load %arg2[%get3A_2, %get3A_3] : memref<2048x16xf32, #tpu.memory_space<vmem>>, vector<2048x16xf32>
    %dot_general3A = arith.constant dense<0.000000e+00> : vector<1024x16xf32>
    %dot_general3A_5 = tpu.matmul %get3A_1, %get3A_4, %dot_general3A {dimension_numbers = #tpu.dot_dimension_numbers<[1], [0], [0], [1], [0, 0, 1, 1], [], []>, transpose_lhs_hint = false} : vector<1024x2048xf32>, vector<2048x16xf32>, vector<1024x16xf32> -> vector<1024x16xf32>
    %get3A_6 = arith.constant 0 : index
    %get3A_7 = arith.constant 0 : index
    %get3A_8 = vector.load %arg3[%get3A_6, %get3A_7] : memref<1x16xf32, #tpu.memory_space<vmem>>, vector<1x16xf32>
    %add3A = vector.broadcast %get3A_8 : vector<1x16xf32> to vector<1024x16xf32>
    %add3A_9 = arith.addf %dot_general3A_5, %add3A : vector<1024x16xf32>
    %swap3A = arith.constant 0 : index
    %swap3A_10 = arith.constant 0 : index
    %swap3A_11 = vector.load %arg4[%swap3A, %swap3A_10] : memref<1024x16xf32, #tpu.memory_space<vmem>>, vector<1024x16xf32>
    tpu.vector_store %arg4[%swap3A, %swap3A_10], %add3A_9 {strides = array<i32>} : memref<1024x16xf32, #tpu.memory_space<vmem>>, vector<1024x16xf32>,
    return
  }
  func.func @transform_0(%arg0: i32) -> (i32, i32) {
    %add3A = arith.constant 8 : i32
    %add3A_0 = arith.addi %arg0, %add3A : i32
    %c0_i32 = arith.constant 0 : i32
    %c0_i32_1 = arith.constant 0 : i32
    return %add3A_0, %c0_i32 : i32, i32
  }
  func.func @transform_1(%arg0: i32) -> (i32, i32) {
    %c0_i32 = arith.constant 0 : i32
    %c0_i32_0 = arith.constant 0 : i32
    %c0_i32_1 = arith.constant 0 : i32
    return %c0_i32, %c0_i32_0 : i32, i32
  }
  func.func @transform_2(%arg0: i32) -> (i32, i32) {
    %c0_i32 = arith.constant 0 : i32
    %c0_i32_0 = arith.constant 0 : i32
    %c0_i32_1 = arith.constant 0 : i32
    return %c0_i32, %c0_i32_0 : i32, i32
  }
  func.func @transform_3(%arg0: i32) -> (i32, i32) {
    %c0_i32 = arith.constant 0 : i32
    %c0_i32_0 = arith.constant 0 : i32
    return %arg0, %c0_i32 : i32, i32
  }
}

</mosaic_0001>

<sc_bundles>
// kernel: kernel.6.cloned.1.call-start
scs
__scs_entry_jumppad:
0x0: {  	(pc) =	sbr.rel $0x88, $3  }
0x1: {  	(tag) =	ssettag $0x0;
	lr =	simm.s32 $0x1  }
0x2: {  	[smem:$0x3F9E] =	sst lr;
	_ =	strace $0xD0000000  }
0x3: {  	_ = 	snop  }
0x4: {  	_ = 	snop  }
0x5: {  	_ = 	snop  }
0x6: {  	_ = 	snop  }
0x7: {  	_ = 	snop  }
__scs_overlays_trampoline_lowered:
0x8: {  	[smem:$0x3FAD] =	sst s0  }
0x9: {  	[smem:$0x3FAE] =	sst s1  }
0xa: {  	[smem:$0x3FAF] =	sst s2  }
0xb: {  	[smem:$0x3FB0] =	sst s3  }
0xc: {  	[smem:$0x3FB1] =	sst s4  }
0xd: {  	[smem:$0x3FB2] =	sst s5  }
0xe: {  	[smem:$0x3FB3] =	sst s6  }
0xf: {  	[smem:$0x3FB4] =	sst s7  }
0x10: {  	[smem:$0x3FB5] =	sst s8  }
0x11: {  	[smem:$0x3FB6] =	sst s9;
	s0 =	simm.s32 @!p0 $0x0  }
0x12: {  	s1 =	sld [smem:$0x3F9C];
	s0 =	simm.s32 @p0 $0x1  }
0x13: {  	[smem:$0x3FB7] =	sst s0;
	s0 =	simm.s32 @!p1 $0x0  }
0x14: {  	s2 =	sld [smem:$0x3F9B];
	s0 =	simm.s32 @p1 $0x1  }
0x15: {  	[smem:$0x3FB8] =	sst s0;
	s0 =	simm.s32 @!p2 $0x0  }
0x16: {  	s3 =	sld [smem:$0x3FDB];
	s0 =	simm.s32 @p2 $0x1  }
0x17: {  	s4 =	simm.s32 $0x1BF5;
	[smem:$0x3FBA] =	sst s0  }
0x18: {  	s0 =	sld [smem:$0x3F9D];
	_ =	swait.ge [sflag:s4], $0x0  }
0x19: {  	s7 =	sld [smem:$0x3F9E]  }
0x1a: {  	s8 =	sadd.s32 $0xFFFFE003, lr  }
0x1b: {  	s9 =	sadd.s32 $0xFFFFFEF7, lr;
	s5 =	simm.s32 $0xFFFFFFFF;
	p2 =	slt.u32 s8, $0xFFFFF086  }
0x1c: {  	p1 =	slt.u32 s9, $0xF7A;
	s5 =	simm.s32 @!p2 $0x0  }
0x1d: {  	s5 =	simm.s32 @p1 $0x1;
	p0 =	seq.s32 s7, s2  }
0x1e: {  	s7 =	smul.u32 @!p0 $0xF7A, s2;
	p2 =	seq.s32 @!p0 s5, $0x0  }
0x1f: {  	s9 =	smul.u32 $0xF7A, s1;
	s8 =	simm.s32 @!p0 $0x1BF5;
	p2 =	por !p2, p0  }
0x20: {  	[sflag:s8] =	ssyncset.s32 @!p0 $0xFFFFF086;
	s6 =	sadd.s32 @!p0 s3, s7;
	s7 =	simm.s32 @!p0 $0x108  }
0x21: {  	s3 =	sadd.s32 s3, s9;
	s6 =	sadd.s32 @!p0 $0x88, s6;
	s7 =	simm.s32 @p2 $0x1082  }
0x22: {  	[simem:s7], [sflag:s8] =	dma.local @!p0 [hbm:s6], $0xF7A  }
0x23: {  	s9 =	sor.u32 $0xD0000000, s2;
	s6 =	simm.s32 $0x108;
	_ =	swait.ge @!p0 [sflag:s8], $0x0  }
0x24: {  	s3 =	sadd.s32 $0x88, s3;
	s6 =	simm.s32 @!p1 $0x1082;
	[sflag:s4] =	ssyncset.s32 $0xFFFFF086  }
0x25: {  	[simem:s6], [sflag:s4] =	dma.local [hbm:s3], $0xF7A  }
0x26: {  	[smem:$0x3F9E] =	sst s1;
	(tag) =	ssettag s2;
	_ =	strace s9  }
0x27: {  	s1 =	sld [smem:$0x3FAE]  }
0x28: {  	s2 =	sld [smem:$0x3FAF]  }
0x29: {  	s4 =	sld [smem:$0x3FB1]  }
0x2a: {  	p0 =	seq.s32 s5, $0x0;
	s5 =	sld [smem:$0x3FB2]  }
0x2b: {  	s6 =	sld [smem:$0x3FB3]  }
0x2c: {  	s7 =	sld [smem:$0x3FB4]  }
0x2d: {  	s3 =	simm.s32 $0x108;
	s8 =	sld [smem:$0x3FB5]  }
0x2e: {  	s3 =	simm.s32 @!p0 $0x1082;
	s9 =	sld [smem:$0x3FB6]  }
0x2f: {  	lr =	sadd.s32 s0, s3;
	s0 =	sld [smem:$0x3FAD]  }
0x30: {  	s3 =	sld [smem:$0x3FB0]  }
0x31: {  	[smem:$0x3FB9] =	sst s10  }
0x32: {  	s10 =	sld [smem:$0x3FB7];
	_ =	sdelay $0x3  }
0x33: {  	p0 =	seq.s32 s10, $0x1;
	s10 =	sld [smem:$0x3FB9];
	_ =	sdelay $0x3  }
0x34: {  	[smem:$0x3FB9] =	sst s10  }
0x35: {  	s10 =	sld [smem:$0x3FB8];
	_ =	sdelay $0x3  }
0x36: {  	p1 =	seq.s32 s10, $0x1;
	s10 =	sld [smem:$0x3FB9];
	_ =	sdelay $0x3  }
0x37: {  	[smem:$0x3FB9] =	sst s10  }
0x38: {  	s10 =	sld [smem:$0x3FBA]  }
0x39: {  	_ = 	snop;
	(pc) =	sbr.ind lr, $3  }
0x3a: {  	_ = 	snop  }
0x3b: {  	_ = 	snop  }
0x3c: {  	p2 =	seq.s32 s10, $0x1;
	s10 =	sld [smem:$0x3FB9]  }
0x3d: {  	_ =	shalt  }
0x3e: {  	_ =	shalt  }
0x3f: {  	_ =	shalt  }
0x40: {  	_ =	shalt  }
0x41: {  	_ =	shalt  }
0x42: {  	_ =	shalt  }
0x43: {  	_ =	shalt  }
0x44: {  	_ =	shalt  }
0x45: {  	_ =	shalt  }
0x46: {  	_ =	shalt  }
0x47: {  	_ =	shalt  }
0x48: {  	_ =	shalt  }
0x49: {  	_ =	shalt  }
0x4a: {  	_ =	shalt  }
0x4b: {  	_ =	shalt  }
0x4c: {  	_ =	shalt  }
0x4d: {  	_ =	shalt  }
0x4e: {  	_ =	shalt  }
0x4f: {  	_ =	shalt  }
0x50: {  	_ =	shalt  }
0x51: {  	_ =	shalt  }
0x52: {  	_ =	shalt  }
0x53: {  	_ =	shalt  }
0x54: {  	_ =	shalt  }
0x55: {  	_ =	shalt  }
0x56: {  	_ =	shalt  }
0x57: {  	_ =	shalt  }
0x58: {  	_ =	shalt  }
0x59: {  	_ =	shalt  }
0x5a: {  	_ =	shalt  }
0x5b: {  	_ =	shalt  }
0x5c: {  	_ =	shalt  }
0x5d: {  	_ =	shalt  }
0x5e: {  	_ =	shalt  }
0x5f: {  	_ =	shalt  }
0x60: {  	_ =	shalt  }
0x61: {  	_ =	shalt  }
0x62: {  	_ =	shalt  }
0x63: {  	_ =	shalt  }
0x64: {  	_ =	shalt  }
0x65: {  	_ =	shalt  }
0x66: {  	_ =	shalt  }
0x67: {  	_ =	shalt  }
0x68: {  	_ =	shalt  }
0x69: {  	_ =	shalt  }
0x6a: {  	_ =	shalt  }
0x6b: {  	_ =	shalt  }
0x6c: {  	_ =	shalt  }
0x6d: {  	_ =	shalt  }
0x6e: {  	_ =	shalt  }
0x6f: {  	_ =	shalt  }
0x70: {  	_ =	shalt  }
0x71: {  	_ =	shalt  }
0x72: {  	_ =	shalt  }
0x73: {  	_ =	shalt  }
0x74: {  	_ =	shalt  }
0x75: {  	_ =	shalt  }
0x76: {  	_ =	shalt  }
0x77: {  	_ =	shalt  }
0x78: {  	_ =	shalt  }
0x79: {  	_ =	shalt  }
0x7a: {  	_ =	shalt  }
0x7b: {  	_ =	shalt  }
0x7c: {  	_ =	shalt  }
0x7d: {  	_ =	shalt  }
0x7e: {  	_ =	shalt  }
0x7f: {  	_ =	shalt  }
0x80: {  	_ =	shalt  }
0x81: {  	_ =	shalt  }
0x82: {  	_ =	shalt  }
0x83: {  	_ =	shalt  }
0x84: {  	_ =	shalt  }
0x85: {  	_ =	shalt  }
0x86: {  	_ =	shalt  }
0x87: {  	_ =	shalt  }
.Lfunc_end0:
.L_simem_size_0:
called_computation_lowered:
.L_overlay_start_0:
0x88: {  	s2 =	sld [smem:$0x3FD9]  }
0x89: {  	s3 =	sld [smem:$0x3FFE];
	_ =	sdelay $0x1  }
0x8a: {  	s1 =	srdreg.scid  }
0x8b: {  	s0 =	sand.u32 $0x1, s1  }
0x8c: {  	s16 =	sshll.u32 s0, $0xA;
	s2 =	sadd.s32 s3, s2  }
0x8d: {  	s2 =	sadd.s32 s2, s16  }
0x8e: {  	[smem:$0x3FC5] =	sst s2  }
0x8f: {  	_ = 	snop  }
0x90: {  	(tm) =	ssettm $0x1  }
0x91: {  	s17 =	sld [smem:$0x3FFB];
	_ =	sdelay $0x3  }
0x92: {  	_ =	strace s17  }
0x93: {  	s2 =	sld [smem:$0x3FFC];
	_ =	sdelay $0x3  }
0x94: {  	_ =	strace s2  }
0x95: {  	s2 =	sld [smem:$0x3FFD];
	_ =	sdelay $0x3  }
0x96: {  	_ =	strace s2  }
0x97: {  	_ =	strace $0x8FFFFFFF  }
0x98: {  	s18 =	sld [smem:$0x3FDB];
	_ =	sdelay $0x1  }
0x99: {  	s19 =	simm.s32 $_scs_section_size  }
0x9a: {  	s4 =	simm.s32 $_size__tile_overlayer_lowered;
	s5 =	simm.s32 $_tile_overlayer_lowered  }
0x9b: {  	s22 =	simm.s32 $0x1BFF;
	s21 =	sshll.u32 s5, $0x1;
	s2 =	sadd.s32 s19, s18  }
0x9c: {  	s6 =	simm.s32 $0x0;
	s20 =	sshll.u32 s4, $0x1;
	s4 =	sadd.s32 s21, s2  }
0x9d: {  	[timem:s6], [sflag:s22] =	dma.local [hbm:s4], s20  }
0x9e: {  	_ =	swait.ge [sflag:s22], s20  }
0x9f: {  	s3 =	ssub.s32 $0x0, s20;
	[sflag:s22] =	ssyncset.done $0x0  }
0xa0: {  	[sflag:s22] =	ssyncadd.s32 s3;
	_ =	sdelay $0x1  }
0xa1: {  	s23 =	simm.s32 $0x1B8B  }
0xa2: {  	_ =	swait.ge [sflag:s23], $0x1  }
0xa3: {  	[sflag:s23] =	ssyncset.done $0x0  }
0xa4: {  	s25 =	simm.s32 $0x1B8E;
	s24 =	sld [smem:$0x3FFE];
	[sflag:s23] =	ssyncadd.s32 $0xFFFFFFFF  }
0xa5: {  	s26 =	simm.s32 $execute0_lowered;
	[smem:$0x3FD2] =	sst s25  }
0xa6: {  	s4 =	sshll.u32 s26, $0x1;
	_ =	strace $0x80000046;
	[dreg:$0x1] =	wrdreg $0xFFFFFFFF  }
0xa7: {  	s28 =	simm.s32 $_size_execute0_lowered;
	s2 =	sadd.s32 s2, s4;
	[dreg:$0x0] =	wrdreg $0x0  }
0xa8: {  	s4 =	sshll.u32 s28, $0x1;
	[dreg:$0x2] =	wrdreg s2  }
0xa9: {  	[dreg:$0x3] =	wrdreg s4  }
0xaa: {  	[dreg:$0x4] =	wrdreg $0xC0  }
0xab: {  	_ =	task [dreg:s6], $0x5FFFF  }
0xac: {  	[dreg:$0x1] =	wrdreg $0xFFFFFFFF  }
0xad: {  	[dreg:$0x0] =	wrdreg $0x60  }
0xae: {  	[dreg:$0x2] =	wrdreg s24  }
0xaf: {  	[dreg:$0x3] =	wrdreg $0x9  }
0xb0: {  	_ =	task.clear_ibuf [dreg:s6], $0x4FFFF;
	_ =	strace $0x90000046  }
0xb1: {  	s29 =	simm.s32 $0x9;
	_ =	strace $0x80000048  }
0xb2: {  	_ =	swait.ge [sflag:s29], $0x1  }
0xb3: {  	[sflag:s29] =	ssyncadd.s32 $0xFFFFFFFF  }
0xb4: {  	_ =	strace $0x90000048  }
0xb5: {  	_ =	sfence  }
0xb6: {  	s30 =	sld [smem:$0x0];
	_ =	sdelay $0x2  }
0xb7: {  	s31 =	sshll.u32 s1, $0xD;
	s1 =	sshrl.u32 s1, $0x2  }
0xb8: {  	s3 =	sand.u32 $0x4000, s31;
	s1 =	sadd.s32 s1, s30  }
0xb9: {  	s0 =	sor.u32 s3, s0;
	s1 =	sshll.u32 s1, $0x11  }
0xba: {  	s0 =	sor.u32 s1, s0  }
0xbb: {  	s0 =	sadd.s32 $0x8F2B, s0  }
0xbc: {  	[sflag:s0] =	ssyncadd.remote.s32 $0x1  }
0xbd: {  	_ =	sfence.sel $0xFFFF  }
0xbe: {  	[dreg:$0x0] =	wrdreg $0xFFFFFFFF;
	(pc) =	sbr.abs _section_cstart, $3  }
0xbf: {  	[dreg:$0x1] =	wrdreg $0xFFFFFFFF  }
0xc0: {  	_ =	task.clear_ibuf [dreg:s6], $0x2FFFF;
	_ =	strace $0x9FFFFFFF  }
0xc1: {  	(tm) =	ssettm $0x7FFFFFFF  }
tec
execute0_lowered:
.L_overlay_start_1:
0x0: {  	(tag) =	ssettag $0x1  }
0x1: {  	v0 =	vlaneseq.u32  }
0x2: {  	s3 =	rddreg [dreg:$0x0];
	v1 =	vand.u32 $0x7, v0;
	v0 =	vmul.u32 $0x10, v0  }
0x3: {  	s0 =	rddreg [dreg:$0x1];
	s4 =	srdreg.scid  }
0x4: {  	s2 =	simm.s32 $0x0;
	s1 =	stileid.u32;
	v17 =	vimm.s32 $0x10;
	s4 =	sand.u32 $0x1, s4;
	v1 =	vmul.u32 $0x10, v1;
	v2 =	vor.u32 $0x1, v0  }
0x5: {  	s7 =	simm.s32 $0x1000;
	s5 =	sshll.u32 s1, $0xA;
	s6 =	sshll.u32 s4, $0x9;
	v3 =	vor.u32 $0x2, v0;
	v4 =	vor.u32 $0x3, v0;
	v5 =	vor.u32 $0x4, v0  }
0x6: {  	s8 =	simm.s32 $0x0;
	s4 =	ssub.s32 $0x2, s4;
	s5 =	sor.u32 s6, s5;
	v6 =	vor.u32 $0x5, v0;
	v7 =	vor.u32 $0x6, v0;
	v8 =	vor.u32 $0x7, v0  }
0x7: {  	[smem:$0x7FF] =	sst s2;
	s31 =	sshrl.u32 s4, $0x1;
	v9 =	vor.u32 $0x8, v0;
	v10 =	vor.u32 $0x9, v0;
	v11 =	vor.u32 $0xA, v0;
	s5 =	sadd.s32 s5, s3  }
0x8: {  	_ =	strace $0x80000047;
	v12 =	vor.u32 $0xB, v0;
	v13 =	vor.u32 $0xC, v0;
	v14 =	vor.u32 $0xD, v0;
	s6 =	ssub.s32 s4, s31;
	s3 =	sadd.s32 $0xC00, s5  }
0x9: {  	v15 =	vor.u32 $0xE, v0;
	v16 =	vor.u32 $0xF, v0;
	v1 =	vor.u32 $0xFFFFFF80, v1;
	s4 =	sadd.s32 $0x4C00, s5;
	s5 =	smax.u32 s6, $0x1;
	s6 =	simm.s32 $0x1  }
.LBB2_1:
0xa: {  	v18 =	vor.u32 s2, v0;
	v32 =	vor.u32 s2, v2  }
0xb: {  	[tilespmem:s2], [sflag:$0x1] =	stream.linear.gather [hbm4b:s3+s2], $0x1000, $0x38;
	v33 =	vand.u32 v1, v18;
	[tilespmem:$0x2000] =	vst v63  }
0xc: {  	v31 =	vor.u32 s2, v3;
	_ =	swait.ge [sflag:s6], $0x1000  }
0xd: {  	v30 =	vor.u32 s2, v4;
	[sflag:s6] =	ssyncset.done $0x0  }
0xe: {  	v29 =	vor.u32 s2, v5;
	[sflag:s6] =	ssyncadd.s32 $0xFFFFF000  }
0xf: {  	v28 =	vor.u32 s2, v6;
	v35 =	vld.idx.msk [tilespmem:v32+s2+$0x0], $0xffff  }
0x10: {  	v27 =	vor.u32 s2, v7;
	v34 =	vld.idx.msk [tilespmem:v33+s2+$0x0], $0xffff  }
0x11: {  	v26 =	vor.u32 s2, v8;
	v36 =	vld.idx.msk [tilespmem:v31+s2+$0x0], $0xffff  }
0x12: {  	v25 =	vor.u32 s2, v9;
	v37 =	vld.idx.msk [tilespmem:v30+s2+$0x0], $0xffff  }
0x13: {  	v24 =	vor.u32 s2, v10;
	v38 =	vld.idx.msk [tilespmem:v29+s2+$0x0], $0xffff  }
0x14: {  	v22 =	vor.u32 s2, v11;
	v39 =	vld.idx.msk [tilespmem:v28+s2+$0x0], $0xffff  }
0x15: {  	v23 =	vor.u32 s2, v12;
	v40 =	vld.idx.msk [tilespmem:v27+s2+$0x0], $0xffff;
	v19 =	vmax.f32 v34, v35  }
0x16: {  	v18 =	vor.u32 s2, v13;
	v41 =	vld.idx.msk [tilespmem:v26+s2+$0x0], $0xffff;
	v20 =	vmax.f32 v19, v36  }
0x17: {  	v42 =	vld.idx.msk [tilespmem:v25+s2+$0x0], $0xffff;
	v19 =	vor.u32 s2, v14;
	v21 =	vmax.f32 v20, v37  }
0x18: {  	v43 =	vld.idx.msk [tilespmem:v24+s2+$0x0], $0xffff;
	v20 =	vor.u32 s2, v15;
	v44 =	vmax.f32 v21, v38  }
0x19: {  	v45 =	vld.idx.msk [tilespmem:v22+s2+$0x0], $0xffff;
	v21 =	vor.u32 s2, v16;
	v44 =	vmax.f32 v44, v39  }
0x1a: {  	v46 =	vld.idx.msk [tilespmem:v23+s2+$0x0], $0xffff;
	v44 =	vmax.f32 v44, v40  }
0x1b: {  	v47 =	vld.idx.msk [tilespmem:v18+s2+$0x0], $0xffff;
	v44 =	vmax.f32 v44, v41  }
0x1c: {  	v48 =	vld.idx.msk [tilespmem:v19+s2+$0x0], $0xffff;
	v44 =	vmax.f32 v44, v42  }
0x1d: {  	v49 =	vld.idx.msk [tilespmem:v20+s2+$0x0], $0xffff;
	v44 =	vmax.f32 v44, v43  }
0x1e: {  	v50 =	vld.idx.msk [tilespmem:v21+s2+$0x0], $0xffff;
	v44 =	vmax.f32 v44, v45  }
0x1f: {  	v44 =	vmax.f32 v44, v46  }
0x20: {  	v44 =	vmax.f32 v44, v47  }
0x21: {  	v44 =	vmax.f32 v44, v48  }
0x22: {  	v44 =	vmax.f32 v44, v49  }
0x23: {  	v44 =	vmax.f32 v44, v50  }
0x24: {  	vm0 =	veq.f32 v50, v44  }
0x25: {  	vm15 =	veq.f32 v49, v44;
	v51 =	vsel vm0, $0xF, v17  }
0x26: {  	vm4 =	veq.f32 v48, v44;
	v51 =	vsel vm15, $0xE, v51  }
0x27: {  	vm5 =	veq.f32 v47, v44;
	v51 =	vsel vm4, $0xD, v51  }
0x28: {  	vm6 =	veq.f32 v46, v44;
	v51 =	vsel vm5, $0xC, v51  }
0x29: {  	vm7 =	veq.f32 v45, v44;
	v51 =	vsel vm6, $0xB, v51  }
0x2a: {  	vm8 =	veq.f32 v43, v44;
	v51 =	vsel vm7, $0xA, v51  }
0x2b: {  	vm9 =	veq.f32 v42, v44;
	v51 =	vsel vm8, $0x9, v51  }
0x2c: {  	vm10 =	veq.f32 v41, v44;
	v51 =	vsel vm9, $0x8, v51  }
0x2d: {  	vm1 =	veq.f32 v40, v44;
	v51 =	vsel vm10, $0x7, v51  }
0x2e: {  	vm11 =	veq.f32 v39, v44;
	v51 =	vsel vm1, $0x6, v51  }
0x2f: {  	vm12 =	veq.f32 v38, v44;
	v51 =	vsel vm11, $0x5, v51  }
0x30: {  	vm13 =	veq.f32 v37, v44;
	v51 =	vsel vm12, $0x4, v51  }
0x31: {  	vm14 =	veq.f32 v36, v44;
	v51 =	vsel vm13, $0x3, v51  }
0x32: {  	vm15 =	veq.f32 v35, v44;
	v51 =	vsel vm14, $0x2, v51  }
0x33: {  	vm4 =	veq.f32 v34, v44;
	v51 =	vsel vm15, $0x1, v51  }
0x34: {  	v51 =	vsel vm4, $0x0, v51  }
0x35: {  	v62 =	vimm.s32 $0x0;
	v52 =	vmax.f32 v34, $-3.000000010e+38;
	vm13 =	veq.s32 v51, $0x0  }
0x36: {  	vm14 =	veq.s32 v51, $0x1;
	vm15 =	veq.s32 v51, $0x2;
	vm12 =	veq.s32 v51, $0x3  }
0x37: {  	vm10 =	veq.s32 v51, $0x4;
	vm9 =	veq.s32 v51, $0x5;
	vm11 =	veq.s32 v51, $0x6  }
0x38: {  	vm6 =	veq.s32 v51, $0x7;
	v52 =	vsel vm13, $0xFF61B1E6, v52;
	v53 =	vsel vm14, $0xFF61B1E6, v35  }
0x39: {  	vm7 =	veq.s32 v51, $0x8;
	v56 =	vsel vm15, $0xFF61B1E6, v36;
	v52 =	vmax.f32 v52, v53  }
0x3a: {  	vm8 =	veq.s32 v51, $0x9;
	v57 =	vsel vm12, $0xFF61B1E6, v37;
	v52 =	vmax.f32 v52, v56  }
0x3b: {  	vm5 =	veq.s32 v51, $0xA;
	v54 =	vsel vm10, $0xFF61B1E6, v38;
	v52 =	vmax.f32 v52, v57  }
0x3c: {  	vm1 =	veq.s32 v51, $0xB;
	v58 =	vsel vm9, $0xFF61B1E6, v39;
	v52 =	vmax.f32 v52, v54  }
0x3d: {  	vm4 =	veq.s32 v51, $0xD;
	v59 =	vsel vm11, $0xFF61B1E6, v40;
	v52 =	vmax.f32 v52, v58  }
0x3e: {  	v60 =	vsel vm6, $0xFF61B1E6, v41;
	v61 =	vsel vm7, $0xFF61B1E6, v42;
	v52 =	vmax.f32 v52, v59  }
0x3f: {  	v63 =	vsel vm8, $0xFF61B1E6, v43;
	v57 =	vimm.s32 $0x0;
	v52 =	vmax.f32 v52, v60  }
0x40: {  	v53 =	vsel vm5, $0xFFFFFFFF, v62;
	v54 =	vsel vm1, $0xFFFFFFFF, v57;
	v52 =	vmax.f32 v52, v61  }
0x41: {  	v58 =	vsel vm5, $0xFF61B1E6, v45;
	vm5 =	veq.s32 v51, $0xC;
	v52 =	vmax.f32 v52, v63  }
0x42: {  	v59 =	vsel vm1, $0xFF61B1E6, v46;
	vm1 =	veq.s32 v51, $0xE;
	v52 =	vmax.f32 v52, v58  }
0x43: {  	v60 =	vimm.s32 $0x0;
	v61 =	vsel vm5, $0xFF61B1E6, v47;
	v52 =	vmax.f32 v52, v59  }
0x44: {  	[tilespmem:$0x1FFC0] =	vst v54;
	v54 =	vsel vm4, $0xFFFFFFFF, v60;
	v63 =	vsel vm4, $0xFF61B1E6, v48;
	v52 =	vmax.f32 v52, v61  }
0x45: {  	vm4 =	veq.s32 v51, $0xF;
	v58 =	vsel vm1, $0xFF61B1E6, v49;
	v52 =	vmax.f32 v52, v63  }
0x46: {  	v59 =	vsel vm4, $0xFF61B1E6, v50;
	v52 =	vmax.f32 v52, v58  }
0x47: {  	v52 =	vmax.f32 v52, v59  }
0x48: {  	v44 =	vsub.f32 v52, v44  }
0x49: {  	vm2 =	vne.s32 v51, $0xE;
	vm3 =	vne.s32 v51, $0xF  }
0x4a: {  	v62 =	vimm.s32 $0x0;
	[tilespmem:$0x1FFB0] =	vst v53;
	v57 =	vimm.s32 $0x0;
	v44 =	vmul.f32 $1.442695020e+00, v44  }
0x4b: {  	v53 =	vsel vm1, $0xFFFFFFFF, v62;
	[tilespmem:$0x1FFD0] =	vst v54;
	v54 =	vsel vm4, $0xFFFFFFFF, v57;
	vm0 =	veq.f32 v49, v52  }
0x4c: {  	vm4 =	veq.f32 v50, v52;
	vm0 =	vmand vm2, vm0;
	(erf) = vpow2.f32 v44  }
0x4d: {  	vm1 =	vmand vm3, vm4;
	vm4 =	veq.f32 v48, v52;
	vm2 =	vne.s32 v51, $0xB  }
0x4e: {  	vm3 =	veq.f32 v46, v52;
	v60 =	vsel vm1, $0xF, v17;
	vm1 =	vne.s32 v51, $0xD  }
0x4f: {  	vm2 =	vmand vm2, vm3;
	vm3 =	veq.f32 v43, v52;
	vm1 =	vmand vm1, vm4  }
0x50: {  	vm4 =	veq.f32 v47, v52;
	v44 =	vsel vm0, $0xE, v60;
	vm0 =	vne.s32 v51, $0xC  }
0x51: {  	vm0 =	vmand vm0, vm4;
	v44 =	vsel vm1, $0xD, v44;
	vm4 =	veq.f32 v45, v52  }
0x52: {  	vm1 =	vne.s32 v51, $0x9;
	v44 =	vsel vm0, $0xC, v44;
	vm0 =	vne.s32 v51, $0xA  }
0x53: {  	vm1 =	vmand vm1, vm3;
	vm0 =	vmand vm0, vm4  }
0x54: {  	v44 =	vsel vm2, $0xB, v44;
	vm2 =	vne.s32 v51, $0x8;
	vm4 =	veq.f32 v42, v52  }
0x55: {  	v61 =	vsel vm0, $0xA, v44;
	vm0 =	vmand vm2, vm4;
	vm4 =	veq.f32 v41, v52;
	v62 =	vpop (erf)  }
0x56: {  	v42 =	vsel vm1, $0x9, v61;
	vm1 =	vne.s32 v51, $0x7;
	v45 =	vadd.f32 $1.000000000e+00, v62  }
0x57: {  	vm1 =	vmand vm1, vm4;
	v63 =	vsel vm0, $0x8, v42;
	vm0 =	vne.s32 v51, $0x6  }
0x58: {  	vm4 =	veq.f32 v40, v52;
	v41 =	vsel vm1, $0x7, v63;
	(erf) = vrcp.f32 v45  }
0x59: {  	vm0 =	vmand vm0, vm4;
	vm1 =	veq.f32 v39, v52;
	vm4 =	vne.s32 v51, $0x5  }
0x5a: {  	vm3 =	veq.f32 v37, v52;
	vm2 =	veq.f32 v38, v52;
	vm1 =	vmand vm4, vm1  }
0x5b: {  	v46 =	vsel vm0, $0x6, v41;
	vm0 =	vne.s32 v51, $0x3;
	vm4 =	vne.s32 v51, $0x4  }
0x5c: {  	vm0 =	vmand vm0, vm3;
	vm2 =	vmand vm4, vm2;
	v47 =	vsel vm1, $0x5, v46  }
0x5d: {  	vm1 =	veq.f32 v36, v52;
	vm4 =	vne.s32 v51, $0x2;
	v37 =	vsel vm2, $0x4, v47  }
0x5e: {  	vm4 =	vmand vm4, vm1;
	v48 =	vsel vm0, $0x3, v37  }
0x5f: {  	vm0 =	veq.f32 v35, v52;
	v36 =	vsel vm4, $0x2, v48;
	vm4 =	vne.s32 v51, $0x1  }
0x60: {  	vm1 =	veq.f32 v34, v52;
	vm0 =	vmand vm4, vm0;
	vm4 =	vne.s32 v51, $0x0  }
0x61: {  	v49 =	vsel vm0, $0x1, v36;
	vm4 =	vmand vm4, vm1;
	v50 =	vpop (erf)  }
0x62: {  	v34 =	vsel vm4, $0x0, v49;
	v51 =	vmul.f32 v50, v62  }
0x63: {  	vm0 =	veq.s32 v34, $0x0  }
0x64: {  	[tilespmem:$0x1FFE0] =	vst v53;
	vm4 =	veq.s32 v34, $0x1;
	v52 =	vnsel vm0, $0x0, v51  }
0x65: {  	[tilespmem:$0x1FFF0] =	vst v54;
	v53 =	vnsel vm4, $0x0, v51;
	vm4 =	veq.s32 v34, $0x2;
	v37 =	vsel vm13, v50, v52  }
0x66: {  	v54 =	vnsel vm4, $0x0, v51;
	v38 =	vsel vm14, v50, v53;
	vm14 =	veq.s32 v34, $0x3;
	[tilespmem:v33+s7+$0x0] =	vst.idx.msk $0xffff, v37  }
0x67: {  	v39 =	vsel vm15, v50, v54;
	vm15 =	veq.s32 v34, $0x4;
	v55 =	vnsel vm14, $0x0, v51;
	[tilespmem:v32+s7+$0x0] =	vst.idx.msk $0xffff, v38  }
0x68: {  	vm4 =	veq.s32 v34, $0x5;
	v56 =	vnsel vm15, $0x0, v51;
	v40 =	vsel vm12, v50, v55;
	[tilespmem:v31+s7+$0x0] =	vst.idx.msk $0xffff, v39  }
0x69: {  	v57 =	vnsel vm4, $0x0, v51;
	vm12 =	veq.s32 v34, $0x6;
	v58 =	vsel vm10, v50, v56;
	[tilespmem:v30+s7+$0x0] =	vst.idx.msk $0xffff, v40  }
0x6a: {  	v60 =	vsel vm9, v50, v57;
	v59 =	vnsel vm12, $0x0, v51;
	[tilespmem:v29+s7+$0x0] =	vst.idx.msk $0xffff, v58  }
0x6b: {  	v37 =	vsel vm11, v50, v59;
	[tilespmem:v28+s7+$0x0] =	vst.idx.msk $0xffff, v60  }
0x6c: {  	vm14 =	veq.s32 v34, $0x7;
	[tilespmem:v27+s7+$0x0] =	vst.idx.msk $0xffff, v37;
	v27 =	vld [tilespmem:$0x1FFB0]  }
0x6d: {  	vm13 =	veq.s32 v34, $0x8;
	v31 =	vnsel vm14, $0x0, v51  }
0x6e: {  	v61 =	vnsel vm13, $0x0, v51;
	vm15 =	veq.s32 v34, $0x9;
	v30 =	vsel vm6, v50, v31  }
0x6f: {  	v31 =	vnsel vm15, $0x0, v51;
	v29 =	vsel vm7, v50, v61;
	[tilespmem:v26+s7+$0x0] =	vst.idx.msk $0xffff, v30  }
0x70: {  	vm6 =	veq.s32 v34, $0xA;
	v31 =	vsel vm8, v50, v31;
	[tilespmem:v25+s7+$0x0] =	vst.idx.msk $0xffff, v29  }
0x71: {  	v28 =	vnsel vm6, $0x0, v51;
	[tilespmem:v24+s7+$0x0] =	vst.idx.msk $0xffff, v31;
	v24 =	vld [tilespmem:$0x1FFD0];
	vm8 =	vnez.u8 v27  }
0x72: {  	v63 =	vsel vm8, v50, v28;
	v28 =	vld [tilespmem:$0x1FFC0];
	_ =	sdelay $0x2  }
0x73: {  	vm10 =	veq.s32 v34, $0xD;
	vm7 =	veq.s32 v34, $0xC  }
0x74: {  	v25 =	vnsel vm10, $0x0, v51;
	v27 =	vnsel vm7, $0x0, v51;
	[tilespmem:v22+s7+$0x0] =	vst.idx.msk $0xffff, v63;
	v22 =	vld [tilespmem:$0x1FFF0];
	vm13 =	vnez.u8 v24  }
0x75: {  	vm9 =	vnez.u8 v28;
	v28 =	vsel vm5, v50, v27;
	v27 =	vsel vm13, v50, v25;
	v25 =	vld [tilespmem:$0x1FFE0];
	_ =	sdelay $0x1  }
0x76: {  	vm4 =	veq.s32 v34, $0xB  }
0x77: {  	v62 =	vnsel vm4, $0x0, v51;
	vm12 =	veq.s32 v34, $0xF;
	vm11 =	veq.s32 v34, $0xE  }
0x78: {  	s9 =	simm.s32 $0x100;
	v26 =	vnsel vm11, $0x0, v51;
	v24 =	vnsel vm12, $0x0, v51;
	v32 =	vsel vm9, v50, v62  }
0x79: {  	vm15 =	vnez.u8 v22;
	v22 =	vor.u32 s9, v2;
	vm14 =	vnez.u8 v25  }
0x7a: {  	s10 =	simm.s32 $0x200;
	[tilespmem:v23+s7+$0x0] =	vst.idx.msk $0xffff, v32;
	v25 =	vsel vm15, v50, v24;
	v29 =	vsel vm14, v50, v26;
	v26 =	vor.u32 s9, v0  }
.LBB2_2:
0x7b: {  	v33 =	vand.u32 v1, v26;
	[tilespmem:v18+s7+$0x0] =	vst.idx.msk $0xffff, v28  }
0x7c: {  	v32 =	vor.u32 s9, v3;
	[tilespmem:v19+s7+$0x0] =	vst.idx.msk $0xffff, v27  }
0x7d: {  	v31 =	vor.u32 s9, v4;
	[tilespmem:v20+s7+$0x0] =	vst.idx.msk $0xffff, v29  }
0x7e: {  	v30 =	vor.u32 s9, v5;
	[tilespmem:v21+s7+$0x0] =	vst.idx.msk $0xffff, v25  }
0x7f: {  	v29 =	vor.u32 s9, v6;
	v35 =	vld.idx.msk [tilespmem:v22+s2+$0x0], $0xffff  }
0x80: {  	v28 =	vor.u32 s9, v7;
	v34 =	vld.idx.msk [tilespmem:v33+s2+$0x0], $0xffff  }
0x81: {  	v27 =	vor.u32 s9, v8;
	v36 =	vld.idx.msk [tilespmem:v32+s2+$0x0], $0xffff  }
0x82: {  	v25 =	vor.u32 s9, v9;
	v37 =	vld.idx.msk [tilespmem:v31+s2+$0x0], $0xffff  }
0x83: {  	v23 =	vor.u32 s9, v10;
	v38 =	vld.idx.msk [tilespmem:v30+s2+$0x0], $0xffff  }
0x84: {  	v26 =	vor.u32 s9, v11;
	v40 =	vld.idx.msk [tilespmem:v29+s2+$0x0], $0xffff  }
0x85: {  	v24 =	vor.u32 s9, v12;
	v39 =	vld.idx.msk [tilespmem:v28+s2+$0x0], $0xffff;
	v20 =	vmax.f32 v34, v35  }
0x86: {  	v18 =	vor.u32 s9, v13;
	v42 =	vld.idx.msk [tilespmem:v27+s2+$0x0], $0xffff;
	v21 =	vmax.f32 v20, v36  }
0x87: {  	v19 =	vor.u32 s9, v14;
	v41 =	vld.idx.msk [tilespmem:v25+s2+$0x0], $0xffff;
	v45 =	vmax.f32 v21, v37  }
0x88: {  	v44 =	vld.idx.msk [tilespmem:v23+s2+$0x0], $0xffff;
	v20 =	vor.u32 s9, v15;
	v45 =	vmax.f32 v45, v38  }
0x89: {  	v43 =	vld.idx.msk [tilespmem:v26+s2+$0x0], $0xffff;
	v21 =	vor.u32 s9, v16;
	v47 =	vmax.f32 v45, v40  }
0x8a: {  	v46 =	vld.idx.msk [tilespmem:v24+s2+$0x0], $0xffff;
	v47 =	vmax.f32 v47, v39  }
0x8b: {  	v45 =	vld.idx.msk [tilespmem:v18+s2+$0x0], $0xffff;
	v47 =	vmax.f32 v47, v42  }
0x8c: {  	v48 =	vld.idx.msk [tilespmem:v19+s2+$0x0], $0xffff;
	v49 =	vmax.f32 v47, v41  }
0x8d: {  	v50 =	vld.idx.msk [tilespmem:v20+s2+$0x0], $0xffff;
	v49 =	vmax.f32 v49, v44  }
0x8e: {  	v47 =	vld.idx.msk [tilespmem:v21+s2+$0x0], $0xffff;
	v49 =	vmax.f32 v49, v43  }
0x8f: {  	v49 =	vmax.f32 v49, v46  }
0x90: {  	v49 =	vmax.f32 v49, v45  }
0x91: {  	v49 =	vmax.f32 v49, v48  }
0x92: {  	v49 =	vmax.f32 v49, v50  }
0x93: {  	v51 =	vmax.f32 v49, v47  }
0x94: {  	vm2 =	veq.f32 v47, v51  }
0x95: {  	vm3 =	veq.f32 v50, v51;
	v55 =	vsel vm2, $0xF, v17  }
0x96: {  	vm9 =	veq.f32 v48, v51;
	v49 =	vsel vm3, $0xE, v55  }
0x97: {  	vm10 =	veq.f32 v45, v51;
	v49 =	vsel vm9, $0xD, v49  }
0x98: {  	vm11 =	veq.f32 v46, v51;
	v49 =	vsel vm10, $0xC, v49  }
0x99: {  	vm12 =	veq.f32 v43, v51;
	v49 =	vsel vm11, $0xB, v49  }
0x9a: {  	vm13 =	veq.f32 v44, v51;
	v49 =	vsel vm12, $0xA, v49  }
0x9b: {  	vm14 =	veq.f32 v41, v51;
	v49 =	vsel vm13, $0x9, v49  }
0x9c: {  	vm15 =	veq.f32 v42, v51;
	v49 =	vsel vm14, $0x8, v49  }
0x9d: {  	vm1 =	veq.f32 v39, v51;
	v49 =	vsel vm15, $0x7, v49  }
0x9e: {  	v53 =	vimm.s32 $0x0;
	vm0 =	veq.f32 v40, v51;
	v49 =	vsel vm1, $0x6, v49  }
0x9f: {  	v56 =	vimm.s32 $0x0;
	vm2 =	veq.f32 v38, v51;
	v49 =	vsel vm0, $0x5, v49  }
0xa0: {  	v58 =	vimm.s32 $0x0;
	vm4 =	veq.f32 v37, v51;
	v49 =	vsel vm2, $0x4, v49  }
0xa1: {  	v54 =	vimm.s32 $0x0;
	vm5 =	veq.f32 v36, v51;
	v49 =	vsel vm4, $0x3, v49  }
0xa2: {  	v60 =	vimm.s32 $0x0;
	vm6 =	veq.f32 v35, v51;
	v49 =	vsel vm5, $0x2, v49  }
0xa3: {  	v61 =	vimm.s32 $0x0;
	vm7 =	veq.f32 v34, v51;
	v49 =	vsel vm6, $0x1, v49  }
0xa4: {  	v62 =	vimm.s32 $0x0;
	v52 =	vmax.f32 v34, $-3.000000010e+38;
	v49 =	vsel vm7, $0x0, v49  }
0xa5: {  	v55 =	vimm.s32 $0x0;
	vm5 =	veq.s32 v49, $0x0;
	vm6 =	veq.s32 v49, $0x1  }
0xa6: {  	vm14 =	vne.s32 v49, $0x3;
	vm12 =	vne.s32 v49, $0xA;
	vm7 =	veq.s32 v49, $0x2  }
0xa7: {  	vm13 =	vne.s32 v49, $0x9;
	vm8 =	veq.s32 v49, $0x3;
	vm9 =	veq.s32 v49, $0x5  }
0xa8: {  	vm10 =	veq.s32 v49, $0x4;
	vm11 =	veq.s32 v49, $0x6;
	vm15 =	veq.s32 v49, $0x7  }
0xa9: {  	vm4 =	veq.s32 v49, $0x8;
	vm3 =	vne.s32 v49, $0xB;
	v53 =	vsel vm5, $0xFFFFFFFF, v53  }
0xaa: {  	v52 =	vsel vm5, $0xFF61B1E6, v52;
	v57 =	vsel vm6, $0xFF61B1E6, v35;
	v59 =	vsel vm7, $0xFF61B1E6, v36  }
0xab: {  	v54 =	vsel vm8, $0xFFFFFFFF, v54;
	v63 =	vsel vm10, $0xFF61B1E6, v38;
	v55 =	vsel vm15, $0xFFFFFFFF, v55  }
0xac: {  	vm5 =	veq.s32 v49, $0x9;
	[tilespmem:$0x1FEB0] =	vst v53;
	v53 =	vsel vm6, $0xFFFFFFFF, v56;
	v52 =	vmax.f32 v52, v57  }
0xad: {  	[tilespmem:$0x1FEE0] =	vst v54;
	v54 =	vsel vm9, $0xFFFFFFFF, v60;
	v60 =	vsel vm9, $0xFF61B1E6, v40;
	v56 =	vsel vm11, $0xFF61B1E6, v39  }
0xae: {  	[tilespmem:$0x1FF20] =	vst v55;
	v57 =	vimm.s32 $0x0;
	v55 =	vsel vm15, $0xFF61B1E6, v42;
	vm6 =	veq.s32 v49, $0xA  }
0xaf: {  	vm9 =	veq.s32 v49, $0xD;
	[tilespmem:$0x1FEC0] =	vst v53;
	v53 =	vsel vm7, $0xFFFFFFFF, v58;
	v52 =	vmax.f32 v52, v59  }
0xb0: {  	[tilespmem:$0x1FF00] =	vst v54;
	v57 =	vsel vm4, $0xFFFFFFFF, v57;
	v54 =	vsel vm5, $0xFF61B1E6, v44;
	vm7 =	veq.s32 v49, $0xB  }
0xb1: {  	[tilespmem:$0x1FED0] =	vst v53;
	v53 =	vsel vm10, $0xFFFFFFFF, v61;
	v61 =	vsel vm8, $0xFF61B1E6, v37;
	vm8 =	veq.s32 v49, $0xC  }
0xb2: {  	vm10 =	veq.s32 v49, $0xE;
	[tilespmem:$0x1FEF0] =	vst v53;
	v53 =	vsel vm11, $0xFFFFFFFF, v62;
	v52 =	vmax.f32 v52, v61  }
0xb3: {  	v62 =	vimm.s32 $0x0;
	v61 =	vimm.s32 $0x0;
	v52 =	vmax.f32 v52, v63  }
0xb4: {  	[tilespmem:$0x1FF30] =	vst v57;
	vm11 =	veq.s32 v49, $0xF;
	v57 =	vsel vm5, $0xFFFFFFFF, v62;
	v52 =	vmax.f32 v52, v60  }
0xb5: {  	[tilespmem:$0x1FF10] =	vst v53;
	v53 =	vsel vm4, $0xFF61B1E6, v41;
	v63 =	vimm.s32 $0x0;
	v52 =	vmax.f32 v52, v56  }
0xb6: {  	v62 =	vimm.s32 $0x0;
	vm4 =	vne.s32 v49, $0xE;
	v52 =	vmax.f32 v52, v55  }
0xb7: {  	[tilespmem:$0x1FF40] =	vst v57;
	v57 =	vsel vm6, $0xFFFFFFFF, v63;
	v60 =	vimm.s32 $0x0;
	v52 =	vmax.f32 v52, v53  }
0xb8: {  	v63 =	vimm.s32 $0x0;
	v56 =	vsel vm6, $0xFF61B1E6, v43;
	v52 =	vmax.f32 v52, v54  }
0xb9: {  	[tilespmem:$0x1FF50] =	vst v57;
	v57 =	vsel vm7, $0xFFFFFFFF, v60;
	v55 =	vsel vm7, $0xFF61B1E6, v46;
	v52 =	vmax.f32 v52, v56  }
0xba: {  	v60 =	vsel vm9, $0xFF61B1E6, v48;
	v53 =	vsel vm8, $0xFF61B1E6, v45;
	v52 =	vmax.f32 v52, v55  }
0xbb: {  	vm6 =	vne.s32 v49, $0xD;
	[tilespmem:$0x1FF60] =	vst v57;
	v57 =	vsel vm8, $0xFFFFFFFF, v61;
	v52 =	vmax.f32 v52, v53  }
0xbc: {  	[tilespmem:$0x1FF70] =	vst v57;
	v57 =	vsel vm9, $0xFFFFFFFF, v62;
	v62 =	vsel vm10, $0xFF61B1E6, v50;
	v52 =	vmax.f32 v52, v60  }
0xbd: {  	[tilespmem:$0x1FF80] =	vst v57;
	v57 =	vsel vm10, $0xFFFFFFFF, v63;
	v63 =	vsel vm11, $0xFF61B1E6, v47;
	v52 =	vmax.f32 v52, v62  }
0xbe: {  	v61 =	vimm.s32 $0x0;
	vm7 =	vne.s32 v49, $0xC;
	v52 =	vmax.f32 v52, v63  }
0xbf: {  	vm9 =	vne.s32 v49, $0xF;
	vm8 =	vne.s32 v49, $0x7;
	v56 =	vsub.f32 v52, v51  }
0xc0: {  	vm10 =	vne.s32 v49, $0x8;
	[tilespmem:$0x1FF90] =	vst v57;
	v57 =	vsel vm11, $0xFFFFFFFF, v61;
	vm11 =	vne.s32 v49, $0x6  }
0xc1: {  	[tilespmem:$0x1FFA0] =	vst v57;
	vm15 =	veq.f32 v50, v52;
	vm1 =	veq.f32 v46, v52;
	v57 =	vmul.f32 $1.442695020e+00, v56  }
0xc2: {  	vm0 =	veq.f32 v48, v52;
	vm5 =	veq.f32 v44, v52;
	vm2 =	vmand vm4, vm15  }
0xc3: {  	vm4 =	vmand vm6, vm0;
	vm15 =	veq.f32 v47, v52;
	(erf) = vpow2.f32 v57  }
0xc4: {  	vm6 =	veq.f32 v45, v52;
	vm1 =	vmand vm3, vm1;
	vm0 =	vmand vm9, vm15  }
0xc5: {  	vm3 =	veq.f32 v40, v52;
	vm6 =	vmand vm7, vm6;
	v58 =	vsel vm0, $0xF, v17  }
0xc6: {  	vm7 =	veq.f32 v43, v52;
	vm9 =	veq.f32 v42, v52;
	v59 =	vsel vm2, $0xE, v58  }
0xc7: {  	vm15 =	veq.f32 v37, v52;
	vm0 =	vmand vm12, vm7;
	v60 =	vsel vm4, $0xD, v59  }
0xc8: {  	vm12 =	vmand vm13, vm5;
	vm13 =	veq.f32 v41, v52;
	v40 =	vsel vm6, $0xC, v60  }
0xc9: {  	vm7 =	veq.f32 v38, v52;
	vm2 =	vmand vm8, vm9;
	v61 =	vsel vm1, $0xB, v40  }
0xca: {  	vm8 =	veq.f32 v36, v52;
	vm9 =	vmand vm10, vm13;
	v62 =	vsel vm0, $0xA, v61  }
0xcb: {  	vm10 =	vne.s32 v49, $0x5;
	vm6 =	veq.f32 v39, v52;
	v63 =	vsel vm12, $0x9, v62  }
0xcc: {  	vm1 =	vmand vm14, vm15;
	vm15 =	vmand vm11, vm6;
	v39 =	vsel vm9, $0x8, v63;
	v40 =	vpop (erf)  }
0xcd: {  	vm12 =	veq.f32 v35, v52;
	v35 =	vsel vm2, $0x7, v39;
	v41 =	vadd.f32 $1.000000000e+00, v40  }
0xce: {  	vm13 =	vmand vm10, vm3;
	vm14 =	vne.s32 v49, $0x4;
	v35 =	vsel vm15, $0x6, v35  }
0xcf: {  	vm3 =	vmand vm14, vm7;
	v35 =	vsel vm13, $0x5, v35;
	(erf) = vrcp.f32 v41  }
0xd0: {  	vm6 =	veq.f32 v34, v52;
	vm7 =	vne.s32 v49, $0x2;
	v35 =	vsel vm3, $0x4, v35  }
0xd1: {  	vm0 =	vmand vm7, vm8;
	vm9 =	vne.s32 v49, $0x1;
	v42 =	vsel vm1, $0x3, v35  }
0xd2: {  	vm11 =	vne.s32 v49, $0x0;
	vm10 =	vmand vm9, vm12;
	v34 =	vsel vm0, $0x2, v42  }
0xd3: {  	vm12 =	vmand vm11, vm6;
	v34 =	vsel vm10, $0x1, v34  }
0xd4: {  	v34 =	vsel vm12, $0x0, v34  }
0xd5: {  	vm14 =	veq.s32 v34, $0xD  }
0xd6: {  	v47 =	vld [tilespmem:$0x1FEB0];
	vm15 =	veq.s32 v34, $0xF;
	vm6 =	veq.s32 v34, $0xB;
	vm5 =	veq.s32 v34, $0xC  }
0xd7: {  	v48 =	vld [tilespmem:$0x1FEC0];
	vm7 =	veq.s32 v34, $0xE;
	vm2 =	veq.s32 v34, $0x8;
	vm3 =	veq.s32 v34, $0x9  }
0xd8: {  	vm4 =	veq.s32 v34, $0xA;
	vm8 =	veq.s32 v34, $0x5;
	vm9 =	veq.s32 v34, $0x6;
	v43 =	vpop (erf)  }
0xd9: {  	vm10 =	veq.s32 v34, $0x7;
	vm11 =	veq.s32 v34, $0x3;
	v36 =	vmul.f32 v43, v40  }
0xda: {  	vm12 =	veq.s32 v34, $0x4;
	vm13 =	veq.s32 v34, $0x0;
	vm0 =	veq.s32 v34, $0x1  }
0xdb: {  	vm1 =	veq.s32 v34, $0x2;
	v44 =	vnsel vm13, $0x0, v36;
	vm13 =	vnez.u8 v47  }
0xdc: {  	v45 =	vnsel vm0, $0x0, v36;
	v34 =	vsel vm13, v43, v44;
	vm13 =	vnez.u8 v48  }
0xdd: {  	v49 =	vld [tilespmem:$0x1FED0];
	v37 =	vsel vm13, v43, v45;
	[tilespmem:v33+s7+$0x0] =	vst.idx.msk $0xffff, v34  }
0xde: {  	[tilespmem:v22+s7+$0x0] =	vst.idx.msk $0xffff, v37;
	v22 =	vld [tilespmem:$0x1FEE0]  }
0xdf: {  	v53 =	vld [tilespmem:$0x1FEF0];
	_ =	sdelay $0x2  }
0xe0: {  	v46 =	vnsel vm1, $0x0, v36;
	v50 =	vnsel vm11, $0x0, v36;
	vm13 =	vnez.u8 v49  }
0xe1: {  	v55 =	vld [tilespmem:$0x1FF00];
	v51 =	vnsel vm12, $0x0, v36;
	v38 =	vsel vm13, v43, v46;
	vm13 =	vnez.u8 v22  }
0xe2: {  	v56 =	vld [tilespmem:$0x1FF10];
	v52 =	vnsel vm8, $0x0, v36;
	vm8 =	vnez.u8 v53;
	[tilespmem:v32+s7+$0x0] =	vst.idx.msk $0xffff, v38;
	v22 =	vsel vm13, v43, v50  }
0xe3: {  	v33 =	vsel vm8, v43, v51;
	[tilespmem:v31+s7+$0x0] =	vst.idx.msk $0xffff, v22;
	v22 =	vld [tilespmem:$0x1FF20]  }
0xe4: {  	[tilespmem:v30+s7+$0x0] =	vst.idx.msk $0xffff, v33;
	v30 =	vld [tilespmem:$0x1FF30];
	_ =	sdelay $0x1  }
0xe5: {  	vm11 =	vnez.u8 v55  }
0xe6: {  	v54 =	vnsel vm9, $0x0, v36;
	vm12 =	vnez.u8 v56;
	v32 =	vsel vm11, v43, v52  }
0xe7: {  	v57 =	vnsel vm10, $0x0, v36;
	v34 =	vsel vm12, v43, v54;
	[tilespmem:v29+s7+$0x0] =	vst.idx.msk $0xffff, v32;
	v29 =	vld [tilespmem:$0x1FF50];
	vm13 =	vnez.u8 v22  }
0xe8: {  	v31 =	vnsel vm2, $0x0, v36;
	[tilespmem:v28+s7+$0x0] =	vst.idx.msk $0xffff, v34;
	v28 =	vld [tilespmem:$0x1FF60];
	v22 =	vsel vm13, v43, v57;
	vm8 =	vnez.u8 v30  }
0xe9: {  	v30 =	vsel vm8, v43, v31;
	[tilespmem:v27+s7+$0x0] =	vst.idx.msk $0xffff, v22;
	v22 =	vld [tilespmem:$0x1FF80]  }
0xea: {  	[tilespmem:v25+s7+$0x0] =	vst.idx.msk $0xffff, v30;
	v25 =	vld [tilespmem:$0x1FF90];
	_ =	sdelay $0x2  }
0xeb: {  	v31 =	vld [tilespmem:$0x1FF40];
	vm10 =	vnez.u8 v29;
	v29 =	vnsel vm6, $0x0, v36;
	vm11 =	vnez.u8 v28  }
0xec: {  	v62 =	vsel vm11, v43, v29;
	v29 =	vnsel vm14, $0x0, v36  }
0xed: {  	v28 =	vld [tilespmem:$0x1FF70];
	vm13 =	vnez.u8 v22;
	v22 =	vnsel vm7, $0x0, v36;
	vm14 =	vnez.u8 v25  }
0xee: {  	v27 =	vsel vm13, v43, v29;
	v29 =	vsel vm14, v43, v22;
	v22 =	vld [tilespmem:$0x1FFA0]  }
0xef: {  	p0 =	sne.s32 s10, $0xF00  }
.Ltmp0:
0xf0: {  	v58 =	vnsel vm3, $0x0, v36;
	vm9 =	vnez.u8 v31;
	(pc) =	sbr.rel @p0 .LBB2_2-.Ltmp0, $4  }
0xf1: {  	v59 =	vnsel vm4, $0x0, v36;
	v31 =	vsel vm9, v43, v58  }
0xf2: {  	s11 =	smov.u32 s10;
	v61 =	vnsel vm5, $0x0, v36;
	v60 =	vsel vm10, v43, v59;
	vm12 =	vnez.u8 v28;
	[tilespmem:v23+s7+$0x0] =	vst.idx.msk $0xffff, v31  }
0xf3: {  	s9 =	smov.u32 s11;
	v63 =	vnsel vm15, $0x0, v36;
	v28 =	vsel vm12, v43, v61;
	[tilespmem:v26+s7+$0x0] =	vst.idx.msk $0xffff, v60;
	vm15 =	vnez.u8 v22  }
0xf4: {  	s10 =	sadd.s32 $0x100, s10;
	v26 =	vor.u32 s9, v0;
	[tilespmem:v24+s7+$0x0] =	vst.idx.msk $0xffff, v62;
	v22 =	vor.u32 s9, v2;
	v25 =	vsel vm15, v43, v63  }
0xf5: {  	_ =	sdelay $0x3  }
0xf6: {  	v33 =	vand.u32 v1, v26;
	[tilespmem:v18+s7+$0x0] =	vst.idx.msk $0xffff, v28  }
0xf7: {  	v32 =	vor.u32 s9, v3;
	[tilespmem:v19+s7+$0x0] =	vst.idx.msk $0xffff, v27  }
0xf8: {  	v31 =	vor.u32 s9, v4;
	[tilespmem:v20+s7+$0x0] =	vst.idx.msk $0xffff, v29  }
0xf9: {  	v30 =	vor.u32 s9, v5;
	[tilespmem:v21+s7+$0x0] =	vst.idx.msk $0xffff, v25  }
0xfa: {  	v29 =	vor.u32 s9, v6;
	v35 =	vld.idx.msk [tilespmem:v22+s2+$0x0], $0xffff  }
0xfb: {  	v28 =	vor.u32 s9, v7;
	v34 =	vld.idx.msk [tilespmem:v33+s2+$0x0], $0xffff  }
0xfc: {  	v27 =	vor.u32 s9, v8;
	v36 =	vld.idx.msk [tilespmem:v32+s2+$0x0], $0xffff  }
0xfd: {  	v26 =	vor.u32 s9, v9;
	v37 =	vld.idx.msk [tilespmem:v31+s2+$0x0], $0xffff  }
0xfe: {  	v25 =	vor.u32 s9, v10;
	v38 =	vld.idx.msk [tilespmem:v30+s2+$0x0], $0xffff  }
0xff: {  	v23 =	vor.u32 s9, v11;
	v39 =	vld.idx.msk [tilespmem:v29+s2+$0x0], $0xffff  }
0x100: {  	v20 =	vor.u32 s9, v12;
	v40 =	vld.idx.msk [tilespmem:v28+s2+$0x0], $0xffff;
	v19 =	vmax.f32 v34, v35  }
0x101: {  	v18 =	vor.u32 s9, v13;
	v41 =	vld.idx.msk [tilespmem:v27+s2+$0x0], $0xffff;
	v59 =	vmax.f32 v19, v36  }
0x102: {  	v42 =	vld.idx.msk [tilespmem:v26+s2+$0x0], $0xffff;
	v19 =	vor.u32 s9, v14;
	v24 =	vmax.f32 v59, v37  }
0x103: {  	v21 =	vor.u32 s9, v15;
	v43 =	vld.idx.msk [tilespmem:v25+s2+$0x0], $0xffff;
	v44 =	vmax.f32 v24, v38  }
0x104: {  	v45 =	vld.idx.msk [tilespmem:v23+s2+$0x0], $0xffff;
	v24 =	vor.u32 s9, v16;
	v44 =	vmax.f32 v44, v39  }
0x105: {  	v46 =	vld.idx.msk [tilespmem:v20+s2+$0x0], $0xffff;
	v44 =	vmax.f32 v44, v40  }
0x106: {  	v47 =	vld.idx.msk [tilespmem:v18+s2+$0x0], $0xffff;
	v44 =	vmax.f32 v44, v41  }
0x107: {  	v48 =	vld.idx.msk [tilespmem:v19+s2+$0x0], $0xffff;
	v44 =	vmax.f32 v44, v42  }
0x108: {  	v49 =	vld.idx.msk [tilespmem:v21+s2+$0x0], $0xffff;
	v44 =	vmax.f32 v44, v43  }
0x109: {  	v50 =	vld.idx.msk [tilespmem:v24+s2+$0x0], $0xffff;
	v44 =	vmax.f32 v44, v45  }
0x10a: {  	v44 =	vmax.f32 v44, v46  }
0x10b: {  	v44 =	vmax.f32 v44, v47  }
0x10c: {  	v44 =	vmax.f32 v44, v48  }
0x10d: {  	v44 =	vmax.f32 v44, v49  }
0x10e: {  	v44 =	vmax.f32 v44, v50  }
0x10f: {  	vm0 =	veq.f32 v50, v44  }
0x110: {  	vm14 =	veq.f32 v49, v44;
	v51 =	vsel vm0, $0xF, v17  }
0x111: {  	vm15 =	veq.f32 v48, v44;
	v51 =	vsel vm14, $0xE, v51  }
0x112: {  	vm4 =	veq.f32 v47, v44;
	v51 =	vsel vm15, $0xD, v51  }
0x113: {  	vm5 =	veq.f32 v46, v44;
	v51 =	vsel vm4, $0xC, v51  }
0x114: {  	vm6 =	veq.f32 v45, v44;
	v51 =	vsel vm5, $0xB, v51  }
0x115: {  	vm7 =	veq.f32 v43, v44;
	v51 =	vsel vm6, $0xA, v51  }
0x116: {  	vm8 =	veq.f32 v42, v44;
	v51 =	vsel vm7, $0x9, v51  }
0x117: {  	vm9 =	veq.f32 v41, v44;
	v51 =	vsel vm8, $0x8, v51  }
0x118: {  	vm1 =	veq.f32 v40, v44;
	v51 =	vsel vm9, $0x7, v51  }
0x119: {  	vm10 =	veq.f32 v39, v44;
	v51 =	vsel vm1, $0x6, v51  }
0x11a: {  	vm11 =	veq.f32 v38, v44;
	v51 =	vsel vm10, $0x5, v51  }
0x11b: {  	vm12 =	veq.f32 v37, v44;
	v51 =	vsel vm11, $0x4, v51  }
0x11c: {  	vm13 =	veq.f32 v36, v44;
	v51 =	vsel vm12, $0x3, v51  }
0x11d: {  	vm14 =	veq.f32 v35, v44;
	v51 =	vsel vm13, $0x2, v51  }
0x11e: {  	vm15 =	veq.f32 v34, v44;
	v51 =	vsel vm14, $0x1, v51  }
0x11f: {  	v52 =	vmax.f32 v34, $-3.000000010e+38;
	v51 =	vsel vm15, $0x0, v51  }
0x120: {  	vm15 =	veq.s32 v51, $0x0;
	vm13 =	veq.s32 v51, $0x1;
	vm14 =	veq.s32 v51, $0x2  }
0x121: {  	vm12 =	veq.s32 v51, $0x3;
	vm11 =	veq.s32 v51, $0x4;
	vm9 =	veq.s32 v51, $0x5  }
0x122: {  	vm10 =	veq.s32 v51, $0x6;
	v52 =	vsel vm15, $0xFF61B1E6, v52;
	v53 =	vsel vm13, $0xFF61B1E6, v35  }
0x123: {  	vm8 =	veq.s32 v51, $0x7;
	v60 =	vsel vm14, $0xFF61B1E6, v36;
	v52 =	vmax.f32 v52, v53  }
0x124: {  	vm6 =	veq.s32 v51, $0x8;
	v61 =	vsel vm12, $0xFF61B1E6, v37;
	v52 =	vmax.f32 v52, v60  }
0x125: {  	vm7 =	veq.s32 v51, $0x9;
	v54 =	vsel vm11, $0xFF61B1E6, v38;
	v52 =	vmax.f32 v52, v61  }
0x126: {  	vm5 =	veq.s32 v51, $0xA;
	v62 =	vsel vm9, $0xFF61B1E6, v39;
	v52 =	vmax.f32 v52, v54  }
0x127: {  	vm4 =	veq.s32 v51, $0xB;
	v63 =	vsel vm10, $0xFF61B1E6, v40;
	v52 =	vmax.f32 v52, v62  }
0x128: {  	vm2 =	veq.s32 v51, $0xC;
	v57 =	vsel vm8, $0xFF61B1E6, v41;
	v52 =	vmax.f32 v52, v63  }
0x129: {  	vm1 =	veq.s32 v51, $0xD;
	v58 =	vsel vm6, $0xFF61B1E6, v42;
	v52 =	vmax.f32 v52, v57  }
0x12a: {  	vm0 =	veq.s32 v51, $0xE;
	v59 =	vsel vm7, $0xFF61B1E6, v43;
	v52 =	vmax.f32 v52, v58  }
0x12b: {  	v60 =	vimm.s32 $0x0;
	v61 =	vsel vm5, $0xFF61B1E6, v45;
	v52 =	vmax.f32 v52, v59  }
0x12c: {  	v54 =	vsel vm4, $0xFFFFFFFF, v60;
	v63 =	vsel vm4, $0xFF61B1E6, v46;
	v52 =	vmax.f32 v52, v61  }
0x12d: {  	v62 =	vimm.s32 $0x0;
	v58 =	vsel vm2, $0xFF61B1E6, v47;
	v52 =	vmax.f32 v52, v63  }
0x12e: {  	v60 =	vsel vm1, $0xFF61B1E6, v48;
	v53 =	vsel vm2, $0xFFFFFFFF, v62;
	v52 =	vmax.f32 v52, v58  }
0x12f: {  	vm4 =	veq.s32 v51, $0xF;
	v62 =	vsel vm0, $0xFF61B1E6, v49;
	v52 =	vmax.f32 v52, v60  }
0x130: {  	v63 =	vsel vm4, $0xFF61B1E6, v50;
	v52 =	vmax.f32 v52, v62  }
0x131: {  	v52 =	vmax.f32 v52, v63  }
0x132: {  	v57 =	vimm.s32 $0x0;
	v44 =	vsub.f32 v52, v44  }
0x133: {  	vm3 =	vne.s32 v51, $0xF;
	[tilespmem:$0x1FE60] =	vst v54;
	v54 =	vsel vm1, $0xFFFFFFFF, v57;
	vm2 =	vne.s32 v51, $0xE  }
0x134: {  	[tilespmem:$0x1FE70] =	vst v53;
	v59 =	vimm.s32 $0x0;
	v61 =	vimm.s32 $0x0;
	v44 =	vmul.f32 $1.442695020e+00, v44  }
0x135: {  	[tilespmem:$0x1FE80] =	vst v54;
	v53 =	vsel vm0, $0xFFFFFFFF, v59;
	v54 =	vsel vm4, $0xFFFFFFFF, v61;
	vm0 =	veq.f32 v49, v52  }
0x136: {  	vm4 =	veq.f32 v50, v52;
	vm0 =	vmand vm2, vm0;
	(erf) = vpow2.f32 v44  }
0x137: {  	vm1 =	vmand vm3, vm4;
	vm4 =	veq.f32 v48, v52;
	vm2 =	vne.s32 v51, $0xB  }
0x138: {  	[tilespmem:$0x1FE90] =	vst v53;
	vm3 =	veq.f32 v46, v52;
	v53 =	vsel vm1, $0xF, v17;
	vm1 =	vne.s32 v51, $0xD  }
0x139: {  	vm2 =	vmand vm2, vm3;
	vm3 =	veq.f32 v43, v52;
	vm1 =	vmand vm1, vm4  }
0x13a: {  	vm4 =	veq.f32 v47, v52;
	v44 =	vsel vm0, $0xE, v53;
	vm0 =	vne.s32 v51, $0xC  }
0x13b: {  	vm0 =	vmand vm0, vm4;
	v44 =	vsel vm1, $0xD, v44;
	vm4 =	veq.f32 v45, v52  }
0x13c: {  	vm1 =	vne.s32 v51, $0x9;
	v44 =	vsel vm0, $0xC, v44;
	vm0 =	vne.s32 v51, $0xA  }
0x13d: {  	vm1 =	vmand vm1, vm3;
	vm0 =	vmand vm0, vm4  }
0x13e: {  	v44 =	vsel vm2, $0xB, v44;
	vm2 =	vne.s32 v51, $0x8;
	vm4 =	veq.f32 v42, v52  }
0x13f: {  	[tilespmem:$0x1FEA0] =	vst v54;
	v54 =	vsel vm0, $0xA, v44;
	vm0 =	vmand vm2, vm4;
	vm4 =	veq.f32 v41, v52;
	v55 =	vpop (erf)  }
0x140: {  	v42 =	vsel vm1, $0x9, v54;
	vm1 =	vne.s32 v51, $0x7;
	v57 =	vadd.f32 $1.000000000e+00, v55  }
0x141: {  	vm1 =	vmand vm1, vm4;
	v56 =	vsel vm0, $0x8, v42;
	vm0 =	vne.s32 v51, $0x6  }
0x142: {  	vm4 =	veq.f32 v40, v52;
	v41 =	vsel vm1, $0x7, v56;
	(erf) = vrcp.f32 v57  }
0x143: {  	vm0 =	vmand vm0, vm4;
	vm1 =	veq.f32 v39, v52;
	vm4 =	vne.s32 v51, $0x5  }
0x144: {  	vm3 =	veq.f32 v37, v52;
	vm2 =	veq.f32 v38, v52;
	vm1 =	vmand vm4, vm1  }
0x145: {  	v58 =	vsel vm0, $0x6, v41;
	vm0 =	vne.s32 v51, $0x3;
	vm4 =	vne.s32 v51, $0x4  }
0x146: {  	vm0 =	vmand vm0, vm3;
	vm2 =	vmand vm4, vm2;
	v59 =	vsel vm1, $0x5, v58  }
0x147: {  	vm1 =	veq.f32 v36, v52;
	vm4 =	vne.s32 v51, $0x2;
	v37 =	vsel vm2, $0x4, v59  }
0x148: {  	vm4 =	vmand vm4, vm1;
	v60 =	vsel vm0, $0x3, v37  }
0x149: {  	vm0 =	veq.f32 v35, v52;
	v36 =	vsel vm4, $0x2, v60;
	vm4 =	vne.s32 v51, $0x1  }
0x14a: {  	vm1 =	veq.f32 v34, v52;
	vm0 =	vmand vm4, vm0;
	vm4 =	vne.s32 v51, $0x0  }
0x14b: {  	v61 =	vsel vm0, $0x1, v36;
	vm4 =	vmand vm4, vm1;
	v35 =	vpop (erf)  }
0x14c: {  	v34 =	vsel vm4, $0x0, v61;
	v36 =	vmul.f32 v35, v55  }
0x14d: {  	vm0 =	veq.s32 v34, $0x0;
	vm4 =	veq.s32 v34, $0x1  }
0x14e: {  	v62 =	vnsel vm0, $0x0, v36;
	v63 =	vnsel vm4, $0x0, v36;
	vm4 =	veq.s32 v34, $0x2  }
0x14f: {  	v37 =	vsel vm15, v35, v62;
	v42 =	vnsel vm4, $0x0, v36;
	v38 =	vsel vm13, v35, v63  }
0x150: {  	vm13 =	veq.s32 v34, $0x3;
	vm15 =	veq.s32 v34, $0x4;
	vm4 =	veq.s32 v34, $0x5;
	[tilespmem:v33+s7+$0x0] =	vst.idx.msk $0xffff, v37  }
0x151: {  	v43 =	vsel vm14, v35, v42;
	v44 =	vnsel vm13, $0x0, v36;
	v45 =	vnsel vm15, $0x0, v36;
	[tilespmem:v22+s7+$0x0] =	vst.idx.msk $0xffff, v38  }
0x152: {  	v46 =	vnsel vm4, $0x0, v36;
	vm13 =	veq.s32 v34, $0x7;
	v37 =	vsel vm12, v35, v44;
	[tilespmem:v32+s7+$0x0] =	vst.idx.msk $0xffff, v43  }
0x153: {  	v58 =	vld [tilespmem:$0x1FE60];
	vm14 =	veq.s32 v34, $0x8;
	v22 =	vsel vm11, v35, v45;
	vm12 =	veq.s32 v34, $0x6;
	[tilespmem:v31+s7+$0x0] =	vst.idx.msk $0xffff, v37  }
0x154: {  	vm15 =	veq.s32 v34, $0x9;
	v47 =	vnsel vm12, $0x0, v36;
	v32 =	vsel vm9, v35, v46;
	[tilespmem:v30+s7+$0x0] =	vst.idx.msk $0xffff, v22  }
0x155: {  	v59 =	vld [tilespmem:$0x1FE70];
	vm4 =	veq.s32 v34, $0xA;
	v49 =	vnsel vm13, $0x0, v36;
	v48 =	vsel vm10, v35, v47;
	[tilespmem:v29+s7+$0x0] =	vst.idx.msk $0xffff, v32  }
0x156: {  	v61 =	vld [tilespmem:$0x1FE80];
	v51 =	vnsel vm14, $0x0, v36;
	v52 =	vnsel vm15, $0x0, v36;
	v50 =	vsel vm8, v35, v49;
	[tilespmem:v28+s7+$0x0] =	vst.idx.msk $0xffff, v48  }
0x157: {  	v54 =	vnsel vm4, $0x0, v36;
	v53 =	vsel vm6, v35, v51;
	vm6 =	veq.s32 v34, $0xB;
	[tilespmem:v27+s7+$0x0] =	vst.idx.msk $0xffff, v50  }
0x158: {  	v55 =	vsel vm5, v35, v54;
	vm8 =	vnez.u8 v58;
	v22 =	vsel vm7, v35, v52;
	[tilespmem:v26+s7+$0x0] =	vst.idx.msk $0xffff, v53  }
0x159: {  	vm9 =	veq.s32 v34, $0xD;
	v56 =	vnsel vm6, $0x0, v36;
	vm7 =	veq.s32 v34, $0xC;
	[tilespmem:v25+s7+$0x0] =	vst.idx.msk $0xffff, v22  }
0x15a: {  	vm10 =	vnez.u8 v59;
	v57 =	vnsel vm7, $0x0, v36;
	v25 =	vsel vm8, v35, v56;
	[tilespmem:v23+s7+$0x0] =	vst.idx.msk $0xffff, v55  }
0x15b: {  	vm12 =	vnez.u8 v61;
	v60 =	vnsel vm9, $0x0, v36;
	v22 =	vsel vm10, v35, v57;
	[tilespmem:v20+s7+$0x0] =	vst.idx.msk $0xffff, v25  }
0x15c: {  	v63 =	vld [tilespmem:$0x1FE90];
	v20 =	vsel vm12, v35, v60;
	[tilespmem:v18+s7+$0x0] =	vst.idx.msk $0xffff, v22  }
0x15d: {  	[tilespmem:v19+s7+$0x0] =	vst.idx.msk $0xffff, v20;
	v19 =	vld [tilespmem:$0x1FEA0];
	_ =	sdelay $0x2  }
0x15e: {  	vm11 =	veq.s32 v34, $0xE  }
0x15f: {  	vm13 =	veq.s32 v34, $0xF;
	v62 =	vnsel vm11, $0x0, v36;
	vm14 =	vnez.u8 v63  }
0x160: {  	s8 =	sadd.s32 $0x1, s8;
	v18 =	vnsel vm13, $0x0, v36;
	v22 =	vsel vm14, v35, v62;
	vm15 =	vnez.u8 v19  }
0x161: {  	p0 =	sne.s32 s8, s5;
	[tilespmem:v21+s7+$0x0] =	vst.idx.msk $0xffff, v22;
	v18 =	vsel vm15, v35, v18  }
.Ltmp1:
0x162: {  	[tilespmem:v24+s7+$0x0] =	vst.idx.msk $0xffff, v18;
	(pc) =	sbr.rel @p0 .LBB2_1-.Ltmp1, $4  }
0x163: {  	[hbm4b:s4+s2] =	stream.linear.scatter [tilespmem:s7], [sflag:$0x1], $0x1000, $0x38;
	[tilespmem:$0x2000] =	vst v63  }
0x164: {  	_ =	swait.ge [sflag:s6], $0x1000  }
0x165: {  	[sflag:s6] =	ssyncset.done $0x0  }
0x166: {  	[sflag:s6] =	ssyncadd.s32 $0xFFFFF000  }
0x167: {  	_ =	sfence.sel $0x180000  }
0x168: {  	[bflag:$0x0] =	sbarrier.arrive $0xFFFF  }
0x169: {  	p0 =	sne.s32 s1, $0x0;
	_ =	strace $0x90000047  }
0x16a: {  	s0 =	sadd.s32 @!p0 $0x100000, s0;
	[bflag:$0x2] =	sbarrier.arrive $0xFFFF  }
0x16b: {  	[sflag:s0] =	ssyncadd.tile.s32 @!p0 $0x1;
	_ =	shalt  }
.Lfunc_end2:
_tile_overlayer_lowered:
.L_overlay_start_2:
0x16c: {  	(tag) =	ssettag $0x2  }
0x16d: {  	s0 =	rddreg [dreg:$0x0];
	s2 =	stileid.u32  }
0x16e: {  	s1 =	rddreg [dreg:$0x1];
	p0 =	sne.s32 s2, $0x0  }
0x16f: {  	s3 =	rddreg [dreg:$0x2];
	[bflag:$0x3] =	sbarrier.arrive $0xFFFF;
	s2 =	simm.s32 @!p0 $0x1C01  }
0x170: {  	[timem:s3], [sflag:s2] =	dma.local @!p0 [hbm:s0], s1  }
0x171: {  	s0 =	simm.s32 @!p0 $0x1  }
0x172: {  	_ =	swait.ge @!p0 [sflag:s0], s1  }
0x173: {  	s1 =	ssub.s32 @!p0 $0x0, s1;
	[sflag:s0] =	ssyncset.done @!p0 $0x0  }
0x174: {  	[sflag:s0] =	ssyncadd.s32 @!p0 s1  }
0x175: {  	[bflag:$0x3] =	sbarrier.arrive $0xFFFF  }
0x176: {  	_ =	shalt  }

// kernel: kernel.9.cloned.1.call-start
scs
__scs_entry_jumppad:
0x0: {  	(pc) =	sbr.rel $0x88, $3  }
0x1: {  	(tag) =	ssettag $0x0;
	lr =	simm.s32 $0x1  }
0x2: {  	[smem:$0x3F9E] =	sst lr;
	_ =	strace $0xD0000000  }
0x3: {  	_ = 	snop  }
0x4: {  	_ = 	snop  }
0x5: {  	_ = 	snop  }
0x6: {  	_ = 	snop  }
0x7: {  	_ = 	snop  }
__scs_overlays_trampoline_lowered:
0x8: {  	[smem:$0x3FAD] =	sst s0  }
0x9: {  	[smem:$0x3FAE] =	sst s1  }
0xa: {  	[smem:$0x3FAF] =	sst s2  }
0xb: {  	[smem:$0x3FB0] =	sst s3  }
0xc: {  	[smem:$0x3FB1] =	sst s4  }
0xd: {  	[smem:$0x3FB2] =	sst s5  }
0xe: {  	[smem:$0x3FB3] =	sst s6  }
0xf: {  	[smem:$0x3FB4] =	sst s7  }
0x10: {  	[smem:$0x3FB5] =	sst s8  }
0x11: {  	[smem:$0x3FB6] =	sst s9;
	s0 =	simm.s32 @!p0 $0x0  }
0x12: {  	s1 =	sld [smem:$0x3F9C];
	s0 =	simm.s32 @p0 $0x1  }
0x13: {  	[smem:$0x3FB7] =	sst s0;
	s0 =	simm.s32 @!p1 $0x0  }
0x14: {  	s2 =	sld [smem:$0x3F9B];
	s0 =	simm.s32 @p1 $0x1  }
0x15: {  	[smem:$0x3FB8] =	sst s0;
	s0 =	simm.s32 @!p2 $0x0  }
0x16: {  	s3 =	sld [smem:$0x3FDB];
	s0 =	simm.s32 @p2 $0x1  }
0x17: {  	s4 =	simm.s32 $0x1BF5;
	[smem:$0x3FBA] =	sst s0  }
0x18: {  	s0 =	sld [smem:$0x3F9D];
	_ =	swait.ge [sflag:s4], $0x0  }
0x19: {  	s7 =	sld [smem:$0x3F9E]  }
0x1a: {  	s8 =	sadd.s32 $0xFFFFE003, lr  }
0x1b: {  	s9 =	sadd.s32 $0xFFFFFEF7, lr;
	s5 =	simm.s32 $0xFFFFFFFF;
	p2 =	slt.u32 s8, $0xFFFFF086  }
0x1c: {  	p1 =	slt.u32 s9, $0xF7A;
	s5 =	simm.s32 @!p2 $0x0  }
0x1d: {  	s5 =	simm.s32 @p1 $0x1;
	p0 =	seq.s32 s7, s2  }
0x1e: {  	s7 =	smul.u32 @!p0 $0xF7A, s2;
	p2 =	seq.s32 @!p0 s5, $0x0  }
0x1f: {  	s9 =	smul.u32 $0xF7A, s1;
	s8 =	simm.s32 @!p0 $0x1BF5;
	p2 =	por !p2, p0  }
0x20: {  	[sflag:s8] =	ssyncset.s32 @!p0 $0xFFFFF086;
	s6 =	sadd.s32 @!p0 s3, s7;
	s7 =	simm.s32 @!p0 $0x108  }
0x21: {  	s3 =	sadd.s32 s3, s9;
	s6 =	sadd.s32 @!p0 $0x88, s6;
	s7 =	simm.s32 @p2 $0x1082  }
0x22: {  	[simem:s7], [sflag:s8] =	dma.local @!p0 [hbm:s6], $0xF7A  }
0x23: {  	s9 =	sor.u32 $0xD0000000, s2;
	s6 =	simm.s32 $0x108;
	_ =	swait.ge @!p0 [sflag:s8], $0x0  }
0x24: {  	s3 =	sadd.s32 $0x88, s3;
	s6 =	simm.s32 @!p1 $0x1082;
	[sflag:s4] =	ssyncset.s32 $0xFFFFF086  }
0x25: {  	[simem:s6], [sflag:s4] =	dma.local [hbm:s3], $0xF7A  }
0x26: {  	[smem:$0x3F9E] =	sst s1;
	(tag) =	ssettag s2;
	_ =	strace s9  }
0x27: {  	s1 =	sld [smem:$0x3FAE]  }
0x28: {  	s2 =	sld [smem:$0x3FAF]  }
0x29: {  	s4 =	sld [smem:$0x3FB1]  }
0x2a: {  	p0 =	seq.s32 s5, $0x0;
	s5 =	sld [smem:$0x3FB2]  }
0x2b: {  	s6 =	sld [smem:$0x3FB3]  }
0x2c: {  	s7 =	sld [smem:$0x3FB4]  }
0x2d: {  	s3 =	simm.s32 $0x108;
	s8 =	sld [smem:$0x3FB5]  }
0x2e: {  	s3 =	simm.s32 @!p0 $0x1082;
	s9 =	sld [smem:$0x3FB6]  }
0x2f: {  	lr =	sadd.s32 s0, s3;
	s0 =	sld [smem:$0x3FAD]  }
0x30: {  	s3 =	sld [smem:$0x3FB0]  }
0x31: {  	[smem:$0x3FB9] =	sst s10  }
0x32: {  	s10 =	sld [smem:$0x3FB7];
	_ =	sdelay $0x3  }
0x33: {  	p0 =	seq.s32 s10, $0x1;
	s10 =	sld [smem:$0x3FB9];
	_ =	sdelay $0x3  }
0x34: {  	[smem:$0x3FB9] =	sst s10  }
0x35: {  	s10 =	sld [smem:$0x3FB8];
	_ =	sdelay $0x3  }
0x36: {  	p1 =	seq.s32 s10, $0x1;
	s10 =	sld [smem:$0x3FB9];
	_ =	sdelay $0x3  }
0x37: {  	[smem:$0x3FB9] =	sst s10  }
0x38: {  	s10 =	sld [smem:$0x3FBA]  }
0x39: {  	_ = 	snop;
	(pc) =	sbr.ind lr, $3  }
0x3a: {  	_ = 	snop  }
0x3b: {  	_ = 	snop  }
0x3c: {  	p2 =	seq.s32 s10, $0x1;
	s10 =	sld [smem:$0x3FB9]  }
0x3d: {  	_ =	shalt  }
0x3e: {  	_ =	shalt  }
0x3f: {  	_ =	shalt  }
0x40: {  	_ =	shalt  }
0x41: {  	_ =	shalt  }
0x42: {  	_ =	shalt  }
0x43: {  	_ =	shalt  }
0x44: {  	_ =	shalt  }
0x45: {  	_ =	shalt  }
0x46: {  	_ =	shalt  }
0x47: {  	_ =	shalt  }
0x48: {  	_ =	shalt  }
0x49: {  	_ =	shalt  }
0x4a: {  	_ =	shalt  }
0x4b: {  	_ =	shalt  }
0x4c: {  	_ =	shalt  }
0x4d: {  	_ =	shalt  }
0x4e: {  	_ =	shalt  }
0x4f: {  	_ =	shalt  }
0x50: {  	_ =	shalt  }
0x51: {  	_ =	shalt  }
0x52: {  	_ =	shalt  }
0x53: {  	_ =	shalt  }
0x54: {  	_ =	shalt  }
0x55: {  	_ =	shalt  }
0x56: {  	_ =	shalt  }
0x57: {  	_ =	shalt  }
0x58: {  	_ =	shalt  }
0x59: {  	_ =	shalt  }
0x5a: {  	_ =	shalt  }
0x5b: {  	_ =	shalt  }
0x5c: {  	_ =	shalt  }
0x5d: {  	_ =	shalt  }
0x5e: {  	_ =	shalt  }
0x5f: {  	_ =	shalt  }
0x60: {  	_ =	shalt  }
0x61: {  	_ =	shalt  }
0x62: {  	_ =	shalt  }
0x63: {  	_ =	shalt  }
0x64: {  	_ =	shalt  }
0x65: {  	_ =	shalt  }
0x66: {  	_ =	shalt  }
0x67: {  	_ =	shalt  }
0x68: {  	_ =	shalt  }
0x69: {  	_ =	shalt  }
0x6a: {  	_ =	shalt  }
0x6b: {  	_ =	shalt  }
0x6c: {  	_ =	shalt  }
0x6d: {  	_ =	shalt  }
0x6e: {  	_ =	shalt  }
0x6f: {  	_ =	shalt  }
0x70: {  	_ =	shalt  }
0x71: {  	_ =	shalt  }
0x72: {  	_ =	shalt  }
0x73: {  	_ =	shalt  }
0x74: {  	_ =	shalt  }
0x75: {  	_ =	shalt  }
0x76: {  	_ =	shalt  }
0x77: {  	_ =	shalt  }
0x78: {  	_ =	shalt  }
0x79: {  	_ =	shalt  }
0x7a: {  	_ =	shalt  }
0x7b: {  	_ =	shalt  }
0x7c: {  	_ =	shalt  }
0x7d: {  	_ =	shalt  }
0x7e: {  	_ =	shalt  }
0x7f: {  	_ =	shalt  }
0x80: {  	_ =	shalt  }
0x81: {  	_ =	shalt  }
0x82: {  	_ =	shalt  }
0x83: {  	_ =	shalt  }
0x84: {  	_ =	shalt  }
0x85: {  	_ =	shalt  }
0x86: {  	_ =	shalt  }
0x87: {  	_ =	shalt  }
.Lfunc_end0:
.L_simem_size_0:
called_computation.1_lowered:
.L_overlay_start_0:
0x88: {  	s2 =	sld [smem:$0x3FD9]  }
0x89: {  	s3 =	sld [smem:$0x3FFE];
	_ =	sdelay $0x1  }
0x8a: {  	s1 =	srdreg.scid  }
0x8b: {  	s0 =	sand.u32 $0x1, s1  }
0x8c: {  	s15 =	sshll.u32 s0, $0xA;
	s2 =	sadd.s32 s3, s2  }
0x8d: {  	s2 =	sadd.s32 s2, s15  }
0x8e: {  	[smem:$0x3FC5] =	sst s2  }
0x8f: {  	_ = 	snop  }
0x90: {  	s2 =	sld [smem:$0x3FD0];
	_ =	sdelay $0x2  }
0x91: {  	s16 =	simm.s32 $0xB;
	s4 =	simm.s32 $0x10  }
0x92: {  	[smem:s4], [sflag:s16] =	dma.local [hbm:s2], $0x1  }
0x93: {  	_ =	swait.eq [sflag:s16], $0x1  }
0x94: {  	[sflag:s16] =	ssyncset.done $0x0  }
0x95: {  	[sflag:s16] =	ssyncadd.s32 $0xFFFFFFFF  }
0x96: {  	s17 =	sld [smem:$0x11];
	(tm) =	ssettm $0x1  }
0x97: {  	s18 =	sld [smem:$0x3FFB];
	_ =	sdelay $0x3  }
0x98: {  	_ =	strace s18  }
0x99: {  	s2 =	sld [smem:$0x3FFC];
	_ =	sdelay $0x3  }
0x9a: {  	_ =	strace s2  }
0x9b: {  	s2 =	sld [smem:$0x3FFD];
	_ =	sdelay $0x3  }
0x9c: {  	_ =	strace s2  }
0x9d: {  	_ =	strace $0x8FFFFFFF  }
0x9e: {  	s19 =	sld [smem:$0x3FDB];
	_ =	sdelay $0x1  }
0x9f: {  	s20 =	simm.s32 $_scs_section_size  }
0xa0: {  	s5 =	simm.s32 $_size__tile_overlayer_lowered;
	s6 =	simm.s32 $_tile_overlayer_lowered  }
0xa1: {  	s7 =	simm.s32 $0x1BFF;
	s21 =	sshll.u32 s6, $0x1;
	s4 =	sadd.s32 s20, s19  }
0xa2: {  	s22 =	simm.s32 $0x0;
	s5 =	sshll.u32 s5, $0x1;
	s6 =	sadd.s32 s21, s4  }
0xa3: {  	[timem:s22], [sflag:s7] =	dma.local [hbm:s6], s5  }
0xa4: {  	_ =	swait.ge [sflag:s7], s5  }
0xa5: {  	s5 =	ssub.s32 $0x0, s5;
	[sflag:s7] =	ssyncset.done $0x0  }
0xa6: {  	[sflag:s7] =	ssyncadd.s32 s5;
	_ =	sdelay $0x1  }
0xa7: {  	s23 =	simm.s32 $0x1B8B  }
0xa8: {  	_ =	swait.ge [sflag:s23], $0x1  }
0xa9: {  	[sflag:s23] =	ssyncset.done $0x0  }
0xaa: {  	[sflag:s23] =	ssyncadd.s32 $0xFFFFFFFF  }
0xab: {  	s5 =	sld [smem:$0x0]  }
0xac: {  	s6 =	sand.u32 $0xFFFFFFFE, s1  }
0xad: {  	p0 =	sne.s32 s1, s6  }
0xae: {  	s6 =	sshll.u32 @p0 s6, $0xE  }
0xaf: {  	s6 =	sadd.s32 @p0 $0x11B8D, s6;
	s7 =	sshll.u32 @p0 s5, $0x11  }
0xb0: {  	s6 =	sor.u32 @p0 s7, s6  }
0xb1: {  	[sflag:s6] =	ssyncadd.remote.s32 @p0 $0x1;
	_ =	sdelay $0x1  }
0xb2: {  	s6 =	simm.s32 @p0 $0x1B8D  }
0xb3: {  	_ =	swait.eq @p0 [sflag:s6], $0x1  }
0xb4: {  	[sflag:s6] =	ssyncadd.s32 @p0 $0xFFFFFFFF  }
0xb5: {  	s7 =	sshll.u32 @!p0 s1, $0xE  }
0xb6: {  	s7 =	sor.u32 @!p0 $0x4000, s7;
	s6 =	simm.s32 @!p0 $0x1B8D  }
0xb7: {  	s5 =	sshll.u32 @!p0 s5, $0x11;
	s7 =	sadd.s32 @!p0 $0x11B8D, s7;
	_ =	swait.eq @!p0 [sflag:s6], $0x1  }
0xb8: {  	s5 =	sor.u32 @!p0 s5, s7;
	[sflag:s6] =	ssyncadd.s32 @!p0 $0xFFFFFFFF  }
0xb9: {  	s25 =	simm.s32 $0x1B8E;
	s24 =	sld [smem:$0x3FFE];
	[sflag:s5] =	ssyncadd.remote.s32 @!p0 $0x1  }
0xba: {  	s26 =	simm.s32 $execute0_lowered;
	[smem:$0x3FD2] =	sst s25  }
0xbb: {  	s6 =	sshll.u32 s26, $0x1;
	_ =	strace $0x80000049;
	[dreg:$0x1] =	wrdreg $0xFFFFFFFF  }
0xbc: {  	s28 =	simm.s32 $_size_execute0_lowered;
	s4 =	sadd.s32 s4, s6;
	[dreg:$0x0] =	wrdreg $0x0  }
0xbd: {  	s6 =	sshll.u32 s28, $0x1;
	[dreg:$0x2] =	wrdreg s4  }
0xbe: {  	[dreg:$0x3] =	wrdreg s6  }
0xbf: {  	[dreg:$0x4] =	wrdreg $0xC0  }
0xc0: {  	_ =	task [dreg:s22], $0x5FFFF  }
0xc1: {  	[dreg:$0x1] =	wrdreg $0xFFFFFFFF  }
0xc2: {  	[dreg:$0x0] =	wrdreg $0x60  }
0xc3: {  	[dreg:$0x2] =	wrdreg s17  }
0xc4: {  	[dreg:$0x3] =	wrdreg s24  }
0xc5: {  	[dreg:$0x4] =	wrdreg $0xA  }
0xc6: {  	_ =	task.clear_ibuf [dreg:s22], $0x5FFFF;
	_ =	strace $0x90000049  }
0xc7: {  	s29 =	simm.s32 $0xA;
	_ =	strace $0x8000004B  }
0xc8: {  	_ =	swait.ge [sflag:s29], $0x1  }
0xc9: {  	[sflag:s29] =	ssyncadd.s32 $0xFFFFFFFF  }
0xca: {  	_ =	strace $0x9000004B  }
0xcb: {  	_ =	sfence  }
0xcc: {  	s30 =	sld [smem:$0x0];
	_ =	sdelay $0x2  }
0xcd: {  	s31 =	sshll.u32 s1, $0xD;
	s1 =	sshrl.u32 s1, $0x2  }
0xce: {  	s4 =	sand.u32 $0x4000, s31;
	s1 =	sadd.s32 s1, s30  }
0xcf: {  	s0 =	sor.u32 s4, s0;
	s1 =	sshll.u32 s1, $0x11  }
0xd0: {  	s0 =	sor.u32 s1, s0  }
0xd1: {  	s0 =	sadd.s32 $0x8F2B, s0  }
0xd2: {  	[sflag:s0] =	ssyncadd.remote.s32 $0x1  }
0xd3: {  	_ =	sfence.sel $0xFFFF  }
0xd4: {  	[dreg:$0x0] =	wrdreg $0xFFFFFFFF;
	(pc) =	sbr.abs _section_cstart, $3  }
0xd5: {  	[dreg:$0x1] =	wrdreg $0xFFFFFFFF  }
0xd6: {  	_ =	task.clear_ibuf [dreg:s22], $0x2FFFF;
	_ =	strace $0x9FFFFFFF  }
0xd7: {  	(tm) =	ssettm $0x7FFFFFFF  }
tec
execute0_lowered:
.L_overlay_start_1:
0x0: {  	(tag) =	ssettag $0x1  }
0x1: {  	v0 =	vlaneseq.u32;
	s3 =	rddreg [dreg:$0x0]  }
0x2: {  	s4 =	rddreg [dreg:$0x1];
	v1 =	vand.u32 $0x7, v0;
	v0 =	vmul.u32 $0x10, v0  }
0x3: {  	s0 =	rddreg [dreg:$0x2];
	s5 =	srdreg.scid  }
0x4: {  	s2 =	simm.s32 $0x0;
	s1 =	stileid.u32;
	v17 =	vimm.s32 $0x10;
	s8 =	simm.s32 $0x0;
	v1 =	vmul.u32 $0x10, v1;
	v2 =	vor.u32 $0x1, v0  }
0x5: {  	s5 =	sand.u32 $0x1, s5;
	s6 =	sshll.u32 s1, $0xA;
	[smem:$0x7FF] =	sst s2;
	v3 =	vor.u32 $0x2, v0;
	v4 =	vor.u32 $0x3, v0;
	v5 =	vor.u32 $0x4, v0  }
0x6: {  	s7 =	sshll.u32 s5, $0x9;
	s5 =	ssub.s32 $0x2, s5;
	_ =	strace $0x8000004A;
	v6 =	vor.u32 $0x5, v0;
	v7 =	vor.u32 $0x6, v0;
	v8 =	vor.u32 $0x7, v0  }
0x7: {  	s6 =	sor.u32 s7, s6;
	s31 =	sshrl.u32 s5, $0x1;
	v9 =	vor.u32 $0x8, v0;
	v10 =	vor.u32 $0x9, v0;
	v11 =	vor.u32 $0xA, v0;
	s7 =	simm.s32 $0x1000  }
0x8: {  	v12 =	vor.u32 $0xB, v0;
	v13 =	vor.u32 $0xC, v0;
	v14 =	vor.u32 $0xD, v0;
	s4 =	sadd.s32 s6, s4;
	s5 =	ssub.s32 s5, s31;
	s3 =	sadd.s32 s3, s6  }
0x9: {  	v15 =	vor.u32 $0xE, v0;
	v16 =	vor.u32 $0xF, v0;
	v1 =	vor.u32 $0xFFFFFF80, v1;
	s6 =	simm.s32 $0x1;
	s4 =	sadd.s32 $0x8C00, s4;
	s5 =	smax.u32 s5, $0x1  }
.LBB2_1:
0xa: {  	v18 =	vor.u32 s2, v0;
	v32 =	vor.u32 s2, v2  }
0xb: {  	[tilespmem:s2], [sflag:$0x1] =	stream.linear.gather [hbm4b:s3+s2], $0x1000, $0x38;
	v33 =	vand.u32 v1, v18;
	[tilespmem:$0x2000] =	vst v63  }
0xc: {  	v31 =	vor.u32 s2, v3;
	_ =	swait.ge [sflag:s6], $0x1000  }
0xd: {  	v30 =	vor.u32 s2, v4;
	[sflag:s6] =	ssyncset.done $0x0  }
0xe: {  	v29 =	vor.u32 s2, v5;
	[sflag:s6] =	ssyncadd.s32 $0xFFFFF000  }
0xf: {  	v28 =	vor.u32 s2, v6;
	v35 =	vld.idx.msk [tilespmem:v32+s2+$0x0], $0xffff  }
0x10: {  	v27 =	vor.u32 s2, v7;
	v34 =	vld.idx.msk [tilespmem:v33+s2+$0x0], $0xffff  }
0x11: {  	v26 =	vor.u32 s2, v8;
	v36 =	vld.idx.msk [tilespmem:v31+s2+$0x0], $0xffff  }
0x12: {  	v25 =	vor.u32 s2, v9;
	v37 =	vld.idx.msk [tilespmem:v30+s2+$0x0], $0xffff  }
0x13: {  	v24 =	vor.u32 s2, v10;
	v38 =	vld.idx.msk [tilespmem:v29+s2+$0x0], $0xffff  }
0x14: {  	v22 =	vor.u32 s2, v11;
	v39 =	vld.idx.msk [tilespmem:v28+s2+$0x0], $0xffff  }
0x15: {  	v23 =	vor.u32 s2, v12;
	v40 =	vld.idx.msk [tilespmem:v27+s2+$0x0], $0xffff;
	v19 =	vmax.f32 v34, v35  }
0x16: {  	v18 =	vor.u32 s2, v13;
	v41 =	vld.idx.msk [tilespmem:v26+s2+$0x0], $0xffff;
	v20 =	vmax.f32 v19, v36  }
0x17: {  	v42 =	vld.idx.msk [tilespmem:v25+s2+$0x0], $0xffff;
	v19 =	vor.u32 s2, v14;
	v21 =	vmax.f32 v20, v37  }
0x18: {  	v43 =	vld.idx.msk [tilespmem:v24+s2+$0x0], $0xffff;
	v20 =	vor.u32 s2, v15;
	v44 =	vmax.f32 v21, v38  }
0x19: {  	v45 =	vld.idx.msk [tilespmem:v22+s2+$0x0], $0xffff;
	v21 =	vor.u32 s2, v16;
	v44 =	vmax.f32 v44, v39  }
0x1a: {  	v46 =	vld.idx.msk [tilespmem:v23+s2+$0x0], $0xffff;
	v44 =	vmax.f32 v44, v40  }
0x1b: {  	v47 =	vld.idx.msk [tilespmem:v18+s2+$0x0], $0xffff;
	v44 =	vmax.f32 v44, v41  }
0x1c: {  	v48 =	vld.idx.msk [tilespmem:v19+s2+$0x0], $0xffff;
	v44 =	vmax.f32 v44, v42  }
0x1d: {  	v49 =	vld.idx.msk [tilespmem:v20+s2+$0x0], $0xffff;
	v44 =	vmax.f32 v44, v43  }
0x1e: {  	v50 =	vld.idx.msk [tilespmem:v21+s2+$0x0], $0xffff;
	v44 =	vmax.f32 v44, v45  }
0x1f: {  	v44 =	vmax.f32 v44, v46  }
0x20: {  	v44 =	vmax.f32 v44, v47  }
0x21: {  	v44 =	vmax.f32 v44, v48  }
0x22: {  	v44 =	vmax.f32 v44, v49  }
0x23: {  	v44 =	vmax.f32 v44, v50  }
0x24: {  	vm0 =	veq.f32 v50, v44  }
0x25: {  	vm15 =	veq.f32 v49, v44;
	v51 =	vsel vm0, $0xF, v17  }
0x26: {  	vm4 =	veq.f32 v48, v44;
	v51 =	vsel vm15, $0xE, v51  }
0x27: {  	vm5 =	veq.f32 v47, v44;
	v51 =	vsel vm4, $0xD, v51  }
0x28: {  	vm6 =	veq.f32 v46, v44;
	v51 =	vsel vm5, $0xC, v51  }
0x29: {  	vm7 =	veq.f32 v45, v44;
	v51 =	vsel vm6, $0xB, v51  }
0x2a: {  	vm8 =	veq.f32 v43, v44;
	v51 =	vsel vm7, $0xA, v51  }
0x2b: {  	vm9 =	veq.f32 v42, v44;
	v51 =	vsel vm8, $0x9, v51  }
0x2c: {  	vm10 =	veq.f32 v41, v44;
	v51 =	vsel vm9, $0x8, v51  }
0x2d: {  	vm1 =	veq.f32 v40, v44;
	v51 =	vsel vm10, $0x7, v51  }
0x2e: {  	vm11 =	veq.f32 v39, v44;
	v51 =	vsel vm1, $0x6, v51  }
0x2f: {  	vm12 =	veq.f32 v38, v44;
	v51 =	vsel vm11, $0x5, v51  }
0x30: {  	vm13 =	veq.f32 v37, v44;
	v51 =	vsel vm12, $0x4, v51  }
0x31: {  	vm14 =	veq.f32 v36, v44;
	v51 =	vsel vm13, $0x3, v51  }
0x32: {  	vm15 =	veq.f32 v35, v44;
	v51 =	vsel vm14, $0x2, v51  }
0x33: {  	vm4 =	veq.f32 v34, v44;
	v51 =	vsel vm15, $0x1, v51  }
0x34: {  	v51 =	vsel vm4, $0x0, v51  }
0x35: {  	v62 =	vimm.s32 $0x0;
	v52 =	vmax.f32 v34, $-3.000000010e+38;
	vm13 =	veq.s32 v51, $0x0  }
0x36: {  	vm14 =	veq.s32 v51, $0x1;
	vm15 =	veq.s32 v51, $0x2;
	vm12 =	veq.s32 v51, $0x3  }
0x37: {  	vm10 =	veq.s32 v51, $0x4;
	vm9 =	veq.s32 v51, $0x5;
	vm11 =	veq.s32 v51, $0x6  }
0x38: {  	vm6 =	veq.s32 v51, $0x7;
	v52 =	vsel vm13, $0xFF61B1E6, v52;
	v53 =	vsel vm14, $0xFF61B1E6, v35  }
0x39: {  	vm7 =	veq.s32 v51, $0x8;
	v56 =	vsel vm15, $0xFF61B1E6, v36;
	v52 =	vmax.f32 v52, v53  }
0x3a: {  	vm8 =	veq.s32 v51, $0x9;
	v57 =	vsel vm12, $0xFF61B1E6, v37;
	v52 =	vmax.f32 v52, v56  }
0x3b: {  	vm5 =	veq.s32 v51, $0xA;
	v54 =	vsel vm10, $0xFF61B1E6, v38;
	v52 =	vmax.f32 v52, v57  }
0x3c: {  	vm1 =	veq.s32 v51, $0xB;
	v58 =	vsel vm9, $0xFF61B1E6, v39;
	v52 =	vmax.f32 v52, v54  }
0x3d: {  	vm4 =	veq.s32 v51, $0xD;
	v59 =	vsel vm11, $0xFF61B1E6, v40;
	v52 =	vmax.f32 v52, v58  }
0x3e: {  	v60 =	vsel vm6, $0xFF61B1E6, v41;
	v61 =	vsel vm7, $0xFF61B1E6, v42;
	v52 =	vmax.f32 v52, v59  }
0x3f: {  	v63 =	vsel vm8, $0xFF61B1E6, v43;
	v57 =	vimm.s32 $0x0;
	v52 =	vmax.f32 v52, v60  }
0x40: {  	v53 =	vsel vm5, $0xFFFFFFFF, v62;
	v54 =	vsel vm1, $0xFFFFFFFF, v57;
	v52 =	vmax.f32 v52, v61  }
0x41: {  	v58 =	vsel vm5, $0xFF61B1E6, v45;
	vm5 =	veq.s32 v51, $0xC;
	v52 =	vmax.f32 v52, v63  }
0x42: {  	v59 =	vsel vm1, $0xFF61B1E6, v46;
	vm1 =	veq.s32 v51, $0xE;
	v52 =	vmax.f32 v52, v58  }
0x43: {  	v60 =	vimm.s32 $0x0;
	v61 =	vsel vm5, $0xFF61B1E6, v47;
	v52 =	vmax.f32 v52, v59  }
0x44: {  	[tilespmem:$0x1FFC0] =	vst v54;
	v54 =	vsel vm4, $0xFFFFFFFF, v60;
	v63 =	vsel vm4, $0xFF61B1E6, v48;
	v52 =	vmax.f32 v52, v61  }
0x45: {  	vm4 =	veq.s32 v51, $0xF;
	v58 =	vsel vm1, $0xFF61B1E6, v49;
	v52 =	vmax.f32 v52, v63  }
0x46: {  	v59 =	vsel vm4, $0xFF61B1E6, v50;
	v52 =	vmax.f32 v52, v58  }
0x47: {  	v52 =	vmax.f32 v52, v59  }
0x48: {  	v44 =	vsub.f32 v52, v44  }
0x49: {  	vm2 =	vne.s32 v51, $0xE;
	vm3 =	vne.s32 v51, $0xF  }
0x4a: {  	v62 =	vimm.s32 $0x0;
	[tilespmem:$0x1FFB0] =	vst v53;
	v57 =	vimm.s32 $0x0;
	v44 =	vmul.f32 $1.442695020e+00, v44  }
0x4b: {  	v53 =	vsel vm1, $0xFFFFFFFF, v62;
	[tilespmem:$0x1FFD0] =	vst v54;
	v54 =	vsel vm4, $0xFFFFFFFF, v57;
	vm0 =	veq.f32 v49, v52  }
0x4c: {  	vm4 =	veq.f32 v50, v52;
	vm0 =	vmand vm2, vm0;
	(erf) = vpow2.f32 v44  }
0x4d: {  	vm1 =	vmand vm3, vm4;
	vm4 =	veq.f32 v48, v52;
	vm2 =	vne.s32 v51, $0xB  }
0x4e: {  	vm3 =	veq.f32 v46, v52;
	v60 =	vsel vm1, $0xF, v17;
	vm1 =	vne.s32 v51, $0xD  }
0x4f: {  	vm2 =	vmand vm2, vm3;
	vm3 =	veq.f32 v43, v52;
	vm1 =	vmand vm1, vm4  }
0x50: {  	vm4 =	veq.f32 v47, v52;
	v44 =	vsel vm0, $0xE, v60;
	vm0 =	vne.s32 v51, $0xC  }
0x51: {  	vm0 =	vmand vm0, vm4;
	v44 =	vsel vm1, $0xD, v44;
	vm4 =	veq.f32 v45, v52  }
0x52: {  	vm1 =	vne.s32 v51, $0x9;
	v44 =	vsel vm0, $0xC, v44;
	vm0 =	vne.s32 v51, $0xA  }
0x53: {  	vm1 =	vmand vm1, vm3;
	vm0 =	vmand vm0, vm4  }
0x54: {  	v44 =	vsel vm2, $0xB, v44;
	vm2 =	vne.s32 v51, $0x8;
	vm4 =	veq.f32 v42, v52  }
0x55: {  	v61 =	vsel vm0, $0xA, v44;
	vm0 =	vmand vm2, vm4;
	vm4 =	veq.f32 v41, v52;
	v62 =	vpop (erf)  }
0x56: {  	v42 =	vsel vm1, $0x9, v61;
	vm1 =	vne.s32 v51, $0x7;
	v45 =	vadd.f32 $1.000000000e+00, v62  }
0x57: {  	vm1 =	vmand vm1, vm4;
	v63 =	vsel vm0, $0x8, v42;
	vm0 =	vne.s32 v51, $0x6  }
0x58: {  	vm4 =	veq.f32 v40, v52;
	v41 =	vsel vm1, $0x7, v63;
	(erf) = vrcp.f32 v45  }
0x59: {  	vm0 =	vmand vm0, vm4;
	vm1 =	veq.f32 v39, v52;
	vm4 =	vne.s32 v51, $0x5  }
0x5a: {  	vm3 =	veq.f32 v37, v52;
	vm2 =	veq.f32 v38, v52;
	vm1 =	vmand vm4, vm1  }
0x5b: {  	v46 =	vsel vm0, $0x6, v41;
	vm0 =	vne.s32 v51, $0x3;
	vm4 =	vne.s32 v51, $0x4  }
0x5c: {  	vm0 =	vmand vm0, vm3;
	vm2 =	vmand vm4, vm2;
	v47 =	vsel vm1, $0x5, v46  }
0x5d: {  	vm1 =	veq.f32 v36, v52;
	vm4 =	vne.s32 v51, $0x2;
	v37 =	vsel vm2, $0x4, v47  }
0x5e: {  	vm4 =	vmand vm4, vm1;
	v48 =	vsel vm0, $0x3, v37  }
0x5f: {  	vm0 =	veq.f32 v35, v52;
	v36 =	vsel vm4, $0x2, v48;
	vm4 =	vne.s32 v51, $0x1  }
0x60: {  	vm1 =	veq.f32 v34, v52;
	vm0 =	vmand vm4, vm0;
	vm4 =	vne.s32 v51, $0x0  }
0x61: {  	v49 =	vsel vm0, $0x1, v36;
	vm4 =	vmand vm4, vm1;
	v50 =	vpop (erf)  }
0x62: {  	v34 =	vsel vm4, $0x0, v49;
	v51 =	vmul.f32 v50, v62  }
0x63: {  	vm0 =	veq.s32 v34, $0x0  }
0x64: {  	[tilespmem:$0x1FFE0] =	vst v53;
	vm4 =	veq.s32 v34, $0x1;
	v52 =	vnsel vm0, $0x0, v51  }
0x65: {  	[tilespmem:$0x1FFF0] =	vst v54;
	v53 =	vnsel vm4, $0x0, v51;
	vm4 =	veq.s32 v34, $0x2;
	v37 =	vsel vm13, v50, v52  }
0x66: {  	v54 =	vnsel vm4, $0x0, v51;
	v38 =	vsel vm14, v50, v53;
	vm14 =	veq.s32 v34, $0x3;
	[tilespmem:v33+s7+$0x0] =	vst.idx.msk $0xffff, v37  }
0x67: {  	v39 =	vsel vm15, v50, v54;
	vm15 =	veq.s32 v34, $0x4;
	v55 =	vnsel vm14, $0x0, v51;
	[tilespmem:v32+s7+$0x0] =	vst.idx.msk $0xffff, v38  }
0x68: {  	vm4 =	veq.s32 v34, $0x5;
	v56 =	vnsel vm15, $0x0, v51;
	v40 =	vsel vm12, v50, v55;
	[tilespmem:v31+s7+$0x0] =	vst.idx.msk $0xffff, v39  }
0x69: {  	v57 =	vnsel vm4, $0x0, v51;
	vm12 =	veq.s32 v34, $0x6;
	v58 =	vsel vm10, v50, v56;
	[tilespmem:v30+s7+$0x0] =	vst.idx.msk $0xffff, v40  }
0x6a: {  	v60 =	vsel vm9, v50, v57;
	v59 =	vnsel vm12, $0x0, v51;
	[tilespmem:v29+s7+$0x0] =	vst.idx.msk $0xffff, v58  }
0x6b: {  	v37 =	vsel vm11, v50, v59;
	[tilespmem:v28+s7+$0x0] =	vst.idx.msk $0xffff, v60  }
0x6c: {  	vm14 =	veq.s32 v34, $0x7;
	[tilespmem:v27+s7+$0x0] =	vst.idx.msk $0xffff, v37;
	v27 =	vld [tilespmem:$0x1FFB0]  }
0x6d: {  	vm13 =	veq.s32 v34, $0x8;
	v31 =	vnsel vm14, $0x0, v51  }
0x6e: {  	v61 =	vnsel vm13, $0x0, v51;
	vm15 =	veq.s32 v34, $0x9;
	v30 =	vsel vm6, v50, v31  }
0x6f: {  	v31 =	vnsel vm15, $0x0, v51;
	v29 =	vsel vm7, v50, v61;
	[tilespmem:v26+s7+$0x0] =	vst.idx.msk $0xffff, v30  }
0x70: {  	vm6 =	veq.s32 v34, $0xA;
	v31 =	vsel vm8, v50, v31;
	[tilespmem:v25+s7+$0x0] =	vst.idx.msk $0xffff, v29  }
0x71: {  	v28 =	vnsel vm6, $0x0, v51;
	[tilespmem:v24+s7+$0x0] =	vst.idx.msk $0xffff, v31;
	v24 =	vld [tilespmem:$0x1FFD0];
	vm8 =	vnez.u8 v27  }
0x72: {  	v63 =	vsel vm8, v50, v28;
	v28 =	vld [tilespmem:$0x1FFC0];
	_ =	sdelay $0x2  }
0x73: {  	vm10 =	veq.s32 v34, $0xD;
	vm7 =	veq.s32 v34, $0xC  }
0x74: {  	v25 =	vnsel vm10, $0x0, v51;
	v27 =	vnsel vm7, $0x0, v51;
	[tilespmem:v22+s7+$0x0] =	vst.idx.msk $0xffff, v63;
	v22 =	vld [tilespmem:$0x1FFF0];
	vm13 =	vnez.u8 v24  }
0x75: {  	vm9 =	vnez.u8 v28;
	v28 =	vsel vm5, v50, v27;
	v27 =	vsel vm13, v50, v25;
	v25 =	vld [tilespmem:$0x1FFE0];
	_ =	sdelay $0x1  }
0x76: {  	vm4 =	veq.s32 v34, $0xB  }
0x77: {  	v62 =	vnsel vm4, $0x0, v51;
	vm12 =	veq.s32 v34, $0xF;
	vm11 =	veq.s32 v34, $0xE  }
0x78: {  	s9 =	simm.s32 $0x100;
	v26 =	vnsel vm11, $0x0, v51;
	v24 =	vnsel vm12, $0x0, v51;
	v32 =	vsel vm9, v50, v62  }
0x79: {  	vm15 =	vnez.u8 v22;
	v22 =	vor.u32 s9, v2;
	vm14 =	vnez.u8 v25  }
0x7a: {  	s10 =	simm.s32 $0x200;
	[tilespmem:v23+s7+$0x0] =	vst.idx.msk $0xffff, v32;
	v25 =	vsel vm15, v50, v24;
	v29 =	vsel vm14, v50, v26;
	v26 =	vor.u32 s9, v0  }
.LBB2_2:
0x7b: {  	v33 =	vand.u32 v1, v26;
	[tilespmem:v18+s7+$0x0] =	vst.idx.msk $0xffff, v28  }
0x7c: {  	v32 =	vor.u32 s9, v3;
	[tilespmem:v19+s7+$0x0] =	vst.idx.msk $0xffff, v27  }
0x7d: {  	v31 =	vor.u32 s9, v4;
	[tilespmem:v20+s7+$0x0] =	vst.idx.msk $0xffff, v29  }
0x7e: {  	v30 =	vor.u32 s9, v5;
	[tilespmem:v21+s7+$0x0] =	vst.idx.msk $0xffff, v25  }
0x7f: {  	v29 =	vor.u32 s9, v6;
	v35 =	vld.idx.msk [tilespmem:v22+s2+$0x0], $0xffff  }
0x80: {  	v28 =	vor.u32 s9, v7;
	v34 =	vld.idx.msk [tilespmem:v33+s2+$0x0], $0xffff  }
0x81: {  	v27 =	vor.u32 s9, v8;
	v36 =	vld.idx.msk [tilespmem:v32+s2+$0x0], $0xffff  }
0x82: {  	v25 =	vor.u32 s9, v9;
	v37 =	vld.idx.msk [tilespmem:v31+s2+$0x0], $0xffff  }
0x83: {  	v23 =	vor.u32 s9, v10;
	v38 =	vld.idx.msk [tilespmem:v30+s2+$0x0], $0xffff  }
0x84: {  	v26 =	vor.u32 s9, v11;
	v40 =	vld.idx.msk [tilespmem:v29+s2+$0x0], $0xffff  }
0x85: {  	v24 =	vor.u32 s9, v12;
	v39 =	vld.idx.msk [tilespmem:v28+s2+$0x0], $0xffff;
	v20 =	vmax.f32 v34, v35  }
0x86: {  	v18 =	vor.u32 s9, v13;
	v42 =	vld.idx.msk [tilespmem:v27+s2+$0x0], $0xffff;
	v21 =	vmax.f32 v20, v36  }
0x87: {  	v19 =	vor.u32 s9, v14;
	v41 =	vld.idx.msk [tilespmem:v25+s2+$0x0], $0xffff;
	v45 =	vmax.f32 v21, v37  }
0x88: {  	v44 =	vld.idx.msk [tilespmem:v23+s2+$0x0], $0xffff;
	v20 =	vor.u32 s9, v15;
	v45 =	vmax.f32 v45, v38  }
0x89: {  	v43 =	vld.idx.msk [tilespmem:v26+s2+$0x0], $0xffff;
	v21 =	vor.u32 s9, v16;
	v47 =	vmax.f32 v45, v40  }
0x8a: {  	v46 =	vld.idx.msk [tilespmem:v24+s2+$0x0], $0xffff;
	v47 =	vmax.f32 v47, v39  }
0x8b: {  	v45 =	vld.idx.msk [tilespmem:v18+s2+$0x0], $0xffff;
	v47 =	vmax.f32 v47, v42  }
0x8c: {  	v48 =	vld.idx.msk [tilespmem:v19+s2+$0x0], $0xffff;
	v49 =	vmax.f32 v47, v41  }
0x8d: {  	v50 =	vld.idx.msk [tilespmem:v20+s2+$0x0], $0xffff;
	v49 =	vmax.f32 v49, v44  }
0x8e: {  	v47 =	vld.idx.msk [tilespmem:v21+s2+$0x0], $0xffff;
	v49 =	vmax.f32 v49, v43  }
0x8f: {  	v49 =	vmax.f32 v49, v46  }
0x90: {  	v49 =	vmax.f32 v49, v45  }
0x91: {  	v49 =	vmax.f32 v49, v48  }
0x92: {  	v49 =	vmax.f32 v49, v50  }
0x93: {  	v51 =	vmax.f32 v49, v47  }
0x94: {  	vm2 =	veq.f32 v47, v51  }
0x95: {  	vm3 =	veq.f32 v50, v51;
	v55 =	vsel vm2, $0xF, v17  }
0x96: {  	vm9 =	veq.f32 v48, v51;
	v49 =	vsel vm3, $0xE, v55  }
0x97: {  	vm10 =	veq.f32 v45, v51;
	v49 =	vsel vm9, $0xD, v49  }
0x98: {  	vm11 =	veq.f32 v46, v51;
	v49 =	vsel vm10, $0xC, v49  }
0x99: {  	vm12 =	veq.f32 v43, v51;
	v49 =	vsel vm11, $0xB, v49  }
0x9a: {  	vm13 =	veq.f32 v44, v51;
	v49 =	vsel vm12, $0xA, v49  }
0x9b: {  	vm14 =	veq.f32 v41, v51;
	v49 =	vsel vm13, $0x9, v49  }
0x9c: {  	vm15 =	veq.f32 v42, v51;
	v49 =	vsel vm14, $0x8, v49  }
0x9d: {  	vm1 =	veq.f32 v39, v51;
	v49 =	vsel vm15, $0x7, v49  }
0x9e: {  	v53 =	vimm.s32 $0x0;
	vm0 =	veq.f32 v40, v51;
	v49 =	vsel vm1, $0x6, v49  }
0x9f: {  	v56 =	vimm.s32 $0x0;
	vm2 =	veq.f32 v38, v51;
	v49 =	vsel vm0, $0x5, v49  }
0xa0: {  	v58 =	vimm.s32 $0x0;
	vm4 =	veq.f32 v37, v51;
	v49 =	vsel vm2, $0x4, v49  }
0xa1: {  	v54 =	vimm.s32 $0x0;
	vm5 =	veq.f32 v36, v51;
	v49 =	vsel vm4, $0x3, v49  }
0xa2: {  	v60 =	vimm.s32 $0x0;
	vm6 =	veq.f32 v35, v51;
	v49 =	vsel vm5, $0x2, v49  }
0xa3: {  	v61 =	vimm.s32 $0x0;
	vm7 =	veq.f32 v34, v51;
	v49 =	vsel vm6, $0x1, v49  }
0xa4: {  	v62 =	vimm.s32 $0x0;
	v52 =	vmax.f32 v34, $-3.000000010e+38;
	v49 =	vsel vm7, $0x0, v49  }
0xa5: {  	v55 =	vimm.s32 $0x0;
	vm5 =	veq.s32 v49, $0x0;
	vm6 =	veq.s32 v49, $0x1  }
0xa6: {  	vm14 =	vne.s32 v49, $0x3;
	vm12 =	vne.s32 v49, $0xA;
	vm7 =	veq.s32 v49, $0x2  }
0xa7: {  	vm13 =	vne.s32 v49, $0x9;
	vm8 =	veq.s32 v49, $0x3;
	vm9 =	veq.s32 v49, $0x5  }
0xa8: {  	vm10 =	veq.s32 v49, $0x4;
	vm11 =	veq.s32 v49, $0x6;
	vm15 =	veq.s32 v49, $0x7  }
0xa9: {  	vm4 =	veq.s32 v49, $0x8;
	vm3 =	vne.s32 v49, $0xB;
	v53 =	vsel vm5, $0xFFFFFFFF, v53  }
0xaa: {  	v52 =	vsel vm5, $0xFF61B1E6, v52;
	v57 =	vsel vm6, $0xFF61B1E6, v35;
	v59 =	vsel vm7, $0xFF61B1E6, v36  }
0xab: {  	v54 =	vsel vm8, $0xFFFFFFFF, v54;
	v63 =	vsel vm10, $0xFF61B1E6, v38;
	v55 =	vsel vm15, $0xFFFFFFFF, v55  }
0xac: {  	vm5 =	veq.s32 v49, $0x9;
	[tilespmem:$0x1FEB0] =	vst v53;
	v53 =	vsel vm6, $0xFFFFFFFF, v56;
	v52 =	vmax.f32 v52, v57  }
0xad: {  	[tilespmem:$0x1FEE0] =	vst v54;
	v54 =	vsel vm9, $0xFFFFFFFF, v60;
	v60 =	vsel vm9, $0xFF61B1E6, v40;
	v56 =	vsel vm11, $0xFF61B1E6, v39  }
0xae: {  	[tilespmem:$0x1FF20] =	vst v55;
	v57 =	vimm.s32 $0x0;
	v55 =	vsel vm15, $0xFF61B1E6, v42;
	vm6 =	veq.s32 v49, $0xA  }
0xaf: {  	vm9 =	veq.s32 v49, $0xD;
	[tilespmem:$0x1FEC0] =	vst v53;
	v53 =	vsel vm7, $0xFFFFFFFF, v58;
	v52 =	vmax.f32 v52, v59  }
0xb0: {  	[tilespmem:$0x1FF00] =	vst v54;
	v57 =	vsel vm4, $0xFFFFFFFF, v57;
	v54 =	vsel vm5, $0xFF61B1E6, v44;
	vm7 =	veq.s32 v49, $0xB  }
0xb1: {  	[tilespmem:$0x1FED0] =	vst v53;
	v53 =	vsel vm10, $0xFFFFFFFF, v61;
	v61 =	vsel vm8, $0xFF61B1E6, v37;
	vm8 =	veq.s32 v49, $0xC  }
0xb2: {  	vm10 =	veq.s32 v49, $0xE;
	[tilespmem:$0x1FEF0] =	vst v53;
	v53 =	vsel vm11, $0xFFFFFFFF, v62;
	v52 =	vmax.f32 v52, v61  }
0xb3: {  	v62 =	vimm.s32 $0x0;
	v61 =	vimm.s32 $0x0;
	v52 =	vmax.f32 v52, v63  }
0xb4: {  	[tilespmem:$0x1FF30] =	vst v57;
	vm11 =	veq.s32 v49, $0xF;
	v57 =	vsel vm5, $0xFFFFFFFF, v62;
	v52 =	vmax.f32 v52, v60  }
0xb5: {  	[tilespmem:$0x1FF10] =	vst v53;
	v53 =	vsel vm4, $0xFF61B1E6, v41;
	v63 =	vimm.s32 $0x0;
	v52 =	vmax.f32 v52, v56  }
0xb6: {  	v62 =	vimm.s32 $0x0;
	vm4 =	vne.s32 v49, $0xE;
	v52 =	vmax.f32 v52, v55  }
0xb7: {  	[tilespmem:$0x1FF40] =	vst v57;
	v57 =	vsel vm6, $0xFFFFFFFF, v63;
	v60 =	vimm.s32 $0x0;
	v52 =	vmax.f32 v52, v53  }
0xb8: {  	v63 =	vimm.s32 $0x0;
	v56 =	vsel vm6, $0xFF61B1E6, v43;
	v52 =	vmax.f32 v52, v54  }
0xb9: {  	[tilespmem:$0x1FF50] =	vst v57;
	v57 =	vsel vm7, $0xFFFFFFFF, v60;
	v55 =	vsel vm7, $0xFF61B1E6, v46;
	v52 =	vmax.f32 v52, v56  }
0xba: {  	v60 =	vsel vm9, $0xFF61B1E6, v48;
	v53 =	vsel vm8, $0xFF61B1E6, v45;
	v52 =	vmax.f32 v52, v55  }
0xbb: {  	vm6 =	vne.s32 v49, $0xD;
	[tilespmem:$0x1FF60] =	vst v57;
	v57 =	vsel vm8, $0xFFFFFFFF, v61;
	v52 =	vmax.f32 v52, v53  }
0xbc: {  	[tilespmem:$0x1FF70] =	vst v57;
	v57 =	vsel vm9, $0xFFFFFFFF, v62;
	v62 =	vsel vm10, $0xFF61B1E6, v50;
	v52 =	vmax.f32 v52, v60  }
0xbd: {  	[tilespmem:$0x1FF80] =	vst v57;
	v57 =	vsel vm10, $0xFFFFFFFF, v63;
	v63 =	vsel vm11, $0xFF61B1E6, v47;
	v52 =	vmax.f32 v52, v62  }
0xbe: {  	v61 =	vimm.s32 $0x0;
	vm7 =	vne.s32 v49, $0xC;
	v52 =	vmax.f32 v52, v63  }
0xbf: {  	vm9 =	vne.s32 v49, $0xF;
	vm8 =	vne.s32 v49, $0x7;
	v56 =	vsub.f32 v52, v51  }
0xc0: {  	vm10 =	vne.s32 v49, $0x8;
	[tilespmem:$0x1FF90] =	vst v57;
	v57 =	vsel vm11, $0xFFFFFFFF, v61;
	vm11 =	vne.s32 v49, $0x6  }
0xc1: {  	[tilespmem:$0x1FFA0] =	vst v57;
	vm15 =	veq.f32 v50, v52;
	vm1 =	veq.f32 v46, v52;
	v57 =	vmul.f32 $1.442695020e+00, v56  }
0xc2: {  	vm0 =	veq.f32 v48, v52;
	vm5 =	veq.f32 v44, v52;
	vm2 =	vmand vm4, vm15  }
0xc3: {  	vm4 =	vmand vm6, vm0;
	vm15 =	veq.f32 v47, v52;
	(erf) = vpow2.f32 v57  }
0xc4: {  	vm6 =	veq.f32 v45, v52;
	vm1 =	vmand vm3, vm1;
	vm0 =	vmand vm9, vm15  }
0xc5: {  	vm3 =	veq.f32 v40, v52;
	vm6 =	vmand vm7, vm6;
	v58 =	vsel vm0, $0xF, v17  }
0xc6: {  	vm7 =	veq.f32 v43, v52;
	vm9 =	veq.f32 v42, v52;
	v59 =	vsel vm2, $0xE, v58  }
0xc7: {  	vm15 =	veq.f32 v37, v52;
	vm0 =	vmand vm12, vm7;
	v60 =	vsel vm4, $0xD, v59  }
0xc8: {  	vm12 =	vmand vm13, vm5;
	vm13 =	veq.f32 v41, v52;
	v40 =	vsel vm6, $0xC, v60  }
0xc9: {  	vm7 =	veq.f32 v38, v52;
	vm2 =	vmand vm8, vm9;
	v61 =	vsel vm1, $0xB, v40  }
0xca: {  	vm8 =	veq.f32 v36, v52;
	vm9 =	vmand vm10, vm13;
	v62 =	vsel vm0, $0xA, v61  }
0xcb: {  	vm10 =	vne.s32 v49, $0x5;
	vm6 =	veq.f32 v39, v52;
	v63 =	vsel vm12, $0x9, v62  }
0xcc: {  	vm1 =	vmand vm14, vm15;
	vm15 =	vmand vm11, vm6;
	v39 =	vsel vm9, $0x8, v63;
	v40 =	vpop (erf)  }
0xcd: {  	vm12 =	veq.f32 v35, v52;
	v35 =	vsel vm2, $0x7, v39;
	v41 =	vadd.f32 $1.000000000e+00, v40  }
0xce: {  	vm13 =	vmand vm10, vm3;
	vm14 =	vne.s32 v49, $0x4;
	v35 =	vsel vm15, $0x6, v35  }
0xcf: {  	vm3 =	vmand vm14, vm7;
	v35 =	vsel vm13, $0x5, v35;
	(erf) = vrcp.f32 v41  }
0xd0: {  	vm6 =	veq.f32 v34, v52;
	vm7 =	vne.s32 v49, $0x2;
	v35 =	vsel vm3, $0x4, v35  }
0xd1: {  	vm0 =	vmand vm7, vm8;
	vm9 =	vne.s32 v49, $0x1;
	v42 =	vsel vm1, $0x3, v35  }
0xd2: {  	vm11 =	vne.s32 v49, $0x0;
	vm10 =	vmand vm9, vm12;
	v34 =	vsel vm0, $0x2, v42  }
0xd3: {  	vm12 =	vmand vm11, vm6;
	v34 =	vsel vm10, $0x1, v34  }
0xd4: {  	v34 =	vsel vm12, $0x0, v34  }
0xd5: {  	vm14 =	veq.s32 v34, $0xD  }
0xd6: {  	v47 =	vld [tilespmem:$0x1FEB0];
	vm15 =	veq.s32 v34, $0xF;
	vm6 =	veq.s32 v34, $0xB;
	vm5 =	veq.s32 v34, $0xC  }
0xd7: {  	v48 =	vld [tilespmem:$0x1FEC0];
	vm7 =	veq.s32 v34, $0xE;
	vm2 =	veq.s32 v34, $0x8;
	vm3 =	veq.s32 v34, $0x9  }
0xd8: {  	vm4 =	veq.s32 v34, $0xA;
	vm8 =	veq.s32 v34, $0x5;
	vm9 =	veq.s32 v34, $0x6;
	v43 =	vpop (erf)  }
0xd9: {  	vm10 =	veq.s32 v34, $0x7;
	vm11 =	veq.s32 v34, $0x3;
	v36 =	vmul.f32 v43, v40  }
0xda: {  	vm12 =	veq.s32 v34, $0x4;
	vm13 =	veq.s32 v34, $0x0;
	vm0 =	veq.s32 v34, $0x1  }
0xdb: {  	vm1 =	veq.s32 v34, $0x2;
	v44 =	vnsel vm13, $0x0, v36;
	vm13 =	vnez.u8 v47  }
0xdc: {  	v45 =	vnsel vm0, $0x0, v36;
	v34 =	vsel vm13, v43, v44;
	vm13 =	vnez.u8 v48  }
0xdd: {  	v49 =	vld [tilespmem:$0x1FED0];
	v37 =	vsel vm13, v43, v45;
	[tilespmem:v33+s7+$0x0] =	vst.idx.msk $0xffff, v34  }
0xde: {  	[tilespmem:v22+s7+$0x0] =	vst.idx.msk $0xffff, v37;
	v22 =	vld [tilespmem:$0x1FEE0]  }
0xdf: {  	v53 =	vld [tilespmem:$0x1FEF0];
	_ =	sdelay $0x2  }
0xe0: {  	v46 =	vnsel vm1, $0x0, v36;
	v50 =	vnsel vm11, $0x0, v36;
	vm13 =	vnez.u8 v49  }
0xe1: {  	v55 =	vld [tilespmem:$0x1FF00];
	v51 =	vnsel vm12, $0x0, v36;
	v38 =	vsel vm13, v43, v46;
	vm13 =	vnez.u8 v22  }
0xe2: {  	v56 =	vld [tilespmem:$0x1FF10];
	v52 =	vnsel vm8, $0x0, v36;
	vm8 =	vnez.u8 v53;
	[tilespmem:v32+s7+$0x0] =	vst.idx.msk $0xffff, v38;
	v22 =	vsel vm13, v43, v50  }
0xe3: {  	v33 =	vsel vm8, v43, v51;
	[tilespmem:v31+s7+$0x0] =	vst.idx.msk $0xffff, v22;
	v22 =	vld [tilespmem:$0x1FF20]  }
0xe4: {  	[tilespmem:v30+s7+$0x0] =	vst.idx.msk $0xffff, v33;
	v30 =	vld [tilespmem:$0x1FF30];
	_ =	sdelay $0x1  }
0xe5: {  	vm11 =	vnez.u8 v55  }
0xe6: {  	v54 =	vnsel vm9, $0x0, v36;
	vm12 =	vnez.u8 v56;
	v32 =	vsel vm11, v43, v52  }
0xe7: {  	v57 =	vnsel vm10, $0x0, v36;
	v34 =	vsel vm12, v43, v54;
	[tilespmem:v29+s7+$0x0] =	vst.idx.msk $0xffff, v32;
	v29 =	vld [tilespmem:$0x1FF50];
	vm13 =	vnez.u8 v22  }
0xe8: {  	v31 =	vnsel vm2, $0x0, v36;
	[tilespmem:v28+s7+$0x0] =	vst.idx.msk $0xffff, v34;
	v28 =	vld [tilespmem:$0x1FF60];
	v22 =	vsel vm13, v43, v57;
	vm8 =	vnez.u8 v30  }
0xe9: {  	v30 =	vsel vm8, v43, v31;
	[tilespmem:v27+s7+$0x0] =	vst.idx.msk $0xffff, v22;
	v22 =	vld [tilespmem:$0x1FF80]  }
0xea: {  	[tilespmem:v25+s7+$0x0] =	vst.idx.msk $0xffff, v30;
	v25 =	vld [tilespmem:$0x1FF90];
	_ =	sdelay $0x2  }
0xeb: {  	v31 =	vld [tilespmem:$0x1FF40];
	vm10 =	vnez.u8 v29;
	v29 =	vnsel vm6, $0x0, v36;
	vm11 =	vnez.u8 v28  }
0xec: {  	v62 =	vsel vm11, v43, v29;
	v29 =	vnsel vm14, $0x0, v36  }
0xed: {  	v28 =	vld [tilespmem:$0x1FF70];
	vm13 =	vnez.u8 v22;
	v22 =	vnsel vm7, $0x0, v36;
	vm14 =	vnez.u8 v25  }
0xee: {  	v27 =	vsel vm13, v43, v29;
	v29 =	vsel vm14, v43, v22;
	v22 =	vld [tilespmem:$0x1FFA0]  }
0xef: {  	p0 =	sne.s32 s10, $0xF00  }
.Ltmp0:
0xf0: {  	v58 =	vnsel vm3, $0x0, v36;
	vm9 =	vnez.u8 v31;
	(pc) =	sbr.rel @p0 .LBB2_2-.Ltmp0, $4  }
0xf1: {  	v59 =	vnsel vm4, $0x0, v36;
	v31 =	vsel vm9, v43, v58  }
0xf2: {  	s11 =	smov.u32 s10;
	v61 =	vnsel vm5, $0x0, v36;
	v60 =	vsel vm10, v43, v59;
	vm12 =	vnez.u8 v28;
	[tilespmem:v23+s7+$0x0] =	vst.idx.msk $0xffff, v31  }
0xf3: {  	s9 =	smov.u32 s11;
	v63 =	vnsel vm15, $0x0, v36;
	v28 =	vsel vm12, v43, v61;
	[tilespmem:v26+s7+$0x0] =	vst.idx.msk $0xffff, v60;
	vm15 =	vnez.u8 v22  }
0xf4: {  	s10 =	sadd.s32 $0x100, s10;
	v26 =	vor.u32 s9, v0;
	[tilespmem:v24+s7+$0x0] =	vst.idx.msk $0xffff, v62;
	v22 =	vor.u32 s9, v2;
	v25 =	vsel vm15, v43, v63  }
0xf5: {  	_ =	sdelay $0x3  }
0xf6: {  	v33 =	vand.u32 v1, v26;
	[tilespmem:v18+s7+$0x0] =	vst.idx.msk $0xffff, v28  }
0xf7: {  	v32 =	vor.u32 s9, v3;
	[tilespmem:v19+s7+$0x0] =	vst.idx.msk $0xffff, v27  }
0xf8: {  	v31 =	vor.u32 s9, v4;
	[tilespmem:v20+s7+$0x0] =	vst.idx.msk $0xffff, v29  }
0xf9: {  	v30 =	vor.u32 s9, v5;
	[tilespmem:v21+s7+$0x0] =	vst.idx.msk $0xffff, v25  }
0xfa: {  	v29 =	vor.u32 s9, v6;
	v35 =	vld.idx.msk [tilespmem:v22+s2+$0x0], $0xffff  }
0xfb: {  	v28 =	vor.u32 s9, v7;
	v34 =	vld.idx.msk [tilespmem:v33+s2+$0x0], $0xffff  }
0xfc: {  	v27 =	vor.u32 s9, v8;
	v36 =	vld.idx.msk [tilespmem:v32+s2+$0x0], $0xffff  }
0xfd: {  	v26 =	vor.u32 s9, v9;
	v37 =	vld.idx.msk [tilespmem:v31+s2+$0x0], $0xffff  }
0xfe: {  	v25 =	vor.u32 s9, v10;
	v38 =	vld.idx.msk [tilespmem:v30+s2+$0x0], $0xffff  }
0xff: {  	v23 =	vor.u32 s9, v11;
	v39 =	vld.idx.msk [tilespmem:v29+s2+$0x0], $0xffff  }
0x100: {  	v20 =	vor.u32 s9, v12;
	v40 =	vld.idx.msk [tilespmem:v28+s2+$0x0], $0xffff;
	v19 =	vmax.f32 v34, v35  }
0x101: {  	v18 =	vor.u32 s9, v13;
	v41 =	vld.idx.msk [tilespmem:v27+s2+$0x0], $0xffff;
	v59 =	vmax.f32 v19, v36  }
0x102: {  	v42 =	vld.idx.msk [tilespmem:v26+s2+$0x0], $0xffff;
	v19 =	vor.u32 s9, v14;
	v24 =	vmax.f32 v59, v37  }
0x103: {  	v21 =	vor.u32 s9, v15;
	v43 =	vld.idx.msk [tilespmem:v25+s2+$0x0], $0xffff;
	v44 =	vmax.f32 v24, v38  }
0x104: {  	v45 =	vld.idx.msk [tilespmem:v23+s2+$0x0], $0xffff;
	v24 =	vor.u32 s9, v16;
	v44 =	vmax.f32 v44, v39  }
0x105: {  	v46 =	vld.idx.msk [tilespmem:v20+s2+$0x0], $0xffff;
	v44 =	vmax.f32 v44, v40  }
0x106: {  	v47 =	vld.idx.msk [tilespmem:v18+s2+$0x0], $0xffff;
	v44 =	vmax.f32 v44, v41  }
0x107: {  	v48 =	vld.idx.msk [tilespmem:v19+s2+$0x0], $0xffff;
	v44 =	vmax.f32 v44, v42  }
0x108: {  	v49 =	vld.idx.msk [tilespmem:v21+s2+$0x0], $0xffff;
	v44 =	vmax.f32 v44, v43  }
0x109: {  	v50 =	vld.idx.msk [tilespmem:v24+s2+$0x0], $0xffff;
	v44 =	vmax.f32 v44, v45  }
0x10a: {  	v44 =	vmax.f32 v44, v46  }
0x10b: {  	v44 =	vmax.f32 v44, v47  }
0x10c: {  	v44 =	vmax.f32 v44, v48  }
0x10d: {  	v44 =	vmax.f32 v44, v49  }
0x10e: {  	v44 =	vmax.f32 v44, v50  }
0x10f: {  	vm0 =	veq.f32 v50, v44  }
0x110: {  	vm14 =	veq.f32 v49, v44;
	v51 =	vsel vm0, $0xF, v17  }
0x111: {  	vm15 =	veq.f32 v48, v44;
	v51 =	vsel vm14, $0xE, v51  }
0x112: {  	vm4 =	veq.f32 v47, v44;
	v51 =	vsel vm15, $0xD, v51  }
0x113: {  	vm5 =	veq.f32 v46, v44;
	v51 =	vsel vm4, $0xC, v51  }
0x114: {  	vm6 =	veq.f32 v45, v44;
	v51 =	vsel vm5, $0xB, v51  }
0x115: {  	vm7 =	veq.f32 v43, v44;
	v51 =	vsel vm6, $0xA, v51  }
0x116: {  	vm8 =	veq.f32 v42, v44;
	v51 =	vsel vm7, $0x9, v51  }
0x117: {  	vm9 =	veq.f32 v41, v44;
	v51 =	vsel vm8, $0x8, v51  }
0x118: {  	vm1 =	veq.f32 v40, v44;
	v51 =	vsel vm9, $0x7, v51  }
0x119: {  	vm10 =	veq.f32 v39, v44;
	v51 =	vsel vm1, $0x6, v51  }
0x11a: {  	vm11 =	veq.f32 v38, v44;
	v51 =	vsel vm10, $0x5, v51  }
0x11b: {  	vm12 =	veq.f32 v37, v44;
	v51 =	vsel vm11, $0x4, v51  }
0x11c: {  	vm13 =	veq.f32 v36, v44;
	v51 =	vsel vm12, $0x3, v51  }
0x11d: {  	vm14 =	veq.f32 v35, v44;
	v51 =	vsel vm13, $0x2, v51  }
0x11e: {  	vm15 =	veq.f32 v34, v44;
	v51 =	vsel vm14, $0x1, v51  }
0x11f: {  	v52 =	vmax.f32 v34, $-3.000000010e+38;
	v51 =	vsel vm15, $0x0, v51  }
0x120: {  	vm15 =	veq.s32 v51, $0x0;
	vm13 =	veq.s32 v51, $0x1;
	vm14 =	veq.s32 v51, $0x2  }
0x121: {  	vm12 =	veq.s32 v51, $0x3;
	vm11 =	veq.s32 v51, $0x4;
	vm9 =	veq.s32 v51, $0x5  }
0x122: {  	vm10 =	veq.s32 v51, $0x6;
	v52 =	vsel vm15, $0xFF61B1E6, v52;
	v53 =	vsel vm13, $0xFF61B1E6, v35  }
0x123: {  	vm8 =	veq.s32 v51, $0x7;
	v60 =	vsel vm14, $0xFF61B1E6, v36;
	v52 =	vmax.f32 v52, v53  }
0x124: {  	vm6 =	veq.s32 v51, $0x8;
	v61 =	vsel vm12, $0xFF61B1E6, v37;
	v52 =	vmax.f32 v52, v60  }
0x125: {  	vm7 =	veq.s32 v51, $0x9;
	v54 =	vsel vm11, $0xFF61B1E6, v38;
	v52 =	vmax.f32 v52, v61  }
0x126: {  	vm5 =	veq.s32 v51, $0xA;
	v62 =	vsel vm9, $0xFF61B1E6, v39;
	v52 =	vmax.f32 v52, v54  }
0x127: {  	vm4 =	veq.s32 v51, $0xB;
	v63 =	vsel vm10, $0xFF61B1E6, v40;
	v52 =	vmax.f32 v52, v62  }
0x128: {  	vm2 =	veq.s32 v51, $0xC;
	v57 =	vsel vm8, $0xFF61B1E6, v41;
	v52 =	vmax.f32 v52, v63  }
0x129: {  	vm1 =	veq.s32 v51, $0xD;
	v58 =	vsel vm6, $0xFF61B1E6, v42;
	v52 =	vmax.f32 v52, v57  }
0x12a: {  	vm0 =	veq.s32 v51, $0xE;
	v59 =	vsel vm7, $0xFF61B1E6, v43;
	v52 =	vmax.f32 v52, v58  }
0x12b: {  	v60 =	vimm.s32 $0x0;
	v61 =	vsel vm5, $0xFF61B1E6, v45;
	v52 =	vmax.f32 v52, v59  }
0x12c: {  	v54 =	vsel vm4, $0xFFFFFFFF, v60;
	v63 =	vsel vm4, $0xFF61B1E6, v46;
	v52 =	vmax.f32 v52, v61  }
0x12d: {  	v62 =	vimm.s32 $0x0;
	v58 =	vsel vm2, $0xFF61B1E6, v47;
	v52 =	vmax.f32 v52, v63  }
0x12e: {  	v60 =	vsel vm1, $0xFF61B1E6, v48;
	v53 =	vsel vm2, $0xFFFFFFFF, v62;
	v52 =	vmax.f32 v52, v58  }
0x12f: {  	vm4 =	veq.s32 v51, $0xF;
	v62 =	vsel vm0, $0xFF61B1E6, v49;
	v52 =	vmax.f32 v52, v60  }
0x130: {  	v63 =	vsel vm4, $0xFF61B1E6, v50;
	v52 =	vmax.f32 v52, v62  }
0x131: {  	v52 =	vmax.f32 v52, v63  }
0x132: {  	v57 =	vimm.s32 $0x0;
	v44 =	vsub.f32 v52, v44  }
0x133: {  	vm3 =	vne.s32 v51, $0xF;
	[tilespmem:$0x1FE60] =	vst v54;
	v54 =	vsel vm1, $0xFFFFFFFF, v57;
	vm2 =	vne.s32 v51, $0xE  }
0x134: {  	[tilespmem:$0x1FE70] =	vst v53;
	v59 =	vimm.s32 $0x0;
	v61 =	vimm.s32 $0x0;
	v44 =	vmul.f32 $1.442695020e+00, v44  }
0x135: {  	[tilespmem:$0x1FE80] =	vst v54;
	v53 =	vsel vm0, $0xFFFFFFFF, v59;
	v54 =	vsel vm4, $0xFFFFFFFF, v61;
	vm0 =	veq.f32 v49, v52  }
0x136: {  	vm4 =	veq.f32 v50, v52;
	vm0 =	vmand vm2, vm0;
	(erf) = vpow2.f32 v44  }
0x137: {  	vm1 =	vmand vm3, vm4;
	vm4 =	veq.f32 v48, v52;
	vm2 =	vne.s32 v51, $0xB  }
0x138: {  	[tilespmem:$0x1FE90] =	vst v53;
	vm3 =	veq.f32 v46, v52;
	v53 =	vsel vm1, $0xF, v17;
	vm1 =	vne.s32 v51, $0xD  }
0x139: {  	vm2 =	vmand vm2, vm3;
	vm3 =	veq.f32 v43, v52;
	vm1 =	vmand vm1, vm4  }
0x13a: {  	vm4 =	veq.f32 v47, v52;
	v44 =	vsel vm0, $0xE, v53;
	vm0 =	vne.s32 v51, $0xC  }
0x13b: {  	vm0 =	vmand vm0, vm4;
	v44 =	vsel vm1, $0xD, v44;
	vm4 =	veq.f32 v45, v52  }
0x13c: {  	vm1 =	vne.s32 v51, $0x9;
	v44 =	vsel vm0, $0xC, v44;
	vm0 =	vne.s32 v51, $0xA  }
0x13d: {  	vm1 =	vmand vm1, vm3;
	vm0 =	vmand vm0, vm4  }
0x13e: {  	v44 =	vsel vm2, $0xB, v44;
	vm2 =	vne.s32 v51, $0x8;
	vm4 =	veq.f32 v42, v52  }
0x13f: {  	[tilespmem:$0x1FEA0] =	vst v54;
	v54 =	vsel vm0, $0xA, v44;
	vm0 =	vmand vm2, vm4;
	vm4 =	veq.f32 v41, v52;
	v55 =	vpop (erf)  }
0x140: {  	v42 =	vsel vm1, $0x9, v54;
	vm1 =	vne.s32 v51, $0x7;
	v57 =	vadd.f32 $1.000000000e+00, v55  }
0x141: {  	vm1 =	vmand vm1, vm4;
	v56 =	vsel vm0, $0x8, v42;
	vm0 =	vne.s32 v51, $0x6  }
0x142: {  	vm4 =	veq.f32 v40, v52;
	v41 =	vsel vm1, $0x7, v56;
	(erf) = vrcp.f32 v57  }
0x143: {  	vm0 =	vmand vm0, vm4;
	vm1 =	veq.f32 v39, v52;
	vm4 =	vne.s32 v51, $0x5  }
0x144: {  	vm3 =	veq.f32 v37, v52;
	vm2 =	veq.f32 v38, v52;
	vm1 =	vmand vm4, vm1  }
0x145: {  	v58 =	vsel vm0, $0x6, v41;
	vm0 =	vne.s32 v51, $0x3;
	vm4 =	vne.s32 v51, $0x4  }
0x146: {  	vm0 =	vmand vm0, vm3;
	vm2 =	vmand vm4, vm2;
	v59 =	vsel vm1, $0x5, v58  }
0x147: {  	vm1 =	veq.f32 v36, v52;
	vm4 =	vne.s32 v51, $0x2;
	v37 =	vsel vm2, $0x4, v59  }
0x148: {  	vm4 =	vmand vm4, vm1;
	v60 =	vsel vm0, $0x3, v37  }
0x149: {  	vm0 =	veq.f32 v35, v52;
	v36 =	vsel vm4, $0x2, v60;
	vm4 =	vne.s32 v51, $0x1  }
0x14a: {  	vm1 =	veq.f32 v34, v52;
	vm0 =	vmand vm4, vm0;
	vm4 =	vne.s32 v51, $0x0  }
0x14b: {  	v61 =	vsel vm0, $0x1, v36;
	vm4 =	vmand vm4, vm1;
	v35 =	vpop (erf)  }
0x14c: {  	v34 =	vsel vm4, $0x0, v61;
	v36 =	vmul.f32 v35, v55  }
0x14d: {  	vm0 =	veq.s32 v34, $0x0;
	vm4 =	veq.s32 v34, $0x1  }
0x14e: {  	v62 =	vnsel vm0, $0x0, v36;
	v63 =	vnsel vm4, $0x0, v36;
	vm4 =	veq.s32 v34, $0x2  }
0x14f: {  	v37 =	vsel vm15, v35, v62;
	v42 =	vnsel vm4, $0x0, v36;
	v38 =	vsel vm13, v35, v63  }
0x150: {  	vm13 =	veq.s32 v34, $0x3;
	vm15 =	veq.s32 v34, $0x4;
	vm4 =	veq.s32 v34, $0x5;
	[tilespmem:v33+s7+$0x0] =	vst.idx.msk $0xffff, v37  }
0x151: {  	v43 =	vsel vm14, v35, v42;
	v44 =	vnsel vm13, $0x0, v36;
	v45 =	vnsel vm15, $0x0, v36;
	[tilespmem:v22+s7+$0x0] =	vst.idx.msk $0xffff, v38  }
0x152: {  	v46 =	vnsel vm4, $0x0, v36;
	vm13 =	veq.s32 v34, $0x7;
	v37 =	vsel vm12, v35, v44;
	[tilespmem:v32+s7+$0x0] =	vst.idx.msk $0xffff, v43  }
0x153: {  	v58 =	vld [tilespmem:$0x1FE60];
	vm14 =	veq.s32 v34, $0x8;
	v22 =	vsel vm11, v35, v45;
	vm12 =	veq.s32 v34, $0x6;
	[tilespmem:v31+s7+$0x0] =	vst.idx.msk $0xffff, v37  }
0x154: {  	vm15 =	veq.s32 v34, $0x9;
	v47 =	vnsel vm12, $0x0, v36;
	v32 =	vsel vm9, v35, v46;
	[tilespmem:v30+s7+$0x0] =	vst.idx.msk $0xffff, v22  }
0x155: {  	v59 =	vld [tilespmem:$0x1FE70];
	vm4 =	veq.s32 v34, $0xA;
	v49 =	vnsel vm13, $0x0, v36;
	v48 =	vsel vm10, v35, v47;
	[tilespmem:v29+s7+$0x0] =	vst.idx.msk $0xffff, v32  }
0x156: {  	v61 =	vld [tilespmem:$0x1FE80];
	v51 =	vnsel vm14, $0x0, v36;
	v52 =	vnsel vm15, $0x0, v36;
	v50 =	vsel vm8, v35, v49;
	[tilespmem:v28+s7+$0x0] =	vst.idx.msk $0xffff, v48  }
0x157: {  	v54 =	vnsel vm4, $0x0, v36;
	v53 =	vsel vm6, v35, v51;
	vm6 =	veq.s32 v34, $0xB;
	[tilespmem:v27+s7+$0x0] =	vst.idx.msk $0xffff, v50  }
0x158: {  	v55 =	vsel vm5, v35, v54;
	vm8 =	vnez.u8 v58;
	v22 =	vsel vm7, v35, v52;
	[tilespmem:v26+s7+$0x0] =	vst.idx.msk $0xffff, v53  }
0x159: {  	vm9 =	veq.s32 v34, $0xD;
	v56 =	vnsel vm6, $0x0, v36;
	vm7 =	veq.s32 v34, $0xC;
	[tilespmem:v25+s7+$0x0] =	vst.idx.msk $0xffff, v22  }
0x15a: {  	vm10 =	vnez.u8 v59;
	v57 =	vnsel vm7, $0x0, v36;
	v25 =	vsel vm8, v35, v56;
	[tilespmem:v23+s7+$0x0] =	vst.idx.msk $0xffff, v55  }
0x15b: {  	vm12 =	vnez.u8 v61;
	v60 =	vnsel vm9, $0x0, v36;
	v22 =	vsel vm10, v35, v57;
	[tilespmem:v20+s7+$0x0] =	vst.idx.msk $0xffff, v25  }
0x15c: {  	v63 =	vld [tilespmem:$0x1FE90];
	v20 =	vsel vm12, v35, v60;
	[tilespmem:v18+s7+$0x0] =	vst.idx.msk $0xffff, v22  }
0x15d: {  	[tilespmem:v19+s7+$0x0] =	vst.idx.msk $0xffff, v20;
	v19 =	vld [tilespmem:$0x1FEA0];
	_ =	sdelay $0x2  }
0x15e: {  	vm11 =	veq.s32 v34, $0xE  }
0x15f: {  	vm13 =	veq.s32 v34, $0xF;
	v62 =	vnsel vm11, $0x0, v36;
	vm14 =	vnez.u8 v63  }
0x160: {  	s8 =	sadd.s32 $0x1, s8;
	v18 =	vnsel vm13, $0x0, v36;
	v22 =	vsel vm14, v35, v62;
	vm15 =	vnez.u8 v19  }
0x161: {  	p0 =	sne.s32 s8, s5;
	[tilespmem:v21+s7+$0x0] =	vst.idx.msk $0xffff, v22;
	v18 =	vsel vm15, v35, v18  }
.Ltmp1:
0x162: {  	[tilespmem:v24+s7+$0x0] =	vst.idx.msk $0xffff, v18;
	(pc) =	sbr.rel @p0 .LBB2_1-.Ltmp1, $4  }
0x163: {  	[hbm4b:s4+s2] =	stream.linear.scatter [tilespmem:s7], [sflag:$0x1], $0x1000, $0x38;
	[tilespmem:$0x2000] =	vst v63  }
0x164: {  	_ =	swait.ge [sflag:s6], $0x1000  }
0x165: {  	[sflag:s6] =	ssyncset.done $0x0  }
0x166: {  	[sflag:s6] =	ssyncadd.s32 $0xFFFFF000  }
0x167: {  	_ =	sfence.sel $0x180000  }
0x168: {  	[bflag:$0x0] =	sbarrier.arrive $0xFFFF  }
0x169: {  	p0 =	sne.s32 s1, $0x0;
	_ =	strace $0x9000004A  }
0x16a: {  	s0 =	sadd.s32 @!p0 $0x100000, s0;
	[bflag:$0x2] =	sbarrier.arrive $0xFFFF  }
0x16b: {  	[sflag:s0] =	ssyncadd.tile.s32 @!p0 $0x1;
	_ =	shalt  }
.Lfunc_end2:
_tile_overlayer_lowered:
.L_overlay_start_2:
0x16c: {  	(tag) =	ssettag $0x2  }
0x16d: {  	s0 =	rddreg [dreg:$0x0];
	s2 =	stileid.u32  }
0x16e: {  	s1 =	rddreg [dreg:$0x1];
	p0 =	sne.s32 s2, $0x0  }
0x16f: {  	s3 =	rddreg [dreg:$0x2];
	[bflag:$0x3] =	sbarrier.arrive $0xFFFF;
	s2 =	simm.s32 @!p0 $0x1C01  }
0x170: {  	[timem:s3], [sflag:s2] =	dma.local @!p0 [hbm:s0], s1  }
0x171: {  	s0 =	simm.s32 @!p0 $0x1  }
0x172: {  	_ =	swait.ge @!p0 [sflag:s0], s1  }
0x173: {  	s1 =	ssub.s32 @!p0 $0x0, s1;
	[sflag:s0] =	ssyncset.done @!p0 $0x0  }
0x174: {  	[sflag:s0] =	ssyncadd.s32 @!p0 s1  }
0x175: {  	[bflag:$0x3] =	sbarrier.arrive $0xFFFF  }
0x176: {  	_ =	shalt  }

</sc_bundles>
